<compile_context>
chip_gen: v7x
topology: tpu7x:2x2x1
jax: 0.10.2.dev20260603
libtpu: 0.0.44.dev20260713+nightly
codegen_flags: <defaults>
</compile_context>

<pallas_src>
import jax
import jax.numpy as jnp
from jax import lax
from jax.experimental import pallas as pl
from jax.experimental.pallas import tpu as pltpu
from jax.experimental.pallas import tpu_sc as plsc

FRAME = 80
PMAX = 300
BATCH = 128
NF = 1000
NS = FRAME * NF
LANES = 16
NFP = 1024
NWORKERS = 32
RPW = BATCH // NWORKERS

HALO = 384
F0 = (0, 256, 512, 768)
NT = (256, 256, 256, 232)
NG = (16, 16, 16, 15)
SRC = (0, 80 * 256 - HALO, 80 * 512 - HALO, 80 * 768 - HALO)
LEN = (80 * 256, 80 * 512 - SRC[1], 80 * 768 - SRC[2], NS - SRC[3])
DST = (HALO, 0, 0, 0)
XBUF = HALO + LEN[1]


def _rsqrt(v):
    i = plsc.bitcast(v, jnp.int32)
    i = 0x5F3759DF - lax.shift_right_arithmetic(i, 1)
    y = plsc.bitcast(i, jnp.float32)
    for _ in range(3):
        y = y * (1.5 - 0.5 * v * y * y)
    return y


def _sc_body(x_hbm, per_hbm, out_hbm, xb0, xb1, pv, out_v, dv, ev, gv,
             sem0, sem1):
    cid = lax.axis_index("c")
    sid = lax.axis_index("s")
    wid = sid * 2 + cid
    iota = lax.iota(jnp.int32, LANES)
    xbufs = (xb0, xb1)
    sems = (sem0, sem1)
    zero = jnp.zeros((LANES,), jnp.float32)
    m15 = iota == (LANES - 1)

    pltpu.sync_copy(per_hbm.at[pl.ds(wid * RPW * NFP, RPW * NFP)], pv)

    def copy_refs(q, b):
        buf = xbufs[q % 2]
        return (x_hbm.at[b, 0, pl.ds(SRC[q], LEN[q])],
                buf.at[pl.ds(DST[q], LEN[q])])

    def start(q, b):
        src, dst = copy_refs(q, b)
        pltpu.async_copy(src, dst, sems[q % 2])

    def wait(q, b):
        src, dst = copy_refs(q, b)
        pltpu.make_async_copy(src, dst, sems[q % 2]).wait()

    def compute(q, r, b):
        buf = xbufs[q % 2]
        if q == 0:
            for z in range(HALO // LANES):
                buf[pl.ds(z * LANES, LANES)] = zero

        pbase = r * NFP + F0[q]

        @plsc.parallel_loop(0, NT[q], 1, unroll=4)
        def frame_body(f):
            p = pv[pl.ds(pbase + f, LANES)][0]
            fbase = f * FRAME + HALO
            lbase = fbase - p
            fv0 = buf[pl.ds(fbase, LANES)]
            fv1 = buf[pl.ds(fbase + 16, LANES)]
            fv2 = buf[pl.ds(fbase + 32, LANES)]
            fv3 = buf[pl.ds(fbase + 48, LANES)]
            fv4 = buf[pl.ds(fbase + 64, LANES)]
            lv0 = buf[pl.ds(lbase, LANES)]
            lv1 = buf[pl.ds(lbase + 16, LANES)]
            lv2 = buf[pl.ds(lbase + 32, LANES)]
            lv3 = buf[pl.ds(lbase + 48, LANES)]
            lv4 = buf[pl.ds(lbase + 64, LANES)]
            da = (fv0 * lv0 + fv1 * lv1) + (fv2 * lv2 + fv3 * lv3) + fv4 * lv4
            ea = (fv0 * fv0 + fv1 * fv1) + (fv2 * fv2 + fv3 * fv3) + fv4 * fv4
            ga = (lv0 * lv0 + lv1 * lv1) + (lv2 * lv2 + lv3 * lv3) + lv4 * lv4
            plsc.store_compressed(dv.at[pl.ds(f, LANES)], plsc.cumsum(da), mask=m15)
            plsc.store_compressed(ev.at[pl.ds(f, LANES)], plsc.cumsum(ea), mask=m15)
            plsc.store_compressed(gv.at[pl.ds(f, LANES)], plsc.cumsum(ga), mask=m15)

        @plsc.parallel_loop(0, NG[q], 1, unroll=2)
        def norm_body(g):
            dd = dv[pl.ds(g * LANES, LANES)]
            ff = ev[pl.ds(g * LANES, LANES)]
            ll = gv[pl.ds(g * LANES, LANES)]
            res = dd * _rsqrt(ff * ll + 1e-9)
            out_v[pl.ds(pbase + g * LANES, LANES)] = res

    def row(r, carry):
        b = wid * RPW + r
        bnext = wid * RPW + jnp.minimum(r + 1, RPW - 1)
        start(1, b)
        wait(0, b)
        compute(0, r, b)
        start(2, b)
        wait(1, b)
        compute(1, r, b)
        start(3, b)
        wait(2, b)
        compute(2, r, b)
        start(0, bnext)
        wait(3, b)
        compute(3, r, b)
        return carry

    start(0, wid * RPW)
    lax.fori_loop(0, RPW, row, 0)
    wait(0, wid * RPW + RPW - 1)

    pltpu.sync_copy(out_v, out_hbm.at[pl.ds(wid * RPW * NFP, RPW * NFP)])


@jax.jit
def kernel(x, periods):
    pp = jnp.pad(periods, ((0, 0), (0, NFP - NF))).reshape(-1)
    run = pl.kernel(
        _sc_body,
        out_type=jax.ShapeDtypeStruct((BATCH * NFP,), jnp.float32),
        mesh=plsc.VectorSubcoreMesh(core_axis_name="c", subcore_axis_name="s"),
        scratch_types=[
            pltpu.VMEM((XBUF,), jnp.float32),
            pltpu.VMEM((XBUF,), jnp.float32),
            pltpu.VMEM((RPW * NFP,), jnp.int32),
            pltpu.VMEM((RPW * NFP,), jnp.float32),
            pltpu.VMEM((288,), jnp.float32),
            pltpu.VMEM((288,), jnp.float32),
            pltpu.VMEM((288,), jnp.float32),
            pltpu.SemaphoreType.DMA,
            pltpu.SemaphoreType.DMA,
        ],
        compiler_params=pltpu.CompilerParams(needs_layout_passes=False),
    )
    out = run(x, pp)
    return out.reshape(BATCH, NFP)[:, :NF].reshape(BATCH, 1, NF, 1)

# --- scband reference (transcript-rebuilt; emitter-appended) ---
"""Pipeline reference for scband-pitch-auto-correlator-73229192397002 (READ-ONLY COPY).

The authoritative reference and input builder live on the scoring server;
editing this copy changes nothing except your own understanding.
"""

import jax, jax.numpy as jnp
import numpy as np

FRAME_SIZE = 80
PITCH_MAX = 300
RADIUS = 0
BATCH = 128
NUM_FRAMES = 1000
NUM_SAMPLES = FRAME_SIZE * NUM_FRAMES


def setup_inputs(seed: int = 0) -> dict:
    key = jax.random.key(seed)
    k1, k2 = jax.random.split(key)
    x = jax.random.normal(k1, (BATCH, 1, NUM_SAMPLES), dtype=jnp.float32)
    periods = jax.random.randint(k2, (BATCH, NUM_FRAMES), 0, 300, dtype=jnp.int32)
    return {"x": x, "periods": periods}


def reference(x, periods):
    frame_size = FRAME_SIZE
    pitch_max = PITCH_MAX
    radius = RADIUS
    batch_size, channels, num_samples = x.shape
    num_frames = periods.shape[1]
    rng = jnp.arange(-radius, radius + 1)
    idx = jnp.arange(frame_size * num_frames)
    p_up = jnp.repeat(periods, frame_size, axis=1)
    lookup = idx[None, :] + pitch_max - p_up
    lookup = lookup[:, :, None] + rng[None, None, :]
    x_pad = jnp.pad(x, ((0, 0), (0, 0), (pitch_max, 0)))
    x_select = jax.vmap(lambda xp, lk: jnp.take(xp, lk, axis=0))(x_pad[:, 0, :], lookup)
    x_select = x_select[:, None, :, :]
    x_frames = x_pad[..., pitch_max:].reshape(batch_size, channels, num_frames, frame_size, 1)
    lag_frames = x_select.reshape(batch_size, 1, num_frames, frame_size, -1)
    dotp = jnp.sum(x_frames * lag_frames, axis=-2)
    frame_nrg = jnp.sum(x_frames * x_frames, axis=-2)
    lag_frame_nrg = jnp.sum(lag_frames * lag_frames, axis=-2)
    acorr = dotp / jnp.sqrt(frame_nrg * lag_frame_nrg + 1e-9)
    return acorr

if __name__ == "__main__":
    import jax
    _d = setup_inputs()
    print(jax.jit(kernel)(*tuple(_d.values())))

</pallas_src>

<mosaic_0001>
#map = affine_map<(d0, d1) -> (0, 0, 0)>
#map1 = affine_map<(d0, d1) -> (0)>
module attributes {stable_mosaic.version = 14 : i64} {
  func.func @_sc_body(%arg0: i32, %arg1: i32, %arg2: memref<128x1x80000xf32, #tpu.memory_space<hbm>>, %arg3: memref<131072xi32, #tpu.memory_space<hbm>>, %arg4: memref<131072xf32, #tpu.memory_space<hbm>>, %arg5: memref<21248xf32, #tpu.memory_space<vmem>>, %arg6: memref<21248xf32, #tpu.memory_space<vmem>>, %arg7: memref<4096xi32, #tpu.memory_space<vmem>>, %arg8: memref<4096xf32, #tpu.memory_space<vmem>>, %arg9: memref<288xf32, #tpu.memory_space<vmem>>, %arg10: memref<288xf32, #tpu.memory_space<vmem>>, %arg11: memref<288xf32, #tpu.memory_space<vmem>>, %arg12: memref<!tpu.dma_semaphore, #tpu.memory_space<semaphore_mem>>, %arg13: memref<!tpu.dma_semaphore, #tpu.memory_space<semaphore_mem>>) attributes {dimension_semantics = [#tpu.dimension_semantics<core_parallel>, #tpu.dimension_semantics<subcore_parallel>], iteration_bounds = array<i64: 2, 16>, scalar_prefetch = 0 : i64, scratch_operands = 9 : i64, tpu.core_type = #tpu.core_type<sc_vector_subcore>, window_params = [{transform_indices = #map}, {transform_indices = #map1}, {transform_indices = #map1}]} {
    %mul3A = arith.constant 2 : i32
    %mul3A_0 = arith.muli %arg1, %mul3A : i32
    %add3A = arith.addi %mul3A_0, %arg0 : i32
    %iota3A = tpu.iota {dimensions = array<i32: 0>} : vector<16xi32>
    %broadcast_in_dim3A = arith.constant 0.000000e+00 : f32
    %broadcast_in_dim3A_1 = vector.broadcast %broadcast_in_dim3A : f32 to vector<16xf32>
    %eq3A = arith.constant 15 : i32
    %eq3A_2 = vector.broadcast %eq3A : i32 to vector<16xi32>
    %eq3A_3 = arith.cmpi eq, %iota3A, %eq3A_2 : vector<16xi32>
    %mul3A_4 = arith.constant 4 : i32
    %mul3A_5 = arith.muli %add3A, %mul3A_4 : i32
    %mul3A_6 = arith.constant 1024 : i32
    %mul3A_7 = arith.muli %mul3A_5, %mul3A_6 : i32
    "tpu.region"() ({
      %run_scoped3A = tpu.sem_alloc : memref<!tpu.dma_semaphore, #tpu.memory_space<semaphore_mem>>
      %dma_start3A_44 = tpu.memref_slice %arg3[%mul3A_7] : memref<131072xi32, #tpu.memory_space<hbm>> -> memref<4096xi32, #tpu.memory_space<hbm>>
      %dma_start3A_45 = tpu.memref_slice %arg3[%mul3A_7] : memref<131072xi32, #tpu.memory_space<hbm>> -> memref<4096xi32, #tpu.memory_space<hbm>>
      tpu.enqueue_dma source(%dma_start3A_45 : memref<4096xi32, #tpu.memory_space<hbm>>) target(%arg7 : memref<4096xi32, #tpu.memory_space<vmem>>) target_semaphore(%run_scoped3A : memref<!tpu.dma_semaphore, #tpu.memory_space<semaphore_mem>>)
      %dma_wait3A_46 = tpu.memref_slice %arg3[%mul3A_7] : memref<131072xi32, #tpu.memory_space<hbm>> -> memref<4096xi32, #tpu.memory_space<hbm>>
      %dma_wait3A_47 = tpu.memref_slice %arg3[%mul3A_7] : memref<131072xi32, #tpu.memory_space<hbm>> -> memref<4096xi32, #tpu.memory_space<hbm>>
      tpu.wait_dma2 semaphore(%run_scoped3A : memref<!tpu.dma_semaphore, #tpu.memory_space<semaphore_mem>>) src(%dma_wait3A_47 : memref<4096xi32, #tpu.memory_space<hbm>>) dst(%arg7 : memref<4096xi32, #tpu.memory_space<vmem>>)
      tpu.yield
    }) : () -> ()
    %mul3A_8 = arith.constant 4 : i32
    %mul3A_9 = arith.muli %add3A, %mul3A_8 : i32
    %dma_start3A = arith.constant 0 : i32
    %dma_start3A_10 = arith.constant 384 : i32
    %dma_start3A_11 = tpu.memref_slice %arg5[%dma_start3A_10] : memref<21248xf32, #tpu.memory_space<vmem>> -> memref<20480xf32, #tpu.memory_space<vmem>>
    %dma_start3A_12 = arith.constant 0 : i32
    %dma_start3A_13 = tpu.memref_slice %arg2[%mul3A_9, %dma_start3A, %dma_start3A_12] : memref<128x1x80000xf32, #tpu.memory_space<hbm>> -> memref<1x1x20480xf32, #tpu.memory_space<hbm>>
    %dma_start3A_14 = tpu.memref_squeeze %dma_start3A_13 : memref<1x1x20480xf32, #tpu.memory_space<hbm>> -> memref<20480xf32, #tpu.memory_space<hbm>>
    %dma_start3A_15 = arith.constant 384 : i32
    %dma_start3A_16 = tpu.memref_slice %arg5[%dma_start3A_15] : memref<21248xf32, #tpu.memory_space<vmem>> -> memref<20480xf32, #tpu.memory_space<vmem>>
    %dma_start3A_17 = arith.constant 0 : i32
    %dma_start3A_18 = tpu.memref_slice %arg2[%mul3A_9, %dma_start3A, %dma_start3A_17] : memref<128x1x80000xf32, #tpu.memory_space<hbm>> -> memref<1x1x20480xf32, #tpu.memory_space<hbm>>
    %dma_start3A_19 = tpu.memref_squeeze %dma_start3A_18 : memref<1x1x20480xf32, #tpu.memory_space<hbm>> -> memref<20480xf32, #tpu.memory_space<hbm>>
    tpu.enqueue_dma source(%dma_start3A_19 : memref<20480xf32, #tpu.memory_space<hbm>>) target(%dma_start3A_16 : memref<20480xf32, #tpu.memory_space<vmem>>) target_semaphore(%arg12 : memref<!tpu.dma_semaphore, #tpu.memory_space<semaphore_mem>>)
    %scan3A = arith.constant 0 : i32
    %scan3A_20 = arith.constant 0 : i32
    %scan3A_21 = arith.constant 4 : i32
    %scan3A_22 = arith.addi %scan3A_20, %scan3A_21 : i32
    %scan3A_23 = arith.constant 1 : i32
    scf.for %scan3A_44 = %scan3A_20 to %scan3A_22 step %scan3A_23  : i32 {
      %mul3A_45 = arith.constant 4 : i32
      %mul3A_46 = arith.muli %add3A, %mul3A_45 : i32
      %add3A_47 = arith.addi %mul3A_46, %scan3A_44 : i32
      %mul3A_48 = arith.constant 4 : i32
      %mul3A_49 = arith.muli %add3A, %mul3A_48 : i32
      %add3A_50 = arith.constant 1 : i32
      %add3A_51 = arith.addi %scan3A_44, %add3A_50 : i32
      %min3A = arith.constant 3 : i32
      %min3A_52 = arith.minsi %add3A_51, %min3A : i32
      %add3A_53 = arith.addi %mul3A_49, %min3A_52 : i32
      %dma_start3A_54 = arith.constant 0 : i32
      %dma_start3A_55 = arith.constant 0 : i32
      %dma_start3A_56 = tpu.memref_slice %arg6[%dma_start3A_55] : memref<21248xf32, #tpu.memory_space<vmem>> -> memref<20864xf32, #tpu.memory_space<vmem>>
      %dma_start3A_57 = arith.constant 20096 : i32
      %dma_start3A_58 = tpu.memref_slice %arg2[%add3A_47, %dma_start3A_54, %dma_start3A_57] : memref<128x1x80000xf32, #tpu.memory_space<hbm>> -> memref<1x1x20864xf32, #tpu.memory_space<hbm>>
      %dma_start3A_59 = tpu.memref_squeeze %dma_start3A_58 : memref<1x1x20864xf32, #tpu.memory_space<hbm>> -> memref<20864xf32, #tpu.memory_space<hbm>>
      %dma_start3A_60 = arith.constant 0 : i32
      %dma_start3A_61 = tpu.memref_slice %arg6[%dma_start3A_60] : memref<21248xf32, #tpu.memory_space<vmem>> -> memref<20864xf32, #tpu.memory_space<vmem>>
      %dma_start3A_62 = arith.constant 20096 : i32
      %dma_start3A_63 = tpu.memref_slice %arg2[%add3A_47, %dma_start3A_54, %dma_start3A_62] : memref<128x1x80000xf32, #tpu.memory_space<hbm>> -> memref<1x1x20864xf32, #tpu.memory_space<hbm>>
      %dma_start3A_64 = tpu.memref_squeeze %dma_start3A_63 : memref<1x1x20864xf32, #tpu.memory_space<hbm>> -> memref<20864xf32, #tpu.memory_space<hbm>>
      tpu.enqueue_dma source(%dma_start3A_64 : memref<20864xf32, #tpu.memory_space<hbm>>) target(%dma_start3A_61 : memref<20864xf32, #tpu.memory_space<vmem>>) target_semaphore(%arg13 : memref<!tpu.dma_semaphore, #tpu.memory_space<semaphore_mem>>)
      %dma_wait3A_65 = arith.constant 0 : i32
      %dma_wait3A_66 = arith.constant 384 : i32
      %dma_wait3A_67 = tpu.memref_slice %arg5[%dma_wait3A_66] : memref<21248xf32, #tpu.memory_space<vmem>> -> memref<20480xf32, #tpu.memory_space<vmem>>
      %dma_wait3A_68 = arith.constant 0 : i32
      %dma_wait3A_69 = tpu.memref_slice %arg2[%add3A_47, %dma_wait3A_65, %dma_wait3A_68] : memref<128x1x80000xf32, #tpu.memory_space<hbm>> -> memref<1x1x20480xf32, #tpu.memory_space<hbm>>
      %dma_wait3A_70 = tpu.memref_squeeze %dma_wait3A_69 : memref<1x1x20480xf32, #tpu.memory_space<hbm>> -> memref<20480xf32, #tpu.memory_space<hbm>>
      %dma_wait3A_71 = arith.constant 384 : i32
      %dma_wait3A_72 = tpu.memref_slice %arg5[%dma_wait3A_71] : memref<21248xf32, #tpu.memory_space<vmem>> -> memref<20480xf32, #tpu.memory_space<vmem>>
      %dma_wait3A_73 = arith.constant 0 : i32
      %dma_wait3A_74 = tpu.memref_slice %arg2[%add3A_47, %dma_wait3A_65, %dma_wait3A_73] : memref<128x1x80000xf32, #tpu.memory_space<hbm>> -> memref<1x1x20480xf32, #tpu.memory_space<hbm>>
      %dma_wait3A_75 = tpu.memref_squeeze %dma_wait3A_74 : memref<1x1x20480xf32, #tpu.memory_space<hbm>> -> memref<20480xf32, #tpu.memory_space<hbm>>
      tpu.wait_dma2 semaphore(%arg12 : memref<!tpu.dma_semaphore, #tpu.memory_space<semaphore_mem>>) src(%dma_wait3A_75 : memref<20480xf32, #tpu.memory_space<hbm>>) dst(%dma_wait3A_72 : memref<20480xf32, #tpu.memory_space<vmem>>)
      %swap3A = arith.constant 0 : index
      %swap3A_76 = tpu.vector_load %arg5[%swap3A] {strides = array<i32>} : memref<21248xf32, #tpu.memory_space<vmem>>, vector<16xf32>,
      tpu.vector_store %arg5[%swap3A], %broadcast_in_dim3A_1 {strides = array<i32>} : memref<21248xf32, #tpu.memory_space<vmem>>, vector<16xf32>,
      %swap3A_77 = arith.constant 16 : index
      %swap3A_78 = tpu.vector_load %arg5[%swap3A_77] {strides = array<i32>} : memref<21248xf32, #tpu.memory_space<vmem>>, vector<16xf32>,
      tpu.vector_store %arg5[%swap3A_77], %broadcast_in_dim3A_1 {strides = array<i32>} : memref<21248xf32, #tpu.memory_space<vmem>>, vector<16xf32>,
      %swap3A_79 = arith.constant 32 : index
      %swap3A_80 = tpu.vector_load %arg5[%swap3A_79] {strides = array<i32>} : memref<21248xf32, #tpu.memory_space<vmem>>, vector<16xf32>,
      tpu.vector_store %arg5[%swap3A_79], %broadcast_in_dim3A_1 {strides = array<i32>} : memref<21248xf32, #tpu.memory_space<vmem>>, vector<16xf32>,
      %swap3A_81 = arith.constant 48 : index
      %swap3A_82 = tpu.vector_load %arg5[%swap3A_81] {strides = array<i32>} : memref<21248xf32, #tpu.memory_space<vmem>>, vector<16xf32>,
      tpu.vector_store %arg5[%swap3A_81], %broadcast_in_dim3A_1 {strides = array<i32>} : memref<21248xf32, #tpu.memory_space<vmem>>, vector<16xf32>,
      %swap3A_83 = arith.constant 64 : index
      %swap3A_84 = tpu.vector_load %arg5[%swap3A_83] {strides = array<i32>} : memref<21248xf32, #tpu.memory_space<vmem>>, vector<16xf32>,
      tpu.vector_store %arg5[%swap3A_83], %broadcast_in_dim3A_1 {strides = array<i32>} : memref<21248xf32, #tpu.memory_space<vmem>>, vector<16xf32>,
      %swap3A_85 = arith.constant 80 : index
      %swap3A_86 = tpu.vector_load %arg5[%swap3A_85] {strides = array<i32>} : memref<21248xf32, #tpu.memory_space<vmem>>, vector<16xf32>,
      tpu.vector_store %arg5[%swap3A_85], %broadcast_in_dim3A_1 {strides = array<i32>} : memref<21248xf32, #tpu.memory_space<vmem>>, vector<16xf32>,
      %swap3A_87 = arith.constant 96 : index
      %swap3A_88 = tpu.vector_load %arg5[%swap3A_87] {strides = array<i32>} : memref<21248xf32, #tpu.memory_space<vmem>>, vector<16xf32>,
      tpu.vector_store %arg5[%swap3A_87], %broadcast_in_dim3A_1 {strides = array<i32>} : memref<21248xf32, #tpu.memory_space<vmem>>, vector<16xf32>,
      %swap3A_89 = arith.constant 112 : index
      %swap3A_90 = tpu.vector_load %arg5[%swap3A_89] {strides = array<i32>} : memref<21248xf32, #tpu.memory_space<vmem>>, vector<16xf32>,
      tpu.vector_store %arg5[%swap3A_89], %broadcast_in_dim3A_1 {strides = array<i32>} : memref<21248xf32, #tpu.memory_space<vmem>>, vector<16xf32>,
      %swap3A_91 = arith.constant 128 : index
      %swap3A_92 = tpu.vector_load %arg5[%swap3A_91] {strides = array<i32>} : memref<21248xf32, #tpu.memory_space<vmem>>, vector<16xf32>,
      tpu.vector_store %arg5[%swap3A_91], %broadcast_in_dim3A_1 {strides = array<i32>} : memref<21248xf32, #tpu.memory_space<vmem>>, vector<16xf32>,
      %swap3A_93 = arith.constant 144 : index
      %swap3A_94 = tpu.vector_load %arg5[%swap3A_93] {strides = array<i32>} : memref<21248xf32, #tpu.memory_space<vmem>>, vector<16xf32>,
      tpu.vector_store %arg5[%swap3A_93], %broadcast_in_dim3A_1 {strides = array<i32>} : memref<21248xf32, #tpu.memory_space<vmem>>, vector<16xf32>,
      %swap3A_95 = arith.constant 160 : index
      %swap3A_96 = tpu.vector_load %arg5[%swap3A_95] {strides = array<i32>} : memref<21248xf32, #tpu.memory_space<vmem>>, vector<16xf32>,
      tpu.vector_store %arg5[%swap3A_95], %broadcast_in_dim3A_1 {strides = array<i32>} : memref<21248xf32, #tpu.memory_space<vmem>>, vector<16xf32>,
      %swap3A_97 = arith.constant 176 : index
      %swap3A_98 = tpu.vector_load %arg5[%swap3A_97] {strides = array<i32>} : memref<21248xf32, #tpu.memory_space<vmem>>, vector<16xf32>,
      tpu.vector_store %arg5[%swap3A_97], %broadcast_in_dim3A_1 {strides = array<i32>} : memref<21248xf32, #tpu.memory_space<vmem>>, vector<16xf32>,
      %swap3A_99 = arith.constant 192 : index
      %swap3A_100 = tpu.vector_load %arg5[%swap3A_99] {strides = array<i32>} : memref<21248xf32, #tpu.memory_space<vmem>>, vector<16xf32>,
      tpu.vector_store %arg5[%swap3A_99], %broadcast_in_dim3A_1 {strides = array<i32>} : memref<21248xf32, #tpu.memory_space<vmem>>, vector<16xf32>,
      %swap3A_101 = arith.constant 208 : index
      %swap3A_102 = tpu.vector_load %arg5[%swap3A_101] {strides = array<i32>} : memref<21248xf32, #tpu.memory_space<vmem>>, vector<16xf32>,
      tpu.vector_store %arg5[%swap3A_101], %broadcast_in_dim3A_1 {strides = array<i32>} : memref<21248xf32, #tpu.memory_space<vmem>>, vector<16xf32>,
      %swap3A_103 = arith.constant 224 : index
      %swap3A_104 = tpu.vector_load %arg5[%swap3A_103] {strides = array<i32>} : memref<21248xf32, #tpu.memory_space<vmem>>, vector<16xf32>,
      tpu.vector_store %arg5[%swap3A_103], %broadcast_in_dim3A_1 {strides = array<i32>} : memref<21248xf32, #tpu.memory_space<vmem>>, vector<16xf32>,
      %swap3A_105 = arith.constant 240 : index
      %swap3A_106 = tpu.vector_load %arg5[%swap3A_105] {strides = array<i32>} : memref<21248xf32, #tpu.memory_space<vmem>>, vector<16xf32>,
      tpu.vector_store %arg5[%swap3A_105], %broadcast_in_dim3A_1 {strides = array<i32>} : memref<21248xf32, #tpu.memory_space<vmem>>, vector<16xf32>,
      %swap3A_107 = arith.constant 256 : index
      %swap3A_108 = tpu.vector_load %arg5[%swap3A_107] {strides = array<i32>} : memref<21248xf32, #tpu.memory_space<vmem>>, vector<16xf32>,
      tpu.vector_store %arg5[%swap3A_107], %broadcast_in_dim3A_1 {strides = array<i32>} : memref<21248xf32, #tpu.memory_space<vmem>>, vector<16xf32>,
      %swap3A_109 = arith.constant 272 : index
      %swap3A_110 = tpu.vector_load %arg5[%swap3A_109] {strides = array<i32>} : memref<21248xf32, #tpu.memory_space<vmem>>, vector<16xf32>,
      tpu.vector_store %arg5[%swap3A_109], %broadcast_in_dim3A_1 {strides = array<i32>} : memref<21248xf32, #tpu.memory_space<vmem>>, vector<16xf32>,
      %swap3A_111 = arith.constant 288 : index
      %swap3A_112 = tpu.vector_load %arg5[%swap3A_111] {strides = array<i32>} : memref<21248xf32, #tpu.memory_space<vmem>>, vector<16xf32>,
      tpu.vector_store %arg5[%swap3A_111], %broadcast_in_dim3A_1 {strides = array<i32>} : memref<21248xf32, #tpu.memory_space<vmem>>, vector<16xf32>,
      %swap3A_113 = arith.constant 304 : index
      %swap3A_114 = tpu.vector_load %arg5[%swap3A_113] {strides = array<i32>} : memref<21248xf32, #tpu.memory_space<vmem>>, vector<16xf32>,
      tpu.vector_store %arg5[%swap3A_113], %broadcast_in_dim3A_1 {strides = array<i32>} : memref<21248xf32, #tpu.memory_space<vmem>>, vector<16xf32>,
      %swap3A_115 = arith.constant 320 : index
      %swap3A_116 = tpu.vector_load %arg5[%swap3A_115] {strides = array<i32>} : memref<21248xf32, #tpu.memory_space<vmem>>, vector<16xf32>,
      tpu.vector_store %arg5[%swap3A_115], %broadcast_in_dim3A_1 {strides = array<i32>} : memref<21248xf32, #tpu.memory_space<vmem>>, vector<16xf32>,
      %swap3A_117 = arith.constant 336 : index
      %swap3A_118 = tpu.vector_load %arg5[%swap3A_117] {strides = array<i32>} : memref<21248xf32, #tpu.memory_space<vmem>>, vector<16xf32>,
      tpu.vector_store %arg5[%swap3A_117], %broadcast_in_dim3A_1 {strides = array<i32>} : memref<21248xf32, #tpu.memory_space<vmem>>, vector<16xf32>,
      %swap3A_119 = arith.constant 352 : index
      %swap3A_120 = tpu.vector_load %arg5[%swap3A_119] {strides = array<i32>} : memref<21248xf32, #tpu.memory_space<vmem>>, vector<16xf32>,
      tpu.vector_store %arg5[%swap3A_119], %broadcast_in_dim3A_1 {strides = array<i32>} : memref<21248xf32, #tpu.memory_space<vmem>>, vector<16xf32>,
      %swap3A_121 = arith.constant 368 : index
      %swap3A_122 = tpu.vector_load %arg5[%swap3A_121] {strides = array<i32>} : memref<21248xf32, #tpu.memory_space<vmem>>, vector<16xf32>,
      tpu.vector_store %arg5[%swap3A_121], %broadcast_in_dim3A_1 {strides = array<i32>} : memref<21248xf32, #tpu.memory_space<vmem>>, vector<16xf32>,
      %mul3A_123 = arith.constant 1024 : i32
      %mul3A_124 = arith.muli %scan3A_44, %mul3A_123 : i32
      %add3A_125 = arith.constant 0 : i32
      %add3A_126 = arith.addi %mul3A_124, %add3A_125 : i32
      %parallel_loop3A = arith.constant 0 : i32
      %parallel_loop3A_127 = arith.constant 256 : i32
      %parallel_loop3A_128 = arith.constant 1 : i32
      scf.for %parallel_loop3A_228 = %parallel_loop3A to %parallel_loop3A_127 step %parallel_loop3A_128  : i32 {
        %parallel_loop3A_229 = arith.addi %add3A_126, %parallel_loop3A_228 : i32
        %parallel_loop3A_230 = arith.index_cast %parallel_loop3A_229 : i32 to index
        %parallel_loop3A_231 = tpu.vector_load %arg7[%parallel_loop3A_230] {strides = array<i32>} : memref<4096xi32, #tpu.memory_space<vmem>>, vector<16xi32>,
        %parallel_loop3A_232 = vector.extract_strided_slice %parallel_loop3A_231 {offsets = [0], sizes = [1], strides = [1]} : vector<16xi32> to vector<1xi32>
        %parallel_loop3A_233 = vector.extract %parallel_loop3A_232[0] : i32 from vector<1xi32>
        %parallel_loop3A_234 = arith.constant 80 : i32
        %parallel_loop3A_235 = arith.muli %parallel_loop3A_228, %parallel_loop3A_234 : i32
        %parallel_loop3A_236 = arith.constant 384 : i32
        %parallel_loop3A_237 = arith.addi %parallel_loop3A_235, %parallel_loop3A_236 : i32
        %parallel_loop3A_238 = arith.subi %parallel_loop3A_237, %parallel_loop3A_233 : i32
        %parallel_loop3A_239 = arith.index_cast %parallel_loop3A_237 : i32 to index
        %parallel_loop3A_240 = tpu.vector_load %arg5[%parallel_loop3A_239] {strides = array<i32>} : memref<21248xf32, #tpu.memory_space<vmem>>, vector<16xf32>,
        %parallel_loop3A_241 = arith.constant 16 : i32
        %parallel_loop3A_242 = arith.addi %parallel_loop3A_237, %parallel_loop3A_241 : i32
        %parallel_loop3A_243 = arith.index_cast %parallel_loop3A_242 : i32 to index
        %parallel_loop3A_244 = tpu.vector_load %arg5[%parallel_loop3A_243] {strides = array<i32>} : memref<21248xf32, #tpu.memory_space<vmem>>, vector<16xf32>,
        %parallel_loop3A_245 = arith.constant 32 : i32
        %parallel_loop3A_246 = arith.addi %parallel_loop3A_237, %parallel_loop3A_245 : i32
        %parallel_loop3A_247 = arith.index_cast %parallel_loop3A_246 : i32 to index
        %parallel_loop3A_248 = tpu.vector_load %arg5[%parallel_loop3A_247] {strides = array<i32>} : memref<21248xf32, #tpu.memory_space<vmem>>, vector<16xf32>,
        %parallel_loop3A_249 = arith.constant 48 : i32
        %parallel_loop3A_250 = arith.addi %parallel_loop3A_237, %parallel_loop3A_249 : i32
        %parallel_loop3A_251 = arith.index_cast %parallel_loop3A_250 : i32 to index
        %parallel_loop3A_252 = tpu.vector_load %arg5[%parallel_loop3A_251] {strides = array<i32>} : memref<21248xf32, #tpu.memory_space<vmem>>, vector<16xf32>,
        %parallel_loop3A_253 = arith.constant 64 : i32
        %parallel_loop3A_254 = arith.addi %parallel_loop3A_237, %parallel_loop3A_253 : i32
        %parallel_loop3A_255 = arith.index_cast %parallel_loop3A_254 : i32 to index
        %parallel_loop3A_256 = tpu.vector_load %arg5[%parallel_loop3A_255] {strides = array<i32>} : memref<21248xf32, #tpu.memory_space<vmem>>, vector<16xf32>,
        %parallel_loop3A_257 = arith.index_cast %parallel_loop3A_238 : i32 to index
        %parallel_loop3A_258 = tpu.vector_load %arg5[%parallel_loop3A_257] {strides = array<i32>} : memref<21248xf32, #tpu.memory_space<vmem>>, vector<16xf32>,
        %parallel_loop3A_259 = arith.constant 16 : i32
        %parallel_loop3A_260 = arith.addi %parallel_loop3A_238, %parallel_loop3A_259 : i32
        %parallel_loop3A_261 = arith.index_cast %parallel_loop3A_260 : i32 to index
        %parallel_loop3A_262 = tpu.vector_load %arg5[%parallel_loop3A_261] {strides = array<i32>} : memref<21248xf32, #tpu.memory_space<vmem>>, vector<16xf32>,
        %parallel_loop3A_263 = arith.constant 32 : i32
        %parallel_loop3A_264 = arith.addi %parallel_loop3A_238, %parallel_loop3A_263 : i32
        %parallel_loop3A_265 = arith.index_cast %parallel_loop3A_264 : i32 to index
        %parallel_loop3A_266 = tpu.vector_load %arg5[%parallel_loop3A_265] {strides = array<i32>} : memref<21248xf32, #tpu.memory_space<vmem>>, vector<16xf32>,
        %parallel_loop3A_267 = arith.constant 48 : i32
        %parallel_loop3A_268 = arith.addi %parallel_loop3A_238, %parallel_loop3A_267 : i32
        %parallel_loop3A_269 = arith.index_cast %parallel_loop3A_268 : i32 to index
        %parallel_loop3A_270 = tpu.vector_load %arg5[%parallel_loop3A_269] {strides = array<i32>} : memref<21248xf32, #tpu.memory_space<vmem>>, vector<16xf32>,
        %parallel_loop3A_271 = arith.constant 64 : i32
        %parallel_loop3A_272 = arith.addi %parallel_loop3A_238, %parallel_loop3A_271 : i32
        %parallel_loop3A_273 = arith.index_cast %parallel_loop3A_272 : i32 to index
        %parallel_loop3A_274 = tpu.vector_load %arg5[%parallel_loop3A_273] {strides = array<i32>} : memref<21248xf32, #tpu.memory_space<vmem>>, vector<16xf32>,
        %parallel_loop3A_275 = arith.mulf %parallel_loop3A_240, %parallel_loop3A_258 : vector<16xf32>
        %parallel_loop3A_276 = arith.mulf %parallel_loop3A_244, %parallel_loop3A_262 : vector<16xf32>
        %parallel_loop3A_277 = arith.addf %parallel_loop3A_275, %parallel_loop3A_276 : vector<16xf32>
        %parallel_loop3A_278 = arith.mulf %parallel_loop3A_248, %parallel_loop3A_266 : vector<16xf32>
        %parallel_loop3A_279 = arith.mulf %parallel_loop3A_252, %parallel_loop3A_270 : vector<16xf32>
        %parallel_loop3A_280 = arith.addf %parallel_loop3A_278, %parallel_loop3A_279 : vector<16xf32>
        %parallel_loop3A_281 = arith.addf %parallel_loop3A_277, %parallel_loop3A_280 : vector<16xf32>
        %parallel_loop3A_282 = arith.mulf %parallel_loop3A_256, %parallel_loop3A_274 : vector<16xf32>
        %parallel_loop3A_283 = arith.addf %parallel_loop3A_281, %parallel_loop3A_282 : vector<16xf32>
        %parallel_loop3A_284 = arith.mulf %parallel_loop3A_240, %parallel_loop3A_240 : vector<16xf32>
        %parallel_loop3A_285 = arith.mulf %parallel_loop3A_244, %parallel_loop3A_244 : vector<16xf32>
        %parallel_loop3A_286 = arith.addf %parallel_loop3A_284, %parallel_loop3A_285 : vector<16xf32>
        %parallel_loop3A_287 = arith.mulf %parallel_loop3A_248, %parallel_loop3A_248 : vector<16xf32>
        %parallel_loop3A_288 = arith.mulf %parallel_loop3A_252, %parallel_loop3A_252 : vector<16xf32>
        %parallel_loop3A_289 = arith.addf %parallel_loop3A_287, %parallel_loop3A_288 : vector<16xf32>
        %parallel_loop3A_290 = arith.addf %parallel_loop3A_286, %parallel_loop3A_289 : vector<16xf32>
        %parallel_loop3A_291 = arith.mulf %parallel_loop3A_256, %parallel_loop3A_256 : vector<16xf32>
        %parallel_loop3A_292 = arith.addf %parallel_loop3A_290, %parallel_loop3A_291 : vector<16xf32>
        %parallel_loop3A_293 = arith.mulf %parallel_loop3A_258, %parallel_loop3A_258 : vector<16xf32>
        %parallel_loop3A_294 = arith.mulf %parallel_loop3A_262, %parallel_loop3A_262 : vector<16xf32>
        %parallel_loop3A_295 = arith.addf %parallel_loop3A_293, %parallel_loop3A_294 : vector<16xf32>
        %parallel_loop3A_296 = arith.mulf %parallel_loop3A_266, %parallel_loop3A_266 : vector<16xf32>
        %parallel_loop3A_297 = arith.mulf %parallel_loop3A_270, %parallel_loop3A_270 : vector<16xf32>
        %parallel_loop3A_298 = arith.addf %parallel_loop3A_296, %parallel_loop3A_297 : vector<16xf32>
        %parallel_loop3A_299 = arith.addf %parallel_loop3A_295, %parallel_loop3A_298 : vector<16xf32>
        %parallel_loop3A_300 = arith.mulf %parallel_loop3A_274, %parallel_loop3A_274 : vector<16xf32>
        %parallel_loop3A_301 = arith.addf %parallel_loop3A_299, %parallel_loop3A_300 : vector<16xf32>
        %parallel_loop3A_302 = arith.constant true
        %parallel_loop3A_303 = vector.broadcast %parallel_loop3A_302 : i1 to vector<16xi1>
        %parallel_loop3A_304 = tpu.scan <sum>, %parallel_loop3A_283 masked %parallel_loop3A_303 : vector<16xf32>, vector<16xi1> -> vector<16xf32>
        %parallel_loop3A_305 = arith.index_cast %parallel_loop3A_228 : i32 to index
        %parallel_loop3A_306 = tpu.vector_load %arg9[%parallel_loop3A_305] masked %eq3A_3 {strides = array<i32>} : memref<288xf32, #tpu.memory_space<vmem>>, vector<16xf32>, vector<16xi1>
        tpu.vector_store %arg9[%parallel_loop3A_305], %parallel_loop3A_304 masked %eq3A_3 {strides = array<i32>} : memref<288xf32, #tpu.memory_space<vmem>>, vector<16xf32>, vector<16xi1>
        %parallel_loop3A_307 = arith.constant true
        %parallel_loop3A_308 = vector.broadcast %parallel_loop3A_307 : i1 to vector<16xi1>
        %parallel_loop3A_309 = tpu.scan <sum>, %parallel_loop3A_292 masked %parallel_loop3A_308 : vector<16xf32>, vector<16xi1> -> vector<16xf32>
        %parallel_loop3A_310 = arith.index_cast %parallel_loop3A_228 : i32 to index
        %parallel_loop3A_311 = tpu.vector_load %arg10[%parallel_loop3A_310] masked %eq3A_3 {strides = array<i32>} : memref<288xf32, #tpu.memory_space<vmem>>, vector<16xf32>, vector<16xi1>
        tpu.vector_store %arg10[%parallel_loop3A_310], %parallel_loop3A_309 masked %eq3A_3 {strides = array<i32>} : memref<288xf32, #tpu.memory_space<vmem>>, vector<16xf32>, vector<16xi1>
        %parallel_loop3A_312 = arith.constant true
        %parallel_loop3A_313 = vector.broadcast %parallel_loop3A_312 : i1 to vector<16xi1>
        %parallel_loop3A_314 = tpu.scan <sum>, %parallel_loop3A_301 masked %parallel_loop3A_313 : vector<16xf32>, vector<16xi1> -> vector<16xf32>
        %parallel_loop3A_315 = arith.index_cast %parallel_loop3A_228 : i32 to index
        %parallel_loop3A_316 = tpu.vector_load %arg11[%parallel_loop3A_315] masked %eq3A_3 {strides = array<i32>} : memref<288xf32, #tpu.memory_space<vmem>>, vector<16xf32>, vector<16xi1>
        tpu.vector_store %arg11[%parallel_loop3A_315], %parallel_loop3A_314 masked %eq3A_3 {strides = array<i32>} : memref<288xf32, #tpu.memory_space<vmem>>, vector<16xf32>, vector<16xi1>
      } {sc.loop_unroll_factor = 4 : i64, sc.parallel_access}
      %parallel_loop3A_129 = arith.constant 0 : i32
      %parallel_loop3A_130 = arith.constant 16 : i32
      %parallel_loop3A_131 = arith.constant 1 : i32
      scf.for %parallel_loop3A_228 = %parallel_loop3A_129 to %parallel_loop3A_130 step %parallel_loop3A_131  : i32 {
        %parallel_loop3A_229 = arith.constant 16 : i32
        %parallel_loop3A_230 = arith.muli %parallel_loop3A_228, %parallel_loop3A_229 : i32
        %parallel_loop3A_231 = arith.index_cast %parallel_loop3A_230 : i32 to index
        %parallel_loop3A_232 = tpu.vector_load %arg9[%parallel_loop3A_231] {strides = array<i32>} : memref<288xf32, #tpu.memory_space<vmem>>, vector<16xf32>,
        %parallel_loop3A_233 = arith.constant 16 : i32
        %parallel_loop3A_234 = arith.muli %parallel_loop3A_228, %parallel_loop3A_233 : i32
        %parallel_loop3A_235 = arith.index_cast %parallel_loop3A_234 : i32 to index
        %parallel_loop3A_236 = tpu.vector_load %arg10[%parallel_loop3A_235] {strides = array<i32>} : memref<288xf32, #tpu.memory_space<vmem>>, vector<16xf32>,
        %parallel_loop3A_237 = arith.constant 16 : i32
        %parallel_loop3A_238 = arith.muli %parallel_loop3A_228, %parallel_loop3A_237 : i32
        %parallel_loop3A_239 = arith.index_cast %parallel_loop3A_238 : i32 to index
        %parallel_loop3A_240 = tpu.vector_load %arg11[%parallel_loop3A_239] {strides = array<i32>} : memref<288xf32, #tpu.memory_space<vmem>>, vector<16xf32>,
        %parallel_loop3A_241 = arith.mulf %parallel_loop3A_236, %parallel_loop3A_240 : vector<16xf32>
        %parallel_loop3A_242 = arith.constant 9.99999971E-10 : f32
        %parallel_loop3A_243 = vector.broadcast %parallel_loop3A_242 : f32 to vector<16xf32>
        %parallel_loop3A_244 = arith.addf %parallel_loop3A_241, %parallel_loop3A_243 : vector<16xf32>
        %parallel_loop3A_245 = vector.bitcast %parallel_loop3A_244 : vector<16xf32> to vector<16xi32>
        %parallel_loop3A_246 = arith.constant 1 : i32
        %parallel_loop3A_247 = vector.broadcast %parallel_loop3A_246 : i32 to vector<16xi32>
        %parallel_loop3A_248 = arith.shrsi %parallel_loop3A_245, %parallel_loop3A_247 : vector<16xi32>
        %parallel_loop3A_249 = arith.constant 1597463007 : i32
        %parallel_loop3A_250 = vector.broadcast %parallel_loop3A_249 : i32 to vector<16xi32>
        %parallel_loop3A_251 = arith.subi %parallel_loop3A_250, %parallel_loop3A_248 : vector<16xi32>
        %parallel_loop3A_252 = vector.bitcast %parallel_loop3A_251 : vector<16xi32> to vector<16xf32>
        %parallel_loop3A_253 = arith.constant 5.000000e-01 : f32
        %parallel_loop3A_254 = vector.broadcast %parallel_loop3A_253 : f32 to vector<16xf32>
        %parallel_loop3A_255 = arith.mulf %parallel_loop3A_254, %parallel_loop3A_244 : vector<16xf32>
        %parallel_loop3A_256 = arith.mulf %parallel_loop3A_255, %parallel_loop3A_252 : vector<16xf32>
        %parallel_loop3A_257 = arith.mulf %parallel_loop3A_256, %parallel_loop3A_252 : vector<16xf32>
        %parallel_loop3A_258 = arith.constant 1.500000e+00 : f32
        %parallel_loop3A_259 = vector.broadcast %parallel_loop3A_258 : f32 to vector<16xf32>
        %parallel_loop3A_260 = arith.subf %parallel_loop3A_259, %parallel_loop3A_257 : vector<16xf32>
        %parallel_loop3A_261 = arith.mulf %parallel_loop3A_252, %parallel_loop3A_260 : vector<16xf32>
        %parallel_loop3A_262 = arith.constant 5.000000e-01 : f32
        %parallel_loop3A_263 = vector.broadcast %parallel_loop3A_262 : f32 to vector<16xf32>
        %parallel_loop3A_264 = arith.mulf %parallel_loop3A_263, %parallel_loop3A_244 : vector<16xf32>
        %parallel_loop3A_265 = arith.mulf %parallel_loop3A_264, %parallel_loop3A_261 : vector<16xf32>
        %parallel_loop3A_266 = arith.mulf %parallel_loop3A_265, %parallel_loop3A_261 : vector<16xf32>
        %parallel_loop3A_267 = arith.constant 1.500000e+00 : f32
        %parallel_loop3A_268 = vector.broadcast %parallel_loop3A_267 : f32 to vector<16xf32>
        %parallel_loop3A_269 = arith.subf %parallel_loop3A_268, %parallel_loop3A_266 : vector<16xf32>
        %parallel_loop3A_270 = arith.mulf %parallel_loop3A_261, %parallel_loop3A_269 : vector<16xf32>
        %parallel_loop3A_271 = arith.constant 5.000000e-01 : f32
        %parallel_loop3A_272 = vector.broadcast %parallel_loop3A_271 : f32 to vector<16xf32>
        %parallel_loop3A_273 = arith.mulf %parallel_loop3A_272, %parallel_loop3A_244 : vector<16xf32>
        %parallel_loop3A_274 = arith.mulf %parallel_loop3A_273, %parallel_loop3A_270 : vector<16xf32>
        %parallel_loop3A_275 = arith.mulf %parallel_loop3A_274, %parallel_loop3A_270 : vector<16xf32>
        %parallel_loop3A_276 = arith.constant 1.500000e+00 : f32
        %parallel_loop3A_277 = vector.broadcast %parallel_loop3A_276 : f32 to vector<16xf32>
        %parallel_loop3A_278 = arith.subf %parallel_loop3A_277, %parallel_loop3A_275 : vector<16xf32>
        %parallel_loop3A_279 = arith.mulf %parallel_loop3A_270, %parallel_loop3A_278 : vector<16xf32>
        %parallel_loop3A_280 = arith.mulf %parallel_loop3A_232, %parallel_loop3A_279 : vector<16xf32>
        %parallel_loop3A_281 = arith.constant 16 : i32
        %parallel_loop3A_282 = arith.muli %parallel_loop3A_228, %parallel_loop3A_281 : i32
        %parallel_loop3A_283 = arith.addi %add3A_126, %parallel_loop3A_282 : i32
        %parallel_loop3A_284 = arith.index_cast %parallel_loop3A_283 : i32 to index
        %parallel_loop3A_285 = tpu.vector_load %arg8[%parallel_loop3A_284] {strides = array<i32>} : memref<4096xf32, #tpu.memory_space<vmem>>, vector<16xf32>,
        tpu.vector_store %arg8[%parallel_loop3A_284], %parallel_loop3A_280 {strides = array<i32>} : memref<4096xf32, #tpu.memory_space<vmem>>, vector<16xf32>,
      } {sc.loop_unroll_factor = 2 : i64, sc.parallel_access}
      %dma_start3A_132 = arith.constant 0 : i32
      %dma_start3A_133 = arith.constant 0 : i32
      %dma_start3A_134 = tpu.memref_slice %arg5[%dma_start3A_133] : memref<21248xf32, #tpu.memory_space<vmem>> -> memref<20864xf32, #tpu.memory_space<vmem>>
      %dma_start3A_135 = arith.constant 40576 : i32
      %dma_start3A_136 = tpu.memref_slice %arg2[%add3A_47, %dma_start3A_132, %dma_start3A_135] : memref<128x1x80000xf32, #tpu.memory_space<hbm>> -> memref<1x1x20864xf32, #tpu.memory_space<hbm>>
      %dma_start3A_137 = tpu.memref_squeeze %dma_start3A_136 : memref<1x1x20864xf32, #tpu.memory_space<hbm>> -> memref<20864xf32, #tpu.memory_space<hbm>>
      %dma_start3A_138 = arith.constant 0 : i32
      %dma_start3A_139 = tpu.memref_slice %arg5[%dma_start3A_138] : memref<21248xf32, #tpu.memory_space<vmem>> -> memref<20864xf32, #tpu.memory_space<vmem>>
      %dma_start3A_140 = arith.constant 40576 : i32
      %dma_start3A_141 = tpu.memref_slice %arg2[%add3A_47, %dma_start3A_132, %dma_start3A_140] : memref<128x1x80000xf32, #tpu.memory_space<hbm>> -> memref<1x1x20864xf32, #tpu.memory_space<hbm>>
      %dma_start3A_142 = tpu.memref_squeeze %dma_start3A_141 : memref<1x1x20864xf32, #tpu.memory_space<hbm>> -> memref<20864xf32, #tpu.memory_space<hbm>>
      tpu.enqueue_dma source(%dma_start3A_142 : memref<20864xf32, #tpu.memory_space<hbm>>) target(%dma_start3A_139 : memref<20864xf32, #tpu.memory_space<vmem>>) target_semaphore(%arg12 : memref<!tpu.dma_semaphore, #tpu.memory_space<semaphore_mem>>)
      %dma_wait3A_143 = arith.constant 0 : i32
      %dma_wait3A_144 = arith.constant 0 : i32
      %dma_wait3A_145 = tpu.memref_slice %arg6[%dma_wait3A_144] : memref<21248xf32, #tpu.memory_space<vmem>> -> memref<20864xf32, #tpu.memory_space<vmem>>
      %dma_wait3A_146 = arith.constant 20096 : i32
      %dma_wait3A_147 = tpu.memref_slice %arg2[%add3A_47, %dma_wait3A_143, %dma_wait3A_146] : memref<128x1x80000xf32, #tpu.memory_space<hbm>> -> memref<1x1x20864xf32, #tpu.memory_space<hbm>>
      %dma_wait3A_148 = tpu.memref_squeeze %dma_wait3A_147 : memref<1x1x20864xf32, #tpu.memory_space<hbm>> -> memref<20864xf32, #tpu.memory_space<hbm>>
      %dma_wait3A_149 = arith.constant 0 : i32
      %dma_wait3A_150 = tpu.memref_slice %arg6[%dma_wait3A_149] : memref<21248xf32, #tpu.memory_space<vmem>> -> memref<20864xf32, #tpu.memory_space<vmem>>
      %dma_wait3A_151 = arith.constant 20096 : i32
      %dma_wait3A_152 = tpu.memref_slice %arg2[%add3A_47, %dma_wait3A_143, %dma_wait3A_151] : memref<128x1x80000xf32, #tpu.memory_space<hbm>> -> memref<1x1x20864xf32, #tpu.memory_space<hbm>>
      %dma_wait3A_153 = tpu.memref_squeeze %dma_wait3A_152 : memref<1x1x20864xf32, #tpu.memory_space<hbm>> -> memref<20864xf32, #tpu.memory_space<hbm>>
      tpu.wait_dma2 semaphore(%arg13 : memref<!tpu.dma_semaphore, #tpu.memory_space<semaphore_mem>>) src(%dma_wait3A_153 : memref<20864xf32, #tpu.memory_space<hbm>>) dst(%dma_wait3A_150 : memref<20864xf32, #tpu.memory_space<vmem>>)
      %mul3A_154 = arith.constant 1024 : i32
      %mul3A_155 = arith.muli %scan3A_44, %mul3A_154 : i32
      %add3A_156 = arith.constant 256 : i32
      %add3A_157 = arith.addi %mul3A_155, %add3A_156 : i32
      %parallel_loop3A_158 = arith.constant 0 : i32
      %parallel_loop3A_159 = arith.constant 256 : i32
      %parallel_loop3A_160 = arith.constant 1 : i32
      scf.for %parallel_loop3A_228 = %parallel_loop3A_158 to %parallel_loop3A_159 step %parallel_loop3A_160  : i32 {
        %parallel_loop3A_229 = arith.addi %add3A_157, %parallel_loop3A_228 : i32
        %parallel_loop3A_230 = arith.index_cast %parallel_loop3A_229 : i32 to index
        %parallel_loop3A_231 = tpu.vector_load %arg7[%parallel_loop3A_230] {strides = array<i32>} : memref<4096xi32, #tpu.memory_space<vmem>>, vector<16xi32>,
        %parallel_loop3A_232 = vector.extract_strided_slice %parallel_loop3A_231 {offsets = [0], sizes = [1], strides = [1]} : vector<16xi32> to vector<1xi32>
        %parallel_loop3A_233 = vector.extract %parallel_loop3A_232[0] : i32 from vector<1xi32>
        %parallel_loop3A_234 = arith.constant 80 : i32
        %parallel_loop3A_235 = arith.muli %parallel_loop3A_228, %parallel_loop3A_234 : i32
        %parallel_loop3A_236 = arith.constant 384 : i32
        %parallel_loop3A_237 = arith.addi %parallel_loop3A_235, %parallel_loop3A_236 : i32
        %parallel_loop3A_238 = arith.subi %parallel_loop3A_237, %parallel_loop3A_233 : i32
        %parallel_loop3A_239 = arith.index_cast %parallel_loop3A_237 : i32 to index
        %parallel_loop3A_240 = tpu.vector_load %arg6[%parallel_loop3A_239] {strides = array<i32>} : memref<21248xf32, #tpu.memory_space<vmem>>, vector<16xf32>,
        %parallel_loop3A_241 = arith.constant 16 : i32
        %parallel_loop3A_242 = arith.addi %parallel_loop3A_237, %parallel_loop3A_241 : i32
        %parallel_loop3A_243 = arith.index_cast %parallel_loop3A_242 : i32 to index
        %parallel_loop3A_244 = tpu.vector_load %arg6[%parallel_loop3A_243] {strides = array<i32>} : memref<21248xf32, #tpu.memory_space<vmem>>, vector<16xf32>,
        %parallel_loop3A_245 = arith.constant 32 : i32
        %parallel_loop3A_246 = arith.addi %parallel_loop3A_237, %parallel_loop3A_245 : i32
        %parallel_loop3A_247 = arith.index_cast %parallel_loop3A_246 : i32 to index
        %parallel_loop3A_248 = tpu.vector_load %arg6[%parallel_loop3A_247] {strides = array<i32>} : memref<21248xf32, #tpu.memory_space<vmem>>, vector<16xf32>,
        %parallel_loop3A_249 = arith.constant 48 : i32
        %parallel_loop3A_250 = arith.addi %parallel_loop3A_237, %parallel_loop3A_249 : i32
        %parallel_loop3A_251 = arith.index_cast %parallel_loop3A_250 : i32 to index
        %parallel_loop3A_252 = tpu.vector_load %arg6[%parallel_loop3A_251] {strides = array<i32>} : memref<21248xf32, #tpu.memory_space<vmem>>, vector<16xf32>,
        %parallel_loop3A_253 = arith.constant 64 : i32
        %parallel_loop3A_254 = arith.addi %parallel_loop3A_237, %parallel_loop3A_253 : i32
        %parallel_loop3A_255 = arith.index_cast %parallel_loop3A_254 : i32 to index
        %parallel_loop3A_256 = tpu.vector_load %arg6[%parallel_loop3A_255] {strides = array<i32>} : memref<21248xf32, #tpu.memory_space<vmem>>, vector<16xf32>,
        %parallel_loop3A_257 = arith.index_cast %parallel_loop3A_238 : i32 to index
        %parallel_loop3A_258 = tpu.vector_load %arg6[%parallel_loop3A_257] {strides = array<i32>} : memref<21248xf32, #tpu.memory_space<vmem>>, vector<16xf32>,
        %parallel_loop3A_259 = arith.constant 16 : i32
        %parallel_loop3A_260 = arith.addi %parallel_loop3A_238, %parallel_loop3A_259 : i32
        %parallel_loop3A_261 = arith.index_cast %parallel_loop3A_260 : i32 to index
        %parallel_loop3A_262 = tpu.vector_load %arg6[%parallel_loop3A_261] {strides = array<i32>} : memref<21248xf32, #tpu.memory_space<vmem>>, vector<16xf32>,
        %parallel_loop3A_263 = arith.constant 32 : i32
        %parallel_loop3A_264 = arith.addi %parallel_loop3A_238, %parallel_loop3A_263 : i32
        %parallel_loop3A_265 = arith.index_cast %parallel_loop3A_264 : i32 to index
        %parallel_loop3A_266 = tpu.vector_load %arg6[%parallel_loop3A_265] {strides = array<i32>} : memref<21248xf32, #tpu.memory_space<vmem>>, vector<16xf32>,
        %parallel_loop3A_267 = arith.constant 48 : i32
        %parallel_loop3A_268 = arith.addi %parallel_loop3A_238, %parallel_loop3A_267 : i32
        %parallel_loop3A_269 = arith.index_cast %parallel_loop3A_268 : i32 to index
        %parallel_loop3A_270 = tpu.vector_load %arg6[%parallel_loop3A_269] {strides = array<i32>} : memref<21248xf32, #tpu.memory_space<vmem>>, vector<16xf32>,
        %parallel_loop3A_271 = arith.constant 64 : i32
        %parallel_loop3A_272 = arith.addi %parallel_loop3A_238, %parallel_loop3A_271 : i32
        %parallel_loop3A_273 = arith.index_cast %parallel_loop3A_272 : i32 to index
        %parallel_loop3A_274 = tpu.vector_load %arg6[%parallel_loop3A_273] {strides = array<i32>} : memref<21248xf32, #tpu.memory_space<vmem>>, vector<16xf32>,
        %parallel_loop3A_275 = arith.mulf %parallel_loop3A_240, %parallel_loop3A_258 : vector<16xf32>
        %parallel_loop3A_276 = arith.mulf %parallel_loop3A_244, %parallel_loop3A_262 : vector<16xf32>
        %parallel_loop3A_277 = arith.addf %parallel_loop3A_275, %parallel_loop3A_276 : vector<16xf32>
        %parallel_loop3A_278 = arith.mulf %parallel_loop3A_248, %parallel_loop3A_266 : vector<16xf32>
        %parallel_loop3A_279 = arith.mulf %parallel_loop3A_252, %parallel_loop3A_270 : vector<16xf32>
        %parallel_loop3A_280 = arith.addf %parallel_loop3A_278, %parallel_loop3A_279 : vector<16xf32>
        %parallel_loop3A_281 = arith.addf %parallel_loop3A_277, %parallel_loop3A_280 : vector<16xf32>
        %parallel_loop3A_282 = arith.mulf %parallel_loop3A_256, %parallel_loop3A_274 : vector<16xf32>
        %parallel_loop3A_283 = arith.addf %parallel_loop3A_281, %parallel_loop3A_282 : vector<16xf32>
        %parallel_loop3A_284 = arith.mulf %parallel_loop3A_240, %parallel_loop3A_240 : vector<16xf32>
        %parallel_loop3A_285 = arith.mulf %parallel_loop3A_244, %parallel_loop3A_244 : vector<16xf32>
        %parallel_loop3A_286 = arith.addf %parallel_loop3A_284, %parallel_loop3A_285 : vector<16xf32>
        %parallel_loop3A_287 = arith.mulf %parallel_loop3A_248, %parallel_loop3A_248 : vector<16xf32>
        %parallel_loop3A_288 = arith.mulf %parallel_loop3A_252, %parallel_loop3A_252 : vector<16xf32>
        %parallel_loop3A_289 = arith.addf %parallel_loop3A_287, %parallel_loop3A_288 : vector<16xf32>
        %parallel_loop3A_290 = arith.addf %parallel_loop3A_286, %parallel_loop3A_289 : vector<16xf32>
        %parallel_loop3A_291 = arith.mulf %parallel_loop3A_256, %parallel_loop3A_256 : vector<16xf32>
        %parallel_loop3A_292 = arith.addf %parallel_loop3A_290, %parallel_loop3A_291 : vector<16xf32>
        %parallel_loop3A_293 = arith.mulf %parallel_loop3A_258, %parallel_loop3A_258 : vector<16xf32>
        %parallel_loop3A_294 = arith.mulf %parallel_loop3A_262, %parallel_loop3A_262 : vector<16xf32>
        %parallel_loop3A_295 = arith.addf %parallel_loop3A_293, %parallel_loop3A_294 : vector<16xf32>
        %parallel_loop3A_296 = arith.mulf %parallel_loop3A_266, %parallel_loop3A_266 : vector<16xf32>
        %parallel_loop3A_297 = arith.mulf %parallel_loop3A_270, %parallel_loop3A_270 : vector<16xf32>
        %parallel_loop3A_298 = arith.addf %parallel_loop3A_296, %parallel_loop3A_297 : vector<16xf32>
        %parallel_loop3A_299 = arith.addf %parallel_loop3A_295, %parallel_loop3A_298 : vector<16xf32>
        %parallel_loop3A_300 = arith.mulf %parallel_loop3A_274, %parallel_loop3A_274 : vector<16xf32>
        %parallel_loop3A_301 = arith.addf %parallel_loop3A_299, %parallel_loop3A_300 : vector<16xf32>
        %parallel_loop3A_302 = arith.constant true
        %parallel_loop3A_303 = vector.broadcast %parallel_loop3A_302 : i1 to vector<16xi1>
        %parallel_loop3A_304 = tpu.scan <sum>, %parallel_loop3A_283 masked %parallel_loop3A_303 : vector<16xf32>, vector<16xi1> -> vector<16xf32>
        %parallel_loop3A_305 = arith.index_cast %parallel_loop3A_228 : i32 to index
        %parallel_loop3A_306 = tpu.vector_load %arg9[%parallel_loop3A_305] masked %eq3A_3 {strides = array<i32>} : memref<288xf32, #tpu.memory_space<vmem>>, vector<16xf32>, vector<16xi1>
        tpu.vector_store %arg9[%parallel_loop3A_305], %parallel_loop3A_304 masked %eq3A_3 {strides = array<i32>} : memref<288xf32, #tpu.memory_space<vmem>>, vector<16xf32>, vector<16xi1>
        %parallel_loop3A_307 = arith.constant true
        %parallel_loop3A_308 = vector.broadcast %parallel_loop3A_307 : i1 to vector<16xi1>
        %parallel_loop3A_309 = tpu.scan <sum>, %parallel_loop3A_292 masked %parallel_loop3A_308 : vector<16xf32>, vector<16xi1> -> vector<16xf32>
        %parallel_loop3A_310 = arith.index_cast %parallel_loop3A_228 : i32 to index
        %parallel_loop3A_311 = tpu.vector_load %arg10[%parallel_loop3A_310] masked %eq3A_3 {strides = array<i32>} : memref<288xf32, #tpu.memory_space<vmem>>, vector<16xf32>, vector<16xi1>
        tpu.vector_store %arg10[%parallel_loop3A_310], %parallel_loop3A_309 masked %eq3A_3 {strides = array<i32>} : memref<288xf32, #tpu.memory_space<vmem>>, vector<16xf32>, vector<16xi1>
        %parallel_loop3A_312 = arith.constant true
        %parallel_loop3A_313 = vector.broadcast %parallel_loop3A_312 : i1 to vector<16xi1>
        %parallel_loop3A_314 = tpu.scan <sum>, %parallel_loop3A_301 masked %parallel_loop3A_313 : vector<16xf32>, vector<16xi1> -> vector<16xf32>
        %parallel_loop3A_315 = arith.index_cast %parallel_loop3A_228 : i32 to index
        %parallel_loop3A_316 = tpu.vector_load %arg11[%parallel_loop3A_315] masked %eq3A_3 {strides = array<i32>} : memref<288xf32, #tpu.memory_space<vmem>>, vector<16xf32>, vector<16xi1>
        tpu.vector_store %arg11[%parallel_loop3A_315], %parallel_loop3A_314 masked %eq3A_3 {strides = array<i32>} : memref<288xf32, #tpu.memory_space<vmem>>, vector<16xf32>, vector<16xi1>
      } {sc.loop_unroll_factor = 4 : i64, sc.parallel_access}
      %parallel_loop3A_161 = arith.constant 0 : i32
      %parallel_loop3A_162 = arith.constant 16 : i32
      %parallel_loop3A_163 = arith.constant 1 : i32
      scf.for %parallel_loop3A_228 = %parallel_loop3A_161 to %parallel_loop3A_162 step %parallel_loop3A_163  : i32 {
        %parallel_loop3A_229 = arith.constant 16 : i32
        %parallel_loop3A_230 = arith.muli %parallel_loop3A_228, %parallel_loop3A_229 : i32
        %parallel_loop3A_231 = arith.index_cast %parallel_loop3A_230 : i32 to index
        %parallel_loop3A_232 = tpu.vector_load %arg9[%parallel_loop3A_231] {strides = array<i32>} : memref<288xf32, #tpu.memory_space<vmem>>, vector<16xf32>,
        %parallel_loop3A_233 = arith.constant 16 : i32
        %parallel_loop3A_234 = arith.muli %parallel_loop3A_228, %parallel_loop3A_233 : i32
        %parallel_loop3A_235 = arith.index_cast %parallel_loop3A_234 : i32 to index
        %parallel_loop3A_236 = tpu.vector_load %arg10[%parallel_loop3A_235] {strides = array<i32>} : memref<288xf32, #tpu.memory_space<vmem>>, vector<16xf32>,
        %parallel_loop3A_237 = arith.constant 16 : i32
        %parallel_loop3A_238 = arith.muli %parallel_loop3A_228, %parallel_loop3A_237 : i32
        %parallel_loop3A_239 = arith.index_cast %parallel_loop3A_238 : i32 to index
        %parallel_loop3A_240 = tpu.vector_load %arg11[%parallel_loop3A_239] {strides = array<i32>} : memref<288xf32, #tpu.memory_space<vmem>>, vector<16xf32>,
        %parallel_loop3A_241 = arith.mulf %parallel_loop3A_236, %parallel_loop3A_240 : vector<16xf32>
        %parallel_loop3A_242 = arith.constant 9.99999971E-10 : f32
        %parallel_loop3A_243 = vector.broadcast %parallel_loop3A_242 : f32 to vector<16xf32>
        %parallel_loop3A_244 = arith.addf %parallel_loop3A_241, %parallel_loop3A_243 : vector<16xf32>
        %parallel_loop3A_245 = vector.bitcast %parallel_loop3A_244 : vector<16xf32> to vector<16xi32>
        %parallel_loop3A_246 = arith.constant 1 : i32
        %parallel_loop3A_247 = vector.broadcast %parallel_loop3A_246 : i32 to vector<16xi32>
        %parallel_loop3A_248 = arith.shrsi %parallel_loop3A_245, %parallel_loop3A_247 : vector<16xi32>
        %parallel_loop3A_249 = arith.constant 1597463007 : i32
        %parallel_loop3A_250 = vector.broadcast %parallel_loop3A_249 : i32 to vector<16xi32>
        %parallel_loop3A_251 = arith.subi %parallel_loop3A_250, %parallel_loop3A_248 : vector<16xi32>
        %parallel_loop3A_252 = vector.bitcast %parallel_loop3A_251 : vector<16xi32> to vector<16xf32>
        %parallel_loop3A_253 = arith.constant 5.000000e-01 : f32
        %parallel_loop3A_254 = vector.broadcast %parallel_loop3A_253 : f32 to vector<16xf32>
        %parallel_loop3A_255 = arith.mulf %parallel_loop3A_254, %parallel_loop3A_244 : vector<16xf32>
        %parallel_loop3A_256 = arith.mulf %parallel_loop3A_255, %parallel_loop3A_252 : vector<16xf32>
        %parallel_loop3A_257 = arith.mulf %parallel_loop3A_256, %parallel_loop3A_252 : vector<16xf32>
        %parallel_loop3A_258 = arith.constant 1.500000e+00 : f32
        %parallel_loop3A_259 = vector.broadcast %parallel_loop3A_258 : f32 to vector<16xf32>
        %parallel_loop3A_260 = arith.subf %parallel_loop3A_259, %parallel_loop3A_257 : vector<16xf32>
        %parallel_loop3A_261 = arith.mulf %parallel_loop3A_252, %parallel_loop3A_260 : vector<16xf32>
        %parallel_loop3A_262 = arith.constant 5.000000e-01 : f32
        %parallel_loop3A_263 = vector.broadcast %parallel_loop3A_262 : f32 to vector<16xf32>
        %parallel_loop3A_264 = arith.mulf %parallel_loop3A_263, %parallel_loop3A_244 : vector<16xf32>
        %parallel_loop3A_265 = arith.mulf %parallel_loop3A_264, %parallel_loop3A_261 : vector<16xf32>
        %parallel_loop3A_266 = arith.mulf %parallel_loop3A_265, %parallel_loop3A_261 : vector<16xf32>
        %parallel_loop3A_267 = arith.constant 1.500000e+00 : f32
        %parallel_loop3A_268 = vector.broadcast %parallel_loop3A_267 : f32 to vector<16xf32>
        %parallel_loop3A_269 = arith.subf %parallel_loop3A_268, %parallel_loop3A_266 : vector<16xf32>
        %parallel_loop3A_270 = arith.mulf %parallel_loop3A_261, %parallel_loop3A_269 : vector<16xf32>
        %parallel_loop3A_271 = arith.constant 5.000000e-01 : f32
        %parallel_loop3A_272 = vector.broadcast %parallel_loop3A_271 : f32 to vector<16xf32>
        %parallel_loop3A_273 = arith.mulf %parallel_loop3A_272, %parallel_loop3A_244 : vector<16xf32>
        %parallel_loop3A_274 = arith.mulf %parallel_loop3A_273, %parallel_loop3A_270 : vector<16xf32>
        %parallel_loop3A_275 = arith.mulf %parallel_loop3A_274, %parallel_loop3A_270 : vector<16xf32>
        %parallel_loop3A_276 = arith.constant 1.500000e+00 : f32
        %parallel_loop3A_277 = vector.broadcast %parallel_loop3A_276 : f32 to vector<16xf32>
        %parallel_loop3A_278 = arith.subf %parallel_loop3A_277, %parallel_loop3A_275 : vector<16xf32>
        %parallel_loop3A_279 = arith.mulf %parallel_loop3A_270, %parallel_loop3A_278 : vector<16xf32>
        %parallel_loop3A_280 = arith.mulf %parallel_loop3A_232, %parallel_loop3A_279 : vector<16xf32>
        %parallel_loop3A_281 = arith.constant 16 : i32
        %parallel_loop3A_282 = arith.muli %parallel_loop3A_228, %parallel_loop3A_281 : i32
        %parallel_loop3A_283 = arith.addi %add3A_157, %parallel_loop3A_282 : i32
        %parallel_loop3A_284 = arith.index_cast %parallel_loop3A_283 : i32 to index
        %parallel_loop3A_285 = tpu.vector_load %arg8[%parallel_loop3A_284] {strides = array<i32>} : memref<4096xf32, #tpu.memory_space<vmem>>, vector<16xf32>,
        tpu.vector_store %arg8[%parallel_loop3A_284], %parallel_loop3A_280 {strides = array<i32>} : memref<4096xf32, #tpu.memory_space<vmem>>, vector<16xf32>,
      } {sc.loop_unroll_factor = 2 : i64, sc.parallel_access}
      %dma_start3A_164 = arith.constant 0 : i32
      %dma_start3A_165 = arith.constant 0 : i32
      %dma_start3A_166 = tpu.memref_slice %arg6[%dma_start3A_165] : memref<21248xf32, #tpu.memory_space<vmem>> -> memref<18944xf32, #tpu.memory_space<vmem>>
      %dma_start3A_167 = arith.constant 61056 : i32
      %dma_start3A_168 = tpu.memref_slice %arg2[%add3A_47, %dma_start3A_164, %dma_start3A_167] : memref<128x1x80000xf32, #tpu.memory_space<hbm>> -> memref<1x1x18944xf32, #tpu.memory_space<hbm>>
      %dma_start3A_169 = tpu.memref_squeeze %dma_start3A_168 : memref<1x1x18944xf32, #tpu.memory_space<hbm>> -> memref<18944xf32, #tpu.memory_space<hbm>>
      %dma_start3A_170 = arith.constant 0 : i32
      %dma_start3A_171 = tpu.memref_slice %arg6[%dma_start3A_170] : memref<21248xf32, #tpu.memory_space<vmem>> -> memref<18944xf32, #tpu.memory_space<vmem>>
      %dma_start3A_172 = arith.constant 61056 : i32
      %dma_start3A_173 = tpu.memref_slice %arg2[%add3A_47, %dma_start3A_164, %dma_start3A_172] : memref<128x1x80000xf32, #tpu.memory_space<hbm>> -> memref<1x1x18944xf32, #tpu.memory_space<hbm>>
      %dma_start3A_174 = tpu.memref_squeeze %dma_start3A_173 : memref<1x1x18944xf32, #tpu.memory_space<hbm>> -> memref<18944xf32, #tpu.memory_space<hbm>>
      tpu.enqueue_dma source(%dma_start3A_174 : memref<18944xf32, #tpu.memory_space<hbm>>) target(%dma_start3A_171 : memref<18944xf32, #tpu.memory_space<vmem>>) target_semaphore(%arg13 : memref<!tpu.dma_semaphore, #tpu.memory_space<semaphore_mem>>)
      %dma_wait3A_175 = arith.constant 0 : i32
      %dma_wait3A_176 = arith.constant 0 : i32
      %dma_wait3A_177 = tpu.memref_slice %arg5[%dma_wait3A_176] : memref<21248xf32, #tpu.memory_space<vmem>> -> memref<20864xf32, #tpu.memory_space<vmem>>
      %dma_wait3A_178 = arith.constant 40576 : i32
      %dma_wait3A_179 = tpu.memref_slice %arg2[%add3A_47, %dma_wait3A_175, %dma_wait3A_178] : memref<128x1x80000xf32, #tpu.memory_space<hbm>> -> memref<1x1x20864xf32, #tpu.memory_space<hbm>>
      %dma_wait3A_180 = tpu.memref_squeeze %dma_wait3A_179 : memref<1x1x20864xf32, #tpu.memory_space<hbm>> -> memref<20864xf32, #tpu.memory_space<hbm>>
      %dma_wait3A_181 = arith.constant 0 : i32
      %dma_wait3A_182 = tpu.memref_slice %arg5[%dma_wait3A_181] : memref<21248xf32, #tpu.memory_space<vmem>> -> memref<20864xf32, #tpu.memory_space<vmem>>
      %dma_wait3A_183 = arith.constant 40576 : i32
      %dma_wait3A_184 = tpu.memref_slice %arg2[%add3A_47, %dma_wait3A_175, %dma_wait3A_183] : memref<128x1x80000xf32, #tpu.memory_space<hbm>> -> memref<1x1x20864xf32, #tpu.memory_space<hbm>>
      %dma_wait3A_185 = tpu.memref_squeeze %dma_wait3A_184 : memref<1x1x20864xf32, #tpu.memory_space<hbm>> -> memref<20864xf32, #tpu.memory_space<hbm>>
      tpu.wait_dma2 semaphore(%arg12 : memref<!tpu.dma_semaphore, #tpu.memory_space<semaphore_mem>>) src(%dma_wait3A_185 : memref<20864xf32, #tpu.memory_space<hbm>>) dst(%dma_wait3A_182 : memref<20864xf32, #tpu.memory_space<vmem>>)
      %mul3A_186 = arith.constant 1024 : i32
      %mul3A_187 = arith.muli %scan3A_44, %mul3A_186 : i32
      %add3A_188 = arith.constant 512 : i32
      %add3A_189 = arith.addi %mul3A_187, %add3A_188 : i32
      %parallel_loop3A_190 = arith.constant 0 : i32
      %parallel_loop3A_191 = arith.constant 256 : i32
      %parallel_loop3A_192 = arith.constant 1 : i32
      scf.for %parallel_loop3A_228 = %parallel_loop3A_190 to %parallel_loop3A_191 step %parallel_loop3A_192  : i32 {
        %parallel_loop3A_229 = arith.addi %add3A_189, %parallel_loop3A_228 : i32
        %parallel_loop3A_230 = arith.index_cast %parallel_loop3A_229 : i32 to index
        %parallel_loop3A_231 = tpu.vector_load %arg7[%parallel_loop3A_230] {strides = array<i32>} : memref<4096xi32, #tpu.memory_space<vmem>>, vector<16xi32>,
        %parallel_loop3A_232 = vector.extract_strided_slice %parallel_loop3A_231 {offsets = [0], sizes = [1], strides = [1]} : vector<16xi32> to vector<1xi32>
        %parallel_loop3A_233 = vector.extract %parallel_loop3A_232[0] : i32 from vector<1xi32>
        %parallel_loop3A_234 = arith.constant 80 : i32
        %parallel_loop3A_235 = arith.muli %parallel_loop3A_228, %parallel_loop3A_234 : i32
        %parallel_loop3A_236 = arith.constant 384 : i32
        %parallel_loop3A_237 = arith.addi %parallel_loop3A_235, %parallel_loop3A_236 : i32
        %parallel_loop3A_238 = arith.subi %parallel_loop3A_237, %parallel_loop3A_233 : i32
        %parallel_loop3A_239 = arith.index_cast %parallel_loop3A_237 : i32 to index
        %parallel_loop3A_240 = tpu.vector_load %arg5[%parallel_loop3A_239] {strides = array<i32>} : memref<21248xf32, #tpu.memory_space<vmem>>, vector<16xf32>,
        %parallel_loop3A_241 = arith.constant 16 : i32
        %parallel_loop3A_242 = arith.addi %parallel_loop3A_237, %parallel_loop3A_241 : i32
        %parallel_loop3A_243 = arith.index_cast %parallel_loop3A_242 : i32 to index
        %parallel_loop3A_244 = tpu.vector_load %arg5[%parallel_loop3A_243] {strides = array<i32>} : memref<21248xf32, #tpu.memory_space<vmem>>, vector<16xf32>,
        %parallel_loop3A_245 = arith.constant 32 : i32
        %parallel_loop3A_246 = arith.addi %parallel_loop3A_237, %parallel_loop3A_245 : i32
        %parallel_loop3A_247 = arith.index_cast %parallel_loop3A_246 : i32 to index
        %parallel_loop3A_248 = tpu.vector_load %arg5[%parallel_loop3A_247] {strides = array<i32>} : memref<21248xf32, #tpu.memory_space<vmem>>, vector<16xf32>,
        %parallel_loop3A_249 = arith.constant 48 : i32
        %parallel_loop3A_250 = arith.addi %parallel_loop3A_237, %parallel_loop3A_249 : i32
        %parallel_loop3A_251 = arith.index_cast %parallel_loop3A_250 : i32 to index
        %parallel_loop3A_252 = tpu.vector_load %arg5[%parallel_loop3A_251] {strides = array<i32>} : memref<21248xf32, #tpu.memory_space<vmem>>, vector<16xf32>,
        %parallel_loop3A_253 = arith.constant 64 : i32
        %parallel_loop3A_254 = arith.addi %parallel_loop3A_237, %parallel_loop3A_253 : i32
        %parallel_loop3A_255 = arith.index_cast %parallel_loop3A_254 : i32 to index
        %parallel_loop3A_256 = tpu.vector_load %arg5[%parallel_loop3A_255] {strides = array<i32>} : memref<21248xf32, #tpu.memory_space<vmem>>, vector<16xf32>,
        %parallel_loop3A_257 = arith.index_cast %parallel_loop3A_238 : i32 to index
        %parallel_loop3A_258 = tpu.vector_load %arg5[%parallel_loop3A_257] {strides = array<i32>} : memref<21248xf32, #tpu.memory_space<vmem>>, vector<16xf32>,
        %parallel_loop3A_259 = arith.constant 16 : i32
        %parallel_loop3A_260 = arith.addi %parallel_loop3A_238, %parallel_loop3A_259 : i32
        %parallel_loop3A_261 = arith.index_cast %parallel_loop3A_260 : i32 to index
        %parallel_loop3A_262 = tpu.vector_load %arg5[%parallel_loop3A_261] {strides = array<i32>} : memref<21248xf32, #tpu.memory_space<vmem>>, vector<16xf32>,
        %parallel_loop3A_263 = arith.constant 32 : i32
        %parallel_loop3A_264 = arith.addi %parallel_loop3A_238, %parallel_loop3A_263 : i32
        %parallel_loop3A_265 = arith.index_cast %parallel_loop3A_264 : i32 to index
        %parallel_loop3A_266 = tpu.vector_load %arg5[%parallel_loop3A_265] {strides = array<i32>} : memref<21248xf32, #tpu.memory_space<vmem>>, vector<16xf32>,
        %parallel_loop3A_267 = arith.constant 48 : i32
        %parallel_loop3A_268 = arith.addi %parallel_loop3A_238, %parallel_loop3A_267 : i32
        %parallel_loop3A_269 = arith.index_cast %parallel_loop3A_268 : i32 to index
        %parallel_loop3A_270 = tpu.vector_load %arg5[%parallel_loop3A_269] {strides = array<i32>} : memref<21248xf32, #tpu.memory_space<vmem>>, vector<16xf32>,
        %parallel_loop3A_271 = arith.constant 64 : i32
        %parallel_loop3A_272 = arith.addi %parallel_loop3A_238, %parallel_loop3A_271 : i32
        %parallel_loop3A_273 = arith.index_cast %parallel_loop3A_272 : i32 to index
        %parallel_loop3A_274 = tpu.vector_load %arg5[%parallel_loop3A_273] {strides = array<i32>} : memref<21248xf32, #tpu.memory_space<vmem>>, vector<16xf32>,
        %parallel_loop3A_275 = arith.mulf %parallel_loop3A_240, %parallel_loop3A_258 : vector<16xf32>
        %parallel_loop3A_276 = arith.mulf %parallel_loop3A_244, %parallel_loop3A_262 : vector<16xf32>
        %parallel_loop3A_277 = arith.addf %parallel_loop3A_275, %parallel_loop3A_276 : vector<16xf32>
        %parallel_loop3A_278 = arith.mulf %parallel_loop3A_248, %parallel_loop3A_266 : vector<16xf32>
        %parallel_loop3A_279 = arith.mulf %parallel_loop3A_252, %parallel_loop3A_270 : vector<16xf32>
        %parallel_loop3A_280 = arith.addf %parallel_loop3A_278, %parallel_loop3A_279 : vector<16xf32>
        %parallel_loop3A_281 = arith.addf %parallel_loop3A_277, %parallel_loop3A_280 : vector<16xf32>
        %parallel_loop3A_282 = arith.mulf %parallel_loop3A_256, %parallel_loop3A_274 : vector<16xf32>
        %parallel_loop3A_283 = arith.addf %parallel_loop3A_281, %parallel_loop3A_282 : vector<16xf32>
        %parallel_loop3A_284 = arith.mulf %parallel_loop3A_240, %parallel_loop3A_240 : vector<16xf32>
        %parallel_loop3A_285 = arith.mulf %parallel_loop3A_244, %parallel_loop3A_244 : vector<16xf32>
        %parallel_loop3A_286 = arith.addf %parallel_loop3A_284, %parallel_loop3A_285 : vector<16xf32>
        %parallel_loop3A_287 = arith.mulf %parallel_loop3A_248, %parallel_loop3A_248 : vector<16xf32>
        %parallel_loop3A_288 = arith.mulf %parallel_loop3A_252, %parallel_loop3A_252 : vector<16xf32>
        %parallel_loop3A_289 = arith.addf %parallel_loop3A_287, %parallel_loop3A_288 : vector<16xf32>
        %parallel_loop3A_290 = arith.addf %parallel_loop3A_286, %parallel_loop3A_289 : vector<16xf32>
        %parallel_loop3A_291 = arith.mulf %parallel_loop3A_256, %parallel_loop3A_256 : vector<16xf32>
        %parallel_loop3A_292 = arith.addf %parallel_loop3A_290, %parallel_loop3A_291 : vector<16xf32>
        %parallel_loop3A_293 = arith.mulf %parallel_loop3A_258, %parallel_loop3A_258 : vector<16xf32>
        %parallel_loop3A_294 = arith.mulf %parallel_loop3A_262, %parallel_loop3A_262 : vector<16xf32>
        %parallel_loop3A_295 = arith.addf %parallel_loop3A_293, %parallel_loop3A_294 : vector<16xf32>
        %parallel_loop3A_296 = arith.mulf %parallel_loop3A_266, %parallel_loop3A_266 : vector<16xf32>
        %parallel_loop3A_297 = arith.mulf %parallel_loop3A_270, %parallel_loop3A_270 : vector<16xf32>
        %parallel_loop3A_298 = arith.addf %parallel_loop3A_296, %parallel_loop3A_297 : vector<16xf32>
        %parallel_loop3A_299 = arith.addf %parallel_loop3A_295, %parallel_loop3A_298 : vector<16xf32>
        %parallel_loop3A_300 = arith.mulf %parallel_loop3A_274, %parallel_loop3A_274 : vector<16xf32>
        %parallel_loop3A_301 = arith.addf %parallel_loop3A_299, %parallel_loop3A_300 : vector<16xf32>
        %parallel_loop3A_302 = arith.constant true
        %parallel_loop3A_303 = vector.broadcast %parallel_loop3A_302 : i1 to vector<16xi1>
        %parallel_loop3A_304 = tpu.scan <sum>, %parallel_loop3A_283 masked %parallel_loop3A_303 : vector<16xf32>, vector<16xi1> -> vector<16xf32>
        %parallel_loop3A_305 = arith.index_cast %parallel_loop3A_228 : i32 to index
        %parallel_loop3A_306 = tpu.vector_load %arg9[%parallel_loop3A_305] masked %eq3A_3 {strides = array<i32>} : memref<288xf32, #tpu.memory_space<vmem>>, vector<16xf32>, vector<16xi1>
        tpu.vector_store %arg9[%parallel_loop3A_305], %parallel_loop3A_304 masked %eq3A_3 {strides = array<i32>} : memref<288xf32, #tpu.memory_space<vmem>>, vector<16xf32>, vector<16xi1>
        %parallel_loop3A_307 = arith.constant true
        %parallel_loop3A_308 = vector.broadcast %parallel_loop3A_307 : i1 to vector<16xi1>
        %parallel_loop3A_309 = tpu.scan <sum>, %parallel_loop3A_292 masked %parallel_loop3A_308 : vector<16xf32>, vector<16xi1> -> vector<16xf32>
        %parallel_loop3A_310 = arith.index_cast %parallel_loop3A_228 : i32 to index
        %parallel_loop3A_311 = tpu.vector_load %arg10[%parallel_loop3A_310] masked %eq3A_3 {strides = array<i32>} : memref<288xf32, #tpu.memory_space<vmem>>, vector<16xf32>, vector<16xi1>
        tpu.vector_store %arg10[%parallel_loop3A_310], %parallel_loop3A_309 masked %eq3A_3 {strides = array<i32>} : memref<288xf32, #tpu.memory_space<vmem>>, vector<16xf32>, vector<16xi1>
        %parallel_loop3A_312 = arith.constant true
        %parallel_loop3A_313 = vector.broadcast %parallel_loop3A_312 : i1 to vector<16xi1>
        %parallel_loop3A_314 = tpu.scan <sum>, %parallel_loop3A_301 masked %parallel_loop3A_313 : vector<16xf32>, vector<16xi1> -> vector<16xf32>
        %parallel_loop3A_315 = arith.index_cast %parallel_loop3A_228 : i32 to index
        %parallel_loop3A_316 = tpu.vector_load %arg11[%parallel_loop3A_315] masked %eq3A_3 {strides = array<i32>} : memref<288xf32, #tpu.memory_space<vmem>>, vector<16xf32>, vector<16xi1>
        tpu.vector_store %arg11[%parallel_loop3A_315], %parallel_loop3A_314 masked %eq3A_3 {strides = array<i32>} : memref<288xf32, #tpu.memory_space<vmem>>, vector<16xf32>, vector<16xi1>
      } {sc.loop_unroll_factor = 4 : i64, sc.parallel_access}
      %parallel_loop3A_193 = arith.constant 0 : i32
      %parallel_loop3A_194 = arith.constant 16 : i32
      %parallel_loop3A_195 = arith.constant 1 : i32
      scf.for %parallel_loop3A_228 = %parallel_loop3A_193 to %parallel_loop3A_194 step %parallel_loop3A_195  : i32 {
        %parallel_loop3A_229 = arith.constant 16 : i32
        %parallel_loop3A_230 = arith.muli %parallel_loop3A_228, %parallel_loop3A_229 : i32
        %parallel_loop3A_231 = arith.index_cast %parallel_loop3A_230 : i32 to index
        %parallel_loop3A_232 = tpu.vector_load %arg9[%parallel_loop3A_231] {strides = array<i32>} : memref<288xf32, #tpu.memory_space<vmem>>, vector<16xf32>,
        %parallel_loop3A_233 = arith.constant 16 : i32
        %parallel_loop3A_234 = arith.muli %parallel_loop3A_228, %parallel_loop3A_233 : i32
        %parallel_loop3A_235 = arith.index_cast %parallel_loop3A_234 : i32 to index
        %parallel_loop3A_236 = tpu.vector_load %arg10[%parallel_loop3A_235] {strides = array<i32>} : memref<288xf32, #tpu.memory_space<vmem>>, vector<16xf32>,
        %parallel_loop3A_237 = arith.constant 16 : i32
        %parallel_loop3A_238 = arith.muli %parallel_loop3A_228, %parallel_loop3A_237 : i32
        %parallel_loop3A_239 = arith.index_cast %parallel_loop3A_238 : i32 to index
        %parallel_loop3A_240 = tpu.vector_load %arg11[%parallel_loop3A_239] {strides = array<i32>} : memref<288xf32, #tpu.memory_space<vmem>>, vector<16xf32>,
        %parallel_loop3A_241 = arith.mulf %parallel_loop3A_236, %parallel_loop3A_240 : vector<16xf32>
        %parallel_loop3A_242 = arith.constant 9.99999971E-10 : f32
        %parallel_loop3A_243 = vector.broadcast %parallel_loop3A_242 : f32 to vector<16xf32>
        %parallel_loop3A_244 = arith.addf %parallel_loop3A_241, %parallel_loop3A_243 : vector<16xf32>
        %parallel_loop3A_245 = vector.bitcast %parallel_loop3A_244 : vector<16xf32> to vector<16xi32>
        %parallel_loop3A_246 = arith.constant 1 : i32
        %parallel_loop3A_247 = vector.broadcast %parallel_loop3A_246 : i32 to vector<16xi32>
        %parallel_loop3A_248 = arith.shrsi %parallel_loop3A_245, %parallel_loop3A_247 : vector<16xi32>
        %parallel_loop3A_249 = arith.constant 1597463007 : i32
        %parallel_loop3A_250 = vector.broadcast %parallel_loop3A_249 : i32 to vector<16xi32>
        %parallel_loop3A_251 = arith.subi %parallel_loop3A_250, %parallel_loop3A_248 : vector<16xi32>
        %parallel_loop3A_252 = vector.bitcast %parallel_loop3A_251 : vector<16xi32> to vector<16xf32>
        %parallel_loop3A_253 = arith.constant 5.000000e-01 : f32
        %parallel_loop3A_254 = vector.broadcast %parallel_loop3A_253 : f32 to vector<16xf32>
        %parallel_loop3A_255 = arith.mulf %parallel_loop3A_254, %parallel_loop3A_244 : vector<16xf32>
        %parallel_loop3A_256 = arith.mulf %parallel_loop3A_255, %parallel_loop3A_252 : vector<16xf32>
        %parallel_loop3A_257 = arith.mulf %parallel_loop3A_256, %parallel_loop3A_252 : vector<16xf32>
        %parallel_loop3A_258 = arith.constant 1.500000e+00 : f32
        %parallel_loop3A_259 = vector.broadcast %parallel_loop3A_258 : f32 to vector<16xf32>
        %parallel_loop3A_260 = arith.subf %parallel_loop3A_259, %parallel_loop3A_257 : vector<16xf32>
        %parallel_loop3A_261 = arith.mulf %parallel_loop3A_252, %parallel_loop3A_260 : vector<16xf32>
        %parallel_loop3A_262 = arith.constant 5.000000e-01 : f32
        %parallel_loop3A_263 = vector.broadcast %parallel_loop3A_262 : f32 to vector<16xf32>
        %parallel_loop3A_264 = arith.mulf %parallel_loop3A_263, %parallel_loop3A_244 : vector<16xf32>
        %parallel_loop3A_265 = arith.mulf %parallel_loop3A_264, %parallel_loop3A_261 : vector<16xf32>
        %parallel_loop3A_266 = arith.mulf %parallel_loop3A_265, %parallel_loop3A_261 : vector<16xf32>
        %parallel_loop3A_267 = arith.constant 1.500000e+00 : f32
        %parallel_loop3A_268 = vector.broadcast %parallel_loop3A_267 : f32 to vector<16xf32>
        %parallel_loop3A_269 = arith.subf %parallel_loop3A_268, %parallel_loop3A_266 : vector<16xf32>
        %parallel_loop3A_270 = arith.mulf %parallel_loop3A_261, %parallel_loop3A_269 : vector<16xf32>
        %parallel_loop3A_271 = arith.constant 5.000000e-01 : f32
        %parallel_loop3A_272 = vector.broadcast %parallel_loop3A_271 : f32 to vector<16xf32>
        %parallel_loop3A_273 = arith.mulf %parallel_loop3A_272, %parallel_loop3A_244 : vector<16xf32>
        %parallel_loop3A_274 = arith.mulf %parallel_loop3A_273, %parallel_loop3A_270 : vector<16xf32>
        %parallel_loop3A_275 = arith.mulf %parallel_loop3A_274, %parallel_loop3A_270 : vector<16xf32>
        %parallel_loop3A_276 = arith.constant 1.500000e+00 : f32
        %parallel_loop3A_277 = vector.broadcast %parallel_loop3A_276 : f32 to vector<16xf32>
        %parallel_loop3A_278 = arith.subf %parallel_loop3A_277, %parallel_loop3A_275 : vector<16xf32>
        %parallel_loop3A_279 = arith.mulf %parallel_loop3A_270, %parallel_loop3A_278 : vector<16xf32>
        %parallel_loop3A_280 = arith.mulf %parallel_loop3A_232, %parallel_loop3A_279 : vector<16xf32>
        %parallel_loop3A_281 = arith.constant 16 : i32
        %parallel_loop3A_282 = arith.muli %parallel_loop3A_228, %parallel_loop3A_281 : i32
        %parallel_loop3A_283 = arith.addi %add3A_189, %parallel_loop3A_282 : i32
        %parallel_loop3A_284 = arith.index_cast %parallel_loop3A_283 : i32 to index
        %parallel_loop3A_285 = tpu.vector_load %arg8[%parallel_loop3A_284] {strides = array<i32>} : memref<4096xf32, #tpu.memory_space<vmem>>, vector<16xf32>,
        tpu.vector_store %arg8[%parallel_loop3A_284], %parallel_loop3A_280 {strides = array<i32>} : memref<4096xf32, #tpu.memory_space<vmem>>, vector<16xf32>,
      } {sc.loop_unroll_factor = 2 : i64, sc.parallel_access}
      %dma_start3A_196 = arith.constant 0 : i32
      %dma_start3A_197 = arith.constant 384 : i32
      %dma_start3A_198 = tpu.memref_slice %arg5[%dma_start3A_197] : memref<21248xf32, #tpu.memory_space<vmem>> -> memref<20480xf32, #tpu.memory_space<vmem>>
      %dma_start3A_199 = arith.constant 0 : i32
      %dma_start3A_200 = tpu.memref_slice %arg2[%add3A_53, %dma_start3A_196, %dma_start3A_199] : memref<128x1x80000xf32, #tpu.memory_space<hbm>> -> memref<1x1x20480xf32, #tpu.memory_space<hbm>>
      %dma_start3A_201 = tpu.memref_squeeze %dma_start3A_200 : memref<1x1x20480xf32, #tpu.memory_space<hbm>> -> memref<20480xf32, #tpu.memory_space<hbm>>
      %dma_start3A_202 = arith.constant 384 : i32
      %dma_start3A_203 = tpu.memref_slice %arg5[%dma_start3A_202] : memref<21248xf32, #tpu.memory_space<vmem>> -> memref<20480xf32, #tpu.memory_space<vmem>>
      %dma_start3A_204 = arith.constant 0 : i32
      %dma_start3A_205 = tpu.memref_slice %arg2[%add3A_53, %dma_start3A_196, %dma_start3A_204] : memref<128x1x80000xf32, #tpu.memory_space<hbm>> -> memref<1x1x20480xf32, #tpu.memory_space<hbm>>
      %dma_start3A_206 = tpu.memref_squeeze %dma_start3A_205 : memref<1x1x20480xf32, #tpu.memory_space<hbm>> -> memref<20480xf32, #tpu.memory_space<hbm>>
      tpu.enqueue_dma source(%dma_start3A_206 : memref<20480xf32, #tpu.memory_space<hbm>>) target(%dma_start3A_203 : memref<20480xf32, #tpu.memory_space<vmem>>) target_semaphore(%arg12 : memref<!tpu.dma_semaphore, #tpu.memory_space<semaphore_mem>>)
      %dma_wait3A_207 = arith.constant 0 : i32
      %dma_wait3A_208 = arith.constant 0 : i32
      %dma_wait3A_209 = tpu.memref_slice %arg6[%dma_wait3A_208] : memref<21248xf32, #tpu.memory_space<vmem>> -> memref<18944xf32, #tpu.memory_space<vmem>>
      %dma_wait3A_210 = arith.constant 61056 : i32
      %dma_wait3A_211 = tpu.memref_slice %arg2[%add3A_47, %dma_wait3A_207, %dma_wait3A_210] : memref<128x1x80000xf32, #tpu.memory_space<hbm>> -> memref<1x1x18944xf32, #tpu.memory_space<hbm>>
      %dma_wait3A_212 = tpu.memref_squeeze %dma_wait3A_211 : memref<1x1x18944xf32, #tpu.memory_space<hbm>> -> memref<18944xf32, #tpu.memory_space<hbm>>
      %dma_wait3A_213 = arith.constant 0 : i32
      %dma_wait3A_214 = tpu.memref_slice %arg6[%dma_wait3A_213] : memref<21248xf32, #tpu.memory_space<vmem>> -> memref<18944xf32, #tpu.memory_space<vmem>>
      %dma_wait3A_215 = arith.constant 61056 : i32
      %dma_wait3A_216 = tpu.memref_slice %arg2[%add3A_47, %dma_wait3A_207, %dma_wait3A_215] : memref<128x1x80000xf32, #tpu.memory_space<hbm>> -> memref<1x1x18944xf32, #tpu.memory_space<hbm>>
      %dma_wait3A_217 = tpu.memref_squeeze %dma_wait3A_216 : memref<1x1x18944xf32, #tpu.memory_space<hbm>> -> memref<18944xf32, #tpu.memory_space<hbm>>
      tpu.wait_dma2 semaphore(%arg13 : memref<!tpu.dma_semaphore, #tpu.memory_space<semaphore_mem>>) src(%dma_wait3A_217 : memref<18944xf32, #tpu.memory_space<hbm>>) dst(%dma_wait3A_214 : memref<18944xf32, #tpu.memory_space<vmem>>)
      %mul3A_218 = arith.constant 1024 : i32
      %mul3A_219 = arith.muli %scan3A_44, %mul3A_218 : i32
      %add3A_220 = arith.constant 768 : i32
      %add3A_221 = arith.addi %mul3A_219, %add3A_220 : i32
      %parallel_loop3A_222 = arith.constant 0 : i32
      %parallel_loop3A_223 = arith.constant 232 : i32
      %parallel_loop3A_224 = arith.constant 1 : i32
      scf.for %parallel_loop3A_228 = %parallel_loop3A_222 to %parallel_loop3A_223 step %parallel_loop3A_224  : i32 {
        %parallel_loop3A_229 = arith.addi %add3A_221, %parallel_loop3A_228 : i32
        %parallel_loop3A_230 = arith.index_cast %parallel_loop3A_229 : i32 to index
        %parallel_loop3A_231 = tpu.vector_load %arg7[%parallel_loop3A_230] {strides = array<i32>} : memref<4096xi32, #tpu.memory_space<vmem>>, vector<16xi32>,
        %parallel_loop3A_232 = vector.extract_strided_slice %parallel_loop3A_231 {offsets = [0], sizes = [1], strides = [1]} : vector<16xi32> to vector<1xi32>
        %parallel_loop3A_233 = vector.extract %parallel_loop3A_232[0] : i32 from vector<1xi32>
        %parallel_loop3A_234 = arith.constant 80 : i32
        %parallel_loop3A_235 = arith.muli %parallel_loop3A_228, %parallel_loop3A_234 : i32
        %parallel_loop3A_236 = arith.constant 384 : i32
        %parallel_loop3A_237 = arith.addi %parallel_loop3A_235, %parallel_loop3A_236 : i32
        %parallel_loop3A_238 = arith.subi %parallel_loop3A_237, %parallel_loop3A_233 : i32
        %parallel_loop3A_239 = arith.index_cast %parallel_loop3A_237 : i32 to index
        %parallel_loop3A_240 = tpu.vector_load %arg6[%parallel_loop3A_239] {strides = array<i32>} : memref<21248xf32, #tpu.memory_space<vmem>>, vector<16xf32>,
        %parallel_loop3A_241 = arith.constant 16 : i32
        %parallel_loop3A_242 = arith.addi %parallel_loop3A_237, %parallel_loop3A_241 : i32
        %parallel_loop3A_243 = arith.index_cast %parallel_loop3A_242 : i32 to index
        %parallel_loop3A_244 = tpu.vector_load %arg6[%parallel_loop3A_243] {strides = array<i32>} : memref<21248xf32, #tpu.memory_space<vmem>>, vector<16xf32>,
        %parallel_loop3A_245 = arith.constant 32 : i32
        %parallel_loop3A_246 = arith.addi %parallel_loop3A_237, %parallel_loop3A_245 : i32
        %parallel_loop3A_247 = arith.index_cast %parallel_loop3A_246 : i32 to index
        %parallel_loop3A_248 = tpu.vector_load %arg6[%parallel_loop3A_247] {strides = array<i32>} : memref<21248xf32, #tpu.memory_space<vmem>>, vector<16xf32>,
        %parallel_loop3A_249 = arith.constant 48 : i32
        %parallel_loop3A_250 = arith.addi %parallel_loop3A_237, %parallel_loop3A_249 : i32
        %parallel_loop3A_251 = arith.index_cast %parallel_loop3A_250 : i32 to index
        %parallel_loop3A_252 = tpu.vector_load %arg6[%parallel_loop3A_251] {strides = array<i32>} : memref<21248xf32, #tpu.memory_space<vmem>>, vector<16xf32>,
        %parallel_loop3A_253 = arith.constant 64 : i32
        %parallel_loop3A_254 = arith.addi %parallel_loop3A_237, %parallel_loop3A_253 : i32
        %parallel_loop3A_255 = arith.index_cast %parallel_loop3A_254 : i32 to index
        %parallel_loop3A_256 = tpu.vector_load %arg6[%parallel_loop3A_255] {strides = array<i32>} : memref<21248xf32, #tpu.memory_space<vmem>>, vector<16xf32>,
        %parallel_loop3A_257 = arith.index_cast %parallel_loop3A_238 : i32 to index
        %parallel_loop3A_258 = tpu.vector_load %arg6[%parallel_loop3A_257] {strides = array<i32>} : memref<21248xf32, #tpu.memory_space<vmem>>, vector<16xf32>,
        %parallel_loop3A_259 = arith.constant 16 : i32
        %parallel_loop3A_260 = arith.addi %parallel_loop3A_238, %parallel_loop3A_259 : i32
        %parallel_loop3A_261 = arith.index_cast %parallel_loop3A_260 : i32 to index
        %parallel_loop3A_262 = tpu.vector_load %arg6[%parallel_loop3A_261] {strides = array<i32>} : memref<21248xf32, #tpu.memory_space<vmem>>, vector<16xf32>,
        %parallel_loop3A_263 = arith.constant 32 : i32
        %parallel_loop3A_264 = arith.addi %parallel_loop3A_238, %parallel_loop3A_263 : i32
        %parallel_loop3A_265 = arith.index_cast %parallel_loop3A_264 : i32 to index
        %parallel_loop3A_266 = tpu.vector_load %arg6[%parallel_loop3A_265] {strides = array<i32>} : memref<21248xf32, #tpu.memory_space<vmem>>, vector<16xf32>,
        %parallel_loop3A_267 = arith.constant 48 : i32
        %parallel_loop3A_268 = arith.addi %parallel_loop3A_238, %parallel_loop3A_267 : i32
        %parallel_loop3A_269 = arith.index_cast %parallel_loop3A_268 : i32 to index
        %parallel_loop3A_270 = tpu.vector_load %arg6[%parallel_loop3A_269] {strides = array<i32>} : memref<21248xf32, #tpu.memory_space<vmem>>, vector<16xf32>,
        %parallel_loop3A_271 = arith.constant 64 : i32
        %parallel_loop3A_272 = arith.addi %parallel_loop3A_238, %parallel_loop3A_271 : i32
        %parallel_loop3A_273 = arith.index_cast %parallel_loop3A_272 : i32 to index
        %parallel_loop3A_274 = tpu.vector_load %arg6[%parallel_loop3A_273] {strides = array<i32>} : memref<21248xf32, #tpu.memory_space<vmem>>, vector<16xf32>,
        %parallel_loop3A_275 = arith.mulf %parallel_loop3A_240, %parallel_loop3A_258 : vector<16xf32>
        %parallel_loop3A_276 = arith.mulf %parallel_loop3A_244, %parallel_loop3A_262 : vector<16xf32>
        %parallel_loop3A_277 = arith.addf %parallel_loop3A_275, %parallel_loop3A_276 : vector<16xf32>
        %parallel_loop3A_278 = arith.mulf %parallel_loop3A_248, %parallel_loop3A_266 : vector<16xf32>
        %parallel_loop3A_279 = arith.mulf %parallel_loop3A_252, %parallel_loop3A_270 : vector<16xf32>
        %parallel_loop3A_280 = arith.addf %parallel_loop3A_278, %parallel_loop3A_279 : vector<16xf32>
        %parallel_loop3A_281 = arith.addf %parallel_loop3A_277, %parallel_loop3A_280 : vector<16xf32>
        %parallel_loop3A_282 = arith.mulf %parallel_loop3A_256, %parallel_loop3A_274 : vector<16xf32>
        %parallel_loop3A_283 = arith.addf %parallel_loop3A_281, %parallel_loop3A_282 : vector<16xf32>
        %parallel_loop3A_284 = arith.mulf %parallel_loop3A_240, %parallel_loop3A_240 : vector<16xf32>
        %parallel_loop3A_285 = arith.mulf %parallel_loop3A_244, %parallel_loop3A_244 : vector<16xf32>
        %parallel_loop3A_286 = arith.addf %parallel_loop3A_284, %parallel_loop3A_285 : vector<16xf32>
        %parallel_loop3A_287 = arith.mulf %parallel_loop3A_248, %parallel_loop3A_248 : vector<16xf32>
        %parallel_loop3A_288 = arith.mulf %parallel_loop3A_252, %parallel_loop3A_252 : vector<16xf32>
        %parallel_loop3A_289 = arith.addf %parallel_loop3A_287, %parallel_loop3A_288 : vector<16xf32>
        %parallel_loop3A_290 = arith.addf %parallel_loop3A_286, %parallel_loop3A_289 : vector<16xf32>
        %parallel_loop3A_291 = arith.mulf %parallel_loop3A_256, %parallel_loop3A_256 : vector<16xf32>
        %parallel_loop3A_292 = arith.addf %parallel_loop3A_290, %parallel_loop3A_291 : vector<16xf32>
        %parallel_loop3A_293 = arith.mulf %parallel_loop3A_258, %parallel_loop3A_258 : vector<16xf32>
        %parallel_loop3A_294 = arith.mulf %parallel_loop3A_262, %parallel_loop3A_262 : vector<16xf32>
        %parallel_loop3A_295 = arith.addf %parallel_loop3A_293, %parallel_loop3A_294 : vector<16xf32>
        %parallel_loop3A_296 = arith.mulf %parallel_loop3A_266, %parallel_loop3A_266 : vector<16xf32>
        %parallel_loop3A_297 = arith.mulf %parallel_loop3A_270, %parallel_loop3A_270 : vector<16xf32>
        %parallel_loop3A_298 = arith.addf %parallel_loop3A_296, %parallel_loop3A_297 : vector<16xf32>
        %parallel_loop3A_299 = arith.addf %parallel_loop3A_295, %parallel_loop3A_298 : vector<16xf32>
        %parallel_loop3A_300 = arith.mulf %parallel_loop3A_274, %parallel_loop3A_274 : vector<16xf32>
        %parallel_loop3A_301 = arith.addf %parallel_loop3A_299, %parallel_loop3A_300 : vector<16xf32>
        %parallel_loop3A_302 = arith.constant true
        %parallel_loop3A_303 = vector.broadcast %parallel_loop3A_302 : i1 to vector<16xi1>
        %parallel_loop3A_304 = tpu.scan <sum>, %parallel_loop3A_283 masked %parallel_loop3A_303 : vector<16xf32>, vector<16xi1> -> vector<16xf32>
        %parallel_loop3A_305 = arith.index_cast %parallel_loop3A_228 : i32 to index
        %parallel_loop3A_306 = tpu.vector_load %arg9[%parallel_loop3A_305] masked %eq3A_3 {strides = array<i32>} : memref<288xf32, #tpu.memory_space<vmem>>, vector<16xf32>, vector<16xi1>
        tpu.vector_store %arg9[%parallel_loop3A_305], %parallel_loop3A_304 masked %eq3A_3 {strides = array<i32>} : memref<288xf32, #tpu.memory_space<vmem>>, vector<16xf32>, vector<16xi1>
        %parallel_loop3A_307 = arith.constant true
        %parallel_loop3A_308 = vector.broadcast %parallel_loop3A_307 : i1 to vector<16xi1>
        %parallel_loop3A_309 = tpu.scan <sum>, %parallel_loop3A_292 masked %parallel_loop3A_308 : vector<16xf32>, vector<16xi1> -> vector<16xf32>
        %parallel_loop3A_310 = arith.index_cast %parallel_loop3A_228 : i32 to index
        %parallel_loop3A_311 = tpu.vector_load %arg10[%parallel_loop3A_310] masked %eq3A_3 {strides = array<i32>} : memref<288xf32, #tpu.memory_space<vmem>>, vector<16xf32>, vector<16xi1>
        tpu.vector_store %arg10[%parallel_loop3A_310], %parallel_loop3A_309 masked %eq3A_3 {strides = array<i32>} : memref<288xf32, #tpu.memory_space<vmem>>, vector<16xf32>, vector<16xi1>
        %parallel_loop3A_312 = arith.constant true
        %parallel_loop3A_313 = vector.broadcast %parallel_loop3A_312 : i1 to vector<16xi1>
        %parallel_loop3A_314 = tpu.scan <sum>, %parallel_loop3A_301 masked %parallel_loop3A_313 : vector<16xf32>, vector<16xi1> -> vector<16xf32>
        %parallel_loop3A_315 = arith.index_cast %parallel_loop3A_228 : i32 to index
        %parallel_loop3A_316 = tpu.vector_load %arg11[%parallel_loop3A_315] masked %eq3A_3 {strides = array<i32>} : memref<288xf32, #tpu.memory_space<vmem>>, vector<16xf32>, vector<16xi1>
        tpu.vector_store %arg11[%parallel_loop3A_315], %parallel_loop3A_314 masked %eq3A_3 {strides = array<i32>} : memref<288xf32, #tpu.memory_space<vmem>>, vector<16xf32>, vector<16xi1>
      } {sc.loop_unroll_factor = 4 : i64, sc.parallel_access}
      %parallel_loop3A_225 = arith.constant 0 : i32
      %parallel_loop3A_226 = arith.constant 15 : i32
      %parallel_loop3A_227 = arith.constant 1 : i32
      scf.for %parallel_loop3A_228 = %parallel_loop3A_225 to %parallel_loop3A_226 step %parallel_loop3A_227  : i32 {
        %parallel_loop3A_229 = arith.constant 16 : i32
        %parallel_loop3A_230 = arith.muli %parallel_loop3A_228, %parallel_loop3A_229 : i32
        %parallel_loop3A_231 = arith.index_cast %parallel_loop3A_230 : i32 to index
        %parallel_loop3A_232 = tpu.vector_load %arg9[%parallel_loop3A_231] {strides = array<i32>} : memref<288xf32, #tpu.memory_space<vmem>>, vector<16xf32>,
        %parallel_loop3A_233 = arith.constant 16 : i32
        %parallel_loop3A_234 = arith.muli %parallel_loop3A_228, %parallel_loop3A_233 : i32
        %parallel_loop3A_235 = arith.index_cast %parallel_loop3A_234 : i32 to index
        %parallel_loop3A_236 = tpu.vector_load %arg10[%parallel_loop3A_235] {strides = array<i32>} : memref<288xf32, #tpu.memory_space<vmem>>, vector<16xf32>,
        %parallel_loop3A_237 = arith.constant 16 : i32
        %parallel_loop3A_238 = arith.muli %parallel_loop3A_228, %parallel_loop3A_237 : i32
        %parallel_loop3A_239 = arith.index_cast %parallel_loop3A_238 : i32 to index
        %parallel_loop3A_240 = tpu.vector_load %arg11[%parallel_loop3A_239] {strides = array<i32>} : memref<288xf32, #tpu.memory_space<vmem>>, vector<16xf32>,
        %parallel_loop3A_241 = arith.mulf %parallel_loop3A_236, %parallel_loop3A_240 : vector<16xf32>
        %parallel_loop3A_242 = arith.constant 9.99999971E-10 : f32
        %parallel_loop3A_243 = vector.broadcast %parallel_loop3A_242 : f32 to vector<16xf32>
        %parallel_loop3A_244 = arith.addf %parallel_loop3A_241, %parallel_loop3A_243 : vector<16xf32>
        %parallel_loop3A_245 = vector.bitcast %parallel_loop3A_244 : vector<16xf32> to vector<16xi32>
        %parallel_loop3A_246 = arith.constant 1 : i32
        %parallel_loop3A_247 = vector.broadcast %parallel_loop3A_246 : i32 to vector<16xi32>
        %parallel_loop3A_248 = arith.shrsi %parallel_loop3A_245, %parallel_loop3A_247 : vector<16xi32>
        %parallel_loop3A_249 = arith.constant 1597463007 : i32
        %parallel_loop3A_250 = vector.broadcast %parallel_loop3A_249 : i32 to vector<16xi32>
        %parallel_loop3A_251 = arith.subi %parallel_loop3A_250, %parallel_loop3A_248 : vector<16xi32>
        %parallel_loop3A_252 = vector.bitcast %parallel_loop3A_251 : vector<16xi32> to vector<16xf32>
        %parallel_loop3A_253 = arith.constant 5.000000e-01 : f32
        %parallel_loop3A_254 = vector.broadcast %parallel_loop3A_253 : f32 to vector<16xf32>
        %parallel_loop3A_255 = arith.mulf %parallel_loop3A_254, %parallel_loop3A_244 : vector<16xf32>
        %parallel_loop3A_256 = arith.mulf %parallel_loop3A_255, %parallel_loop3A_252 : vector<16xf32>
        %parallel_loop3A_257 = arith.mulf %parallel_loop3A_256, %parallel_loop3A_252 : vector<16xf32>
        %parallel_loop3A_258 = arith.constant 1.500000e+00 : f32
        %parallel_loop3A_259 = vector.broadcast %parallel_loop3A_258 : f32 to vector<16xf32>
        %parallel_loop3A_260 = arith.subf %parallel_loop3A_259, %parallel_loop3A_257 : vector<16xf32>
        %parallel_loop3A_261 = arith.mulf %parallel_loop3A_252, %parallel_loop3A_260 : vector<16xf32>
        %parallel_loop3A_262 = arith.constant 5.000000e-01 : f32
        %parallel_loop3A_263 = vector.broadcast %parallel_loop3A_262 : f32 to vector<16xf32>
        %parallel_loop3A_264 = arith.mulf %parallel_loop3A_263, %parallel_loop3A_244 : vector<16xf32>
        %parallel_loop3A_265 = arith.mulf %parallel_loop3A_264, %parallel_loop3A_261 : vector<16xf32>
        %parallel_loop3A_266 = arith.mulf %parallel_loop3A_265, %parallel_loop3A_261 : vector<16xf32>
        %parallel_loop3A_267 = arith.constant 1.500000e+00 : f32
        %parallel_loop3A_268 = vector.broadcast %parallel_loop3A_267 : f32 to vector<16xf32>
        %parallel_loop3A_269 = arith.subf %parallel_loop3A_268, %parallel_loop3A_266 : vector<16xf32>
        %parallel_loop3A_270 = arith.mulf %parallel_loop3A_261, %parallel_loop3A_269 : vector<16xf32>
        %parallel_loop3A_271 = arith.constant 5.000000e-01 : f32
        %parallel_loop3A_272 = vector.broadcast %parallel_loop3A_271 : f32 to vector<16xf32>
        %parallel_loop3A_273 = arith.mulf %parallel_loop3A_272, %parallel_loop3A_244 : vector<16xf32>
        %parallel_loop3A_274 = arith.mulf %parallel_loop3A_273, %parallel_loop3A_270 : vector<16xf32>
        %parallel_loop3A_275 = arith.mulf %parallel_loop3A_274, %parallel_loop3A_270 : vector<16xf32>
        %parallel_loop3A_276 = arith.constant 1.500000e+00 : f32
        %parallel_loop3A_277 = vector.broadcast %parallel_loop3A_276 : f32 to vector<16xf32>
        %parallel_loop3A_278 = arith.subf %parallel_loop3A_277, %parallel_loop3A_275 : vector<16xf32>
        %parallel_loop3A_279 = arith.mulf %parallel_loop3A_270, %parallel_loop3A_278 : vector<16xf32>
        %parallel_loop3A_280 = arith.mulf %parallel_loop3A_232, %parallel_loop3A_279 : vector<16xf32>
        %parallel_loop3A_281 = arith.constant 16 : i32
        %parallel_loop3A_282 = arith.muli %parallel_loop3A_228, %parallel_loop3A_281 : i32
        %parallel_loop3A_283 = arith.addi %add3A_221, %parallel_loop3A_282 : i32
        %parallel_loop3A_284 = arith.index_cast %parallel_loop3A_283 : i32 to index
        %parallel_loop3A_285 = tpu.vector_load %arg8[%parallel_loop3A_284] {strides = array<i32>} : memref<4096xf32, #tpu.memory_space<vmem>>, vector<16xf32>,
        tpu.vector_store %arg8[%parallel_loop3A_284], %parallel_loop3A_280 {strides = array<i32>} : memref<4096xf32, #tpu.memory_space<vmem>>, vector<16xf32>,
      } {sc.loop_unroll_factor = 2 : i64, sc.parallel_access}
    }
    %scan3A_24 = arith.constant 4 : i32
    %mul3A_25 = arith.constant 4 : i32
    %mul3A_26 = arith.muli %add3A, %mul3A_25 : i32
    %add3A_27 = arith.constant 4 : i32
    %add3A_28 = arith.addi %mul3A_26, %add3A_27 : i32
    %sub3A = arith.constant 1 : i32
    %sub3A_29 = arith.subi %add3A_28, %sub3A : i32
    %dma_wait3A = arith.constant 0 : i32
    %dma_wait3A_30 = arith.constant 384 : i32
    %dma_wait3A_31 = tpu.memref_slice %arg5[%dma_wait3A_30] : memref<21248xf32, #tpu.memory_space<vmem>> -> memref<20480xf32, #tpu.memory_space<vmem>>
    %dma_wait3A_32 = arith.constant 0 : i32
    %dma_wait3A_33 = tpu.memref_slice %arg2[%sub3A_29, %dma_wait3A, %dma_wait3A_32] : memref<128x1x80000xf32, #tpu.memory_space<hbm>> -> memref<1x1x20480xf32, #tpu.memory_space<hbm>>
    %dma_wait3A_34 = tpu.memref_squeeze %dma_wait3A_33 : memref<1x1x20480xf32, #tpu.memory_space<hbm>> -> memref<20480xf32, #tpu.memory_space<hbm>>
    %dma_wait3A_35 = arith.constant 384 : i32
    %dma_wait3A_36 = tpu.memref_slice %arg5[%dma_wait3A_35] : memref<21248xf32, #tpu.memory_space<vmem>> -> memref<20480xf32, #tpu.memory_space<vmem>>
    %dma_wait3A_37 = arith.constant 0 : i32
    %dma_wait3A_38 = tpu.memref_slice %arg2[%sub3A_29, %dma_wait3A, %dma_wait3A_37] : memref<128x1x80000xf32, #tpu.memory_space<hbm>> -> memref<1x1x20480xf32, #tpu.memory_space<hbm>>
    %dma_wait3A_39 = tpu.memref_squeeze %dma_wait3A_38 : memref<1x1x20480xf32, #tpu.memory_space<hbm>> -> memref<20480xf32, #tpu.memory_space<hbm>>
    tpu.wait_dma2 semaphore(%arg12 : memref<!tpu.dma_semaphore, #tpu.memory_space<semaphore_mem>>) src(%dma_wait3A_39 : memref<20480xf32, #tpu.memory_space<hbm>>) dst(%dma_wait3A_36 : memref<20480xf32, #tpu.memory_space<vmem>>)
    %mul3A_40 = arith.constant 4 : i32
    %mul3A_41 = arith.muli %add3A, %mul3A_40 : i32
    %mul3A_42 = arith.constant 1024 : i32
    %mul3A_43 = arith.muli %mul3A_41, %mul3A_42 : i32
    "tpu.region"() ({
      %run_scoped3A = tpu.sem_alloc : memref<!tpu.dma_semaphore, #tpu.memory_space<semaphore_mem>>
      %dma_start3A_44 = tpu.memref_slice %arg4[%mul3A_43] : memref<131072xf32, #tpu.memory_space<hbm>> -> memref<4096xf32, #tpu.memory_space<hbm>>
      %dma_start3A_45 = tpu.memref_slice %arg4[%mul3A_43] : memref<131072xf32, #tpu.memory_space<hbm>> -> memref<4096xf32, #tpu.memory_space<hbm>>
      tpu.enqueue_dma source(%arg8 : memref<4096xf32, #tpu.memory_space<vmem>>) target(%dma_start3A_45 : memref<4096xf32, #tpu.memory_space<hbm>>) target_semaphore(%run_scoped3A : memref<!tpu.dma_semaphore, #tpu.memory_space<semaphore_mem>>)
      %dma_wait3A_46 = tpu.memref_slice %arg4[%mul3A_43] : memref<131072xf32, #tpu.memory_space<hbm>> -> memref<4096xf32, #tpu.memory_space<hbm>>
      %dma_wait3A_47 = tpu.memref_slice %arg4[%mul3A_43] : memref<131072xf32, #tpu.memory_space<hbm>> -> memref<4096xf32, #tpu.memory_space<hbm>>
      tpu.wait_dma2 semaphore(%run_scoped3A : memref<!tpu.dma_semaphore, #tpu.memory_space<semaphore_mem>>) src(%arg8 : memref<4096xf32, #tpu.memory_space<vmem>>) dst(%dma_wait3A_47 : memref<4096xf32, #tpu.memory_space<hbm>>)
      tpu.yield
    }) : () -> ()
    return
  }
}

</mosaic_0001>

<sc_bundles>
// kernel: kernel.3.cloned.1.call-start
scs
__scs_entry_jumppad:
0x0: {  	(pc) =	sbr.rel $0x88, $3  }
0x1: {  	(tag) =	ssettag $0x0;
	lr =	simm.s32 $0x1  }
0x2: {  	[smem:$0x3F9F] =	sst lr;
	_ =	strace $0xD0000000  }
0x3: {  	_ = 	snop  }
0x4: {  	_ = 	snop  }
0x5: {  	_ = 	snop  }
0x6: {  	_ = 	snop  }
0x7: {  	_ = 	snop  }
__scs_overlays_trampoline_lowered:
0x8: {  	[smem:$0x3FAE] =	sst s0  }
0x9: {  	[smem:$0x3FAF] =	sst s1  }
0xa: {  	[smem:$0x3FB0] =	sst s2  }
0xb: {  	[smem:$0x3FB1] =	sst s3  }
0xc: {  	[smem:$0x3FB2] =	sst s4  }
0xd: {  	[smem:$0x3FB3] =	sst s5  }
0xe: {  	[smem:$0x3FB4] =	sst s6  }
0xf: {  	[smem:$0x3FB5] =	sst s7  }
0x10: {  	[smem:$0x3FB6] =	sst s8  }
0x11: {  	[smem:$0x3FB7] =	sst s9;
	s0 =	simm.s32 @!p0 $0x0  }
0x12: {  	s1 =	sld [smem:$0x3F9D];
	s0 =	simm.s32 @p0 $0x1  }
0x13: {  	[smem:$0x3FB8] =	sst s0;
	s0 =	simm.s32 @!p1 $0x0  }
0x14: {  	s2 =	sld [smem:$0x3F9C];
	s0 =	simm.s32 @p1 $0x1  }
0x15: {  	[smem:$0x3FB9] =	sst s0;
	s0 =	simm.s32 @!p2 $0x0  }
0x16: {  	s3 =	sld [smem:$0x3FDB];
	s0 =	simm.s32 @p2 $0x1  }
0x17: {  	s4 =	simm.s32 $0x1BF5;
	[smem:$0x3FBB] =	sst s0  }
0x18: {  	s0 =	sld [smem:$0x3F9E];
	_ =	swait.ge [sflag:s4], $0x0  }
0x19: {  	s7 =	sld [smem:$0x3F9F]  }
0x1a: {  	s8 =	sadd.s32 $0xFFFFE003, lr  }
0x1b: {  	s9 =	sadd.s32 $0xFFFFFEF7, lr;
	s5 =	simm.s32 $0xFFFFFFFF;
	p2 =	slt.u32 s8, $0xFFFFF086  }
0x1c: {  	p1 =	slt.u32 s9, $0xF7A;
	s5 =	simm.s32 @!p2 $0x0  }
0x1d: {  	s5 =	simm.s32 @p1 $0x1;
	p0 =	seq.s32 s7, s2  }
0x1e: {  	s7 =	smul.u32 @!p0 $0xF7A, s2;
	p2 =	seq.s32 @!p0 s5, $0x0  }
0x1f: {  	s9 =	smul.u32 $0xF7A, s1;
	s8 =	simm.s32 @!p0 $0x1BF5;
	p2 =	por !p2, p0  }
0x20: {  	[sflag:s8] =	ssyncset.s32 @!p0 $0xFFFFF086;
	s6 =	sadd.s32 @!p0 s3, s7;
	s7 =	simm.s32 @!p0 $0x108  }
0x21: {  	s3 =	sadd.s32 s3, s9;
	s6 =	sadd.s32 @!p0 $0x88, s6;
	s7 =	simm.s32 @p2 $0x1082  }
0x22: {  	[simem:s7], [sflag:s8] =	dma.local @!p0 [hbm:s6], $0xF7A  }
0x23: {  	s9 =	sor.u32 $0xD0000000, s2;
	s6 =	simm.s32 $0x108;
	_ =	swait.ge @!p0 [sflag:s8], $0x0  }
0x24: {  	s3 =	sadd.s32 $0x88, s3;
	s6 =	simm.s32 @!p1 $0x1082;
	[sflag:s4] =	ssyncset.s32 $0xFFFFF086  }
0x25: {  	[simem:s6], [sflag:s4] =	dma.local [hbm:s3], $0xF7A  }
0x26: {  	[smem:$0x3F9F] =	sst s1;
	(tag) =	ssettag s2;
	_ =	strace s9  }
0x27: {  	s1 =	sld [smem:$0x3FAF]  }
0x28: {  	s2 =	sld [smem:$0x3FB0]  }
0x29: {  	s4 =	sld [smem:$0x3FB2]  }
0x2a: {  	p0 =	seq.s32 s5, $0x0;
	s5 =	sld [smem:$0x3FB3]  }
0x2b: {  	s6 =	sld [smem:$0x3FB4]  }
0x2c: {  	s7 =	sld [smem:$0x3FB5]  }
0x2d: {  	s3 =	simm.s32 $0x108;
	s8 =	sld [smem:$0x3FB6]  }
0x2e: {  	s3 =	simm.s32 @!p0 $0x1082;
	s9 =	sld [smem:$0x3FB7]  }
0x2f: {  	lr =	sadd.s32 s0, s3;
	s0 =	sld [smem:$0x3FAE]  }
0x30: {  	s3 =	sld [smem:$0x3FB1]  }
0x31: {  	[smem:$0x3FBA] =	sst s10  }
0x32: {  	s10 =	sld [smem:$0x3FB8];
	_ =	sdelay $0x3  }
0x33: {  	p0 =	seq.s32 s10, $0x1;
	s10 =	sld [smem:$0x3FBA];
	_ =	sdelay $0x3  }
0x34: {  	[smem:$0x3FBA] =	sst s10  }
0x35: {  	s10 =	sld [smem:$0x3FB9];
	_ =	sdelay $0x3  }
0x36: {  	p1 =	seq.s32 s10, $0x1;
	s10 =	sld [smem:$0x3FBA];
	_ =	sdelay $0x3  }
0x37: {  	[smem:$0x3FBA] =	sst s10  }
0x38: {  	s10 =	sld [smem:$0x3FBB]  }
0x39: {  	_ = 	snop;
	(pc) =	sbr.ind lr, $3  }
0x3a: {  	_ = 	snop  }
0x3b: {  	_ = 	snop  }
0x3c: {  	p2 =	seq.s32 s10, $0x1;
	s10 =	sld [smem:$0x3FBA]  }
0x3d: {  	_ =	shalt  }
0x3e: {  	_ =	shalt  }
0x3f: {  	_ =	shalt  }
0x40: {  	_ =	shalt  }
0x41: {  	_ =	shalt  }
0x42: {  	_ =	shalt  }
0x43: {  	_ =	shalt  }
0x44: {  	_ =	shalt  }
0x45: {  	_ =	shalt  }
0x46: {  	_ =	shalt  }
0x47: {  	_ =	shalt  }
0x48: {  	_ =	shalt  }
0x49: {  	_ =	shalt  }
0x4a: {  	_ =	shalt  }
0x4b: {  	_ =	shalt  }
0x4c: {  	_ =	shalt  }
0x4d: {  	_ =	shalt  }
0x4e: {  	_ =	shalt  }
0x4f: {  	_ =	shalt  }
0x50: {  	_ =	shalt  }
0x51: {  	_ =	shalt  }
0x52: {  	_ =	shalt  }
0x53: {  	_ =	shalt  }
0x54: {  	_ =	shalt  }
0x55: {  	_ =	shalt  }
0x56: {  	_ =	shalt  }
0x57: {  	_ =	shalt  }
0x58: {  	_ =	shalt  }
0x59: {  	_ =	shalt  }
0x5a: {  	_ =	shalt  }
0x5b: {  	_ =	shalt  }
0x5c: {  	_ =	shalt  }
0x5d: {  	_ =	shalt  }
0x5e: {  	_ =	shalt  }
0x5f: {  	_ =	shalt  }
0x60: {  	_ =	shalt  }
0x61: {  	_ =	shalt  }
0x62: {  	_ =	shalt  }
0x63: {  	_ =	shalt  }
0x64: {  	_ =	shalt  }
0x65: {  	_ =	shalt  }
0x66: {  	_ =	shalt  }
0x67: {  	_ =	shalt  }
0x68: {  	_ =	shalt  }
0x69: {  	_ =	shalt  }
0x6a: {  	_ =	shalt  }
0x6b: {  	_ =	shalt  }
0x6c: {  	_ =	shalt  }
0x6d: {  	_ =	shalt  }
0x6e: {  	_ =	shalt  }
0x6f: {  	_ =	shalt  }
0x70: {  	_ =	shalt  }
0x71: {  	_ =	shalt  }
0x72: {  	_ =	shalt  }
0x73: {  	_ =	shalt  }
0x74: {  	_ =	shalt  }
0x75: {  	_ =	shalt  }
0x76: {  	_ =	shalt  }
0x77: {  	_ =	shalt  }
0x78: {  	_ =	shalt  }
0x79: {  	_ =	shalt  }
0x7a: {  	_ =	shalt  }
0x7b: {  	_ =	shalt  }
0x7c: {  	_ =	shalt  }
0x7d: {  	_ =	shalt  }
0x7e: {  	_ =	shalt  }
0x7f: {  	_ =	shalt  }
0x80: {  	_ =	shalt  }
0x81: {  	_ =	shalt  }
0x82: {  	_ =	shalt  }
0x83: {  	_ =	shalt  }
0x84: {  	_ =	shalt  }
0x85: {  	_ =	shalt  }
0x86: {  	_ =	shalt  }
0x87: {  	_ =	shalt  }
.Lfunc_end0:
.L_simem_size_0:
called_computation_lowered:
.L_overlay_start_0:
0x88: {  	s2 =	sld [smem:$0x3FD9]  }
0x89: {  	s3 =	sld [smem:$0x3FFE];
	_ =	sdelay $0x1  }
0x8a: {  	s1 =	srdreg.scid  }
0x8b: {  	s0 =	sand.u32 $0x1, s1  }
0x8c: {  	s17 =	sshll.u32 s0, $0xA;
	s2 =	sadd.s32 s3, s2  }
0x8d: {  	s2 =	sadd.s32 s2, s17  }
0x8e: {  	[smem:$0x3FC6] =	sst s2  }
0x8f: {  	_ = 	snop  }
0x90: {  	s2 =	sld [smem:$0x3FC9];
	(tm) =	ssettm $0x1  }
0x91: {  	s18 =	sld [smem:$0x3FFB];
	_ =	sdelay $0x3  }
0x92: {  	_ =	strace s18  }
0x93: {  	s3 =	sld [smem:$0x3FFC];
	_ =	sdelay $0x3  }
0x94: {  	_ =	strace s3  }
0x95: {  	s3 =	sld [smem:$0x3FFD];
	_ =	sdelay $0x3  }
0x96: {  	_ =	strace s3  }
0x97: {  	_ =	strace $0x8FFFFFFF  }
0x98: {  	s19 =	sld [smem:$0x3FDB];
	_ =	sdelay $0x1  }
0x99: {  	s4 =	simm.s32 $_scs_section_size  }
0x9a: {  	s5 =	simm.s32 $_size__tile_overlayer_lowered;
	s6 =	simm.s32 $_tile_overlayer_lowered  }
0x9b: {  	s22 =	simm.s32 $0x1BFF;
	s21 =	sshll.u32 s6, $0x1;
	s3 =	sadd.s32 s4, s19  }
0x9c: {  	s7 =	simm.s32 $0x0;
	s20 =	sshll.u32 s5, $0x1;
	s5 =	sadd.s32 s21, s3  }
0x9d: {  	[timem:s7], [sflag:s22] =	dma.local [hbm:s5], s20  }
0x9e: {  	_ =	swait.ge [sflag:s22], s20  }
0x9f: {  	s4 =	ssub.s32 $0x0, s20;
	[sflag:s22] =	ssyncset.done $0x0  }
0xa0: {  	[sflag:s22] =	ssyncadd.s32 s4;
	_ =	sdelay $0x1  }
0xa1: {  	s23 =	simm.s32 $0x1B8B  }
0xa2: {  	_ =	swait.ge [sflag:s23], $0x1  }
0xa3: {  	[sflag:s23] =	ssyncset.done $0x0  }
0xa4: {  	s25 =	simm.s32 $0x1B8E;
	s24 =	sld [smem:$0x3FFE];
	[sflag:s23] =	ssyncadd.s32 $0xFFFFFFFF  }
0xa5: {  	s26 =	simm.s32 $execute0_lowered;
	[smem:$0x3FD2] =	sst s25  }
0xa6: {  	s5 =	sshll.u32 s26, $0x1;
	_ =	strace $0x80000046;
	[dreg:$0x1] =	wrdreg $0xFFFFFFFF  }
0xa7: {  	s28 =	simm.s32 $_size_execute0_lowered;
	s3 =	sadd.s32 s3, s5;
	[dreg:$0x0] =	wrdreg $0x0  }
0xa8: {  	s5 =	sshll.u32 s28, $0x1;
	[dreg:$0x2] =	wrdreg s3  }
0xa9: {  	[dreg:$0x3] =	wrdreg s5  }
0xaa: {  	[dreg:$0x4] =	wrdreg $0xC0  }
0xab: {  	_ =	task [dreg:s7], $0x5FFFF  }
0xac: {  	[dreg:$0x1] =	wrdreg $0xFFFFFFFF  }
0xad: {  	[dreg:$0x0] =	wrdreg $0x60  }
0xae: {  	[dreg:$0x2] =	wrdreg s2  }
0xaf: {  	[dreg:$0x3] =	wrdreg s24  }
0xb0: {  	[dreg:$0x4] =	wrdreg $0x9  }
0xb1: {  	_ =	task.clear_ibuf [dreg:s7], $0x5FFFF;
	_ =	strace $0x90000046  }
0xb2: {  	s29 =	simm.s32 $0x9;
	_ =	strace $0x80000048  }
0xb3: {  	_ =	swait.ge [sflag:s29], $0x1  }
0xb4: {  	[sflag:s29] =	ssyncadd.s32 $0xFFFFFFFF  }
0xb5: {  	_ =	strace $0x90000048  }
0xb6: {  	_ =	sfence  }
0xb7: {  	s30 =	sld [smem:$0x0];
	_ =	sdelay $0x2  }
0xb8: {  	s31 =	sshll.u32 s1, $0xD;
	s1 =	sshrl.u32 s1, $0x2  }
0xb9: {  	s3 =	sand.u32 $0x4000, s31;
	s1 =	sadd.s32 s1, s30  }
0xba: {  	s0 =	sor.u32 s3, s0;
	s1 =	sshll.u32 s1, $0x11  }
0xbb: {  	s0 =	sor.u32 s1, s0  }
0xbc: {  	s0 =	sadd.s32 $0x8F2B, s0  }
0xbd: {  	[sflag:s0] =	ssyncadd.remote.s32 $0x1  }
0xbe: {  	_ =	sfence.sel $0xFFFF  }
0xbf: {  	[dreg:$0x0] =	wrdreg $0xFFFFFFFF;
	(pc) =	sbr.abs _section_cstart, $3  }
0xc0: {  	[dreg:$0x1] =	wrdreg $0xFFFFFFFF  }
0xc1: {  	_ =	task.clear_ibuf [dreg:s7], $0x2FFFF;
	_ =	strace $0x9FFFFFFF  }
0xc2: {  	(tm) =	ssettm $0x7FFFFFFF  }
0xc3: {  	_ =	shalt  }
tec
execute0_lowered:
.L_overlay_start_1:
0x0: {  	(tag) =	ssettag $0x1  }
0x1: {  	s2 =	rddreg [dreg:$0x0];
	s0 =	srdreg.scid  }
0x2: {  	s3 =	stileid.u32;
	s1 =	rddreg [dreg:$0x1];
	s10 =	simm.s32 $0x3  }
0x3: {  	s11 =	simm.s32 $0x180;
	s12 =	simm.s32 $0x5300;
	s13 =	simm.s32 $0x1  }
0x4: {  	s14 =	simm.s32 $0x2;
	s0 =	sand.u32 $0x1, s0;
	s4 =	sshll.u32 s3, $0x1  }
0x5: {  	s16 =	simm.s32 $0x0;
	s3 =	simm.s32 $0x0;
	s5 =	sor.u32 s0, s4  }
0x6: {  	[smem:$0x7FF] =	sst s3;
	s0 =	ssub.s32 $0x2, s0;
	s4 =	sshll.u32 s5, $0x9  }
0x7: {  	s29 =	sshrl.u32 s0, $0x1;
	s6 =	smul.u32 $0x9C40, s5;
	s1 =	sadd.s32 s4, s1  }
0x8: {  	_ =	strace $0x80000047;
	s5 =	sshll.u32 s5, $0x2;
	s30 =	sadd.s32 $0x400, s1  }
0x9: {  	s0 =	ssub.s32 s0, s29;
	s31 =	sadd.s32 s2, s6;
	[dreg:$0x7] =	wrdreg s30  }
0xa: {  	v0 =	vimm.f32 $0.0e+00;
	vm0 =	vcmask $0x3F3C;
	s7 =	sadd.s32 $0x4400, s1;
	s8 =	smax.u32 s0, $0x1;
	[dreg:$0x8] =	wrdreg s31  }
.LBB2_1:
0xb: {  	s0 =	rddreg [dreg:$0x7];
	s1 =	simm.s32 $0xA600  }
0xc: {  	[tilespmem:s1], [sflag:$0x3] =	stream.linear.gather [hbm4b:s0+s3], $0x1000, $0x38;
	[tilespmem:$0xCA80] =	vst v63  }
0xd: {  	s17 =	simm.s32 $0xA603;
	s18 =	simm.s32 $0xA703;
	_ =	swait.ge [sflag:s10], $0x1000  }
0xe: {  	s19 =	simm.s32 $0xA803;
	s20 =	simm.s32 $0xA903;
	[sflag:s10] =	ssyncset.done $0x0  }
0xf: {  	s21 =	simm.s32 $0x0;
	s31 =	rddreg [dreg:$0x8];
	[sflag:s10] =	ssyncadd.s32 $0xFFFFF000  }
0x10: {  	[tilespmem:s11], [sflag:$0x1] =	stream.linear.gather [hbm4b:s31+s3], $0x5000, $0x38;
	[tilespmem:$0xCA80] =	vst v63  }
.LBB2_2:
0x11: {  	s0 =	sor.u32 s5, s21  }
0x12: {  	s0 =	smul.u32 $0x13880, s0;
	_ =	sdelay $0x1  }
0x13: {  	s0 =	sshrl.u32 s0, $0x3  }
0x14: {  	s23 =	sadd.s32 s2, s0  }
0x15: {  	s1 =	simm.s32 $0x0;
	s0 =	sadd.s32 $0x9D0, s23  }
0x16: {  	[tilespmem:s12], [sflag:$0x2] =	stream.linear.gather [hbm4b:s0+s1], $0x5180, $0x38;
	[tilespmem:$0xCA80] =	vst v63  }
0x17: {  	_ =	swait.ge [sflag:s13], $0x5000  }
0x18: {  	[sflag:s13] =	ssyncset.done $0x0  }
0x19: {  	[sflag:s13] =	ssyncadd.s32 $0xFFFFB000  }
0x1a: {  	[tilespmem:$0x0] =	vst v0  }
0x1b: {  	[tilespmem:$0x10] =	vst v0  }
0x1c: {  	[tilespmem:$0x20] =	vst v0  }
0x1d: {  	[tilespmem:$0x30] =	vst v0  }
0x1e: {  	[tilespmem:$0x40] =	vst v0  }
0x1f: {  	[tilespmem:$0x50] =	vst v0  }
0x20: {  	[tilespmem:$0x60] =	vst v0  }
0x21: {  	[tilespmem:$0x70] =	vst v0  }
0x22: {  	[tilespmem:$0x80] =	vst v0  }
0x23: {  	[tilespmem:$0x90] =	vst v0  }
0x24: {  	[tilespmem:$0xA0] =	vst v0  }
0x25: {  	[tilespmem:$0xB0] =	vst v0  }
0x26: {  	[tilespmem:$0xC0] =	vst v0  }
0x27: {  	[tilespmem:$0xD0] =	vst v0  }
0x28: {  	[tilespmem:$0xE0] =	vst v0  }
0x29: {  	[tilespmem:$0xF0] =	vst v0  }
0x2a: {  	[tilespmem:$0x100] =	vst v0  }
0x2b: {  	[tilespmem:$0x110] =	vst v0  }
0x2c: {  	[tilespmem:$0x120] =	vst v0  }
0x2d: {  	v1 =	vmov s17;
	[tilespmem:$0x130] =	vst v0  }
0x2e: {  	s22 =	sshll.u32 s21, $0xA;
	[tilespmem:$0x140] =	vst v0  }
0x2f: {  	s25 =	sadd.s32 $0xA600, s22;
	[tilespmem:$0x150] =	vst v0  }
0x30: {  	s15 =	simm.s32 $0x0;
	[dreg:$0x3] =	wrdreg s25;
	[tilespmem:$0x160] =	vst v0  }
0x31: {  	s24 =	simm.s32 $0x0;
	s25 =	sand.u32 $0x80, s15;
	s9 =	rddreg [dreg:$0x3];
	[tilespmem:$0x170] =	vst v0  }
0x32: {  	s26 =	simm.s32 $0x1;
	s15 =	sand.u32 $0x7C, s15;
	s9 =	sadd.s32 s25, s9;
	v2 =	vld.idx.msk [tilespmem:v1+s24+$0x0 ss:$0x1], $0xffff  }
0x33: {  	s25 =	sand.u32 $0x7D, s26;
	s15 =	sadd.s32 s15, s9  }
0x34: {  	s4 =	sadd.s32 s25, s9;
	v3 =	vld [tilespmem:s15+$0x0]  }
0x35: {  	s0 =	simm.s32 $0x2B0;
	v4 =	vld [tilespmem:s4+$0x0]  }
0x36: {  	v7 =	vld [tilespmem:s0+$0xFFFFFF50]  }
0x37: {  	v9 =	vld [tilespmem:s0+$0xFFFFFF40];
	(v2sf) =	vpush v2, $0x0  }
0x38: {  	v10 =	vld [tilespmem:s0+$0xFFFFFF30]  }
0x39: {  	v13 =	vld [tilespmem:s0+$0xFFFFFFD0]  }
0x3a: {  	v8 =	vld [tilespmem:s0+$0xFFFFFFA0]  }
0x3b: {  	s26 =	simm.s32 $0x2;
	v14 =	vld [tilespmem:s0+$0xFFFFFF90];
	(v2sf) =	vpush v3, $0x0  }
0x3c: {  	s6 =	sand.u32 $0x7E, s26;
	v15 =	vld [tilespmem:s0+$0xFFFFFF80]  }
0x3d: {  	s9 =	sadd.s32 s6, s9;
	v6 =	vld [tilespmem:s0+$0xFFFFFFF0];
	(v2sf) =	vpush v4, $0x0  }
0x3e: {  	v5 =	vld [tilespmem:s9+$0x0]  }
0x3f: {  	s26 =	simm.s32 $0x1D0;
	v16 =	vld [tilespmem:s0+$0xFFFFFFE0]  }
0x40: {  	s25 =	simm.s32 $0x50;
	s15 =	sand.u32 $0xFF80, s26;
	v18 =	vld [tilespmem:s0+$0xFFFFFF00]  }
0x41: {  	s4 =	simm.s32 $0x180;
	v19 =	vld [tilespmem:s0+$0xFFFFFEF0];
	s9 =	sand.u32 $0x50, s25;
	s25 =	simm.s32 $0x0  }
0x42: {  	v62 =	vld [tilespmem:s0+$0xFFFFFF60];
	s6 =	sand.u32 $0xFF80, s4;
	s9 =	sor.u32 s9, s15;
	s25 =	sand.u32 $0x40, s25  }
0x43: {  	v11 =	vld [tilespmem:s9+$0x0];
	s15 =	sor.u32 s25, s6;
	(v2sf) =	vpush v5, $0x0  }
0x44: {  	s1 =	simm.s32 $0x270;
	s25 =	simm.s32 $0xF0;
	v12 =	vld [tilespmem:s15+$0x0]  }
0x45: {  	s1 =	sand.u32 $0xFF80, s1;
	s9 =	sand.u32 $0x70, s25;
	v2 =	vld [tilespmem:s0+$0xFFFFFFB0]  }
0x46: {  	s1 =	sor.u32 s9, s1;
	v3 =	vld [tilespmem:s0+$0xFFFFFF10];
	s26 =	spop (v2sf)  }
0x47: {  	s4 =	simm.s32 $0xA0;
	s6 =	simm.s32 $0x220;
	v17 =	vld [tilespmem:s1+$0x0];
	s9 =	sshll.u32 s26, $0x2  }
0x48: {  	s25 =	sand.u32 $0xFF80, s6;
	s15 =	sand.u32 $0x60, s4;
	v4 =	vld [tilespmem:s0+$0x0];
	s1 =	ssub.s32 $0x0, s9  }
0x49: {  	v5 =	vld [tilespmem:s0+$0xFFFFFEE0];
	s9 =	sor.u32 s15, s25;
	s1 =	sshra.s32 s1, $0x2  }
0x4a: {  	s26 =	spop (v2sf);
	v20 =	vld [tilespmem:s9+$0x0];
	s1 =	sadd.s32 $0x2B0, s1  }
0x4b: {  	s15 =	sshll.u32 s26, $0x2;
	v21 =	vld [tilespmem:s1+$0xFFFFFFC0]  }
0x4c: {  	v23 =	vmul.f32 v9, v9;
	s4 =	spop (v2sf);
	s15 =	ssub.s32 $0x0, s15;
	v22 =	vld [tilespmem:s1+$0xFFFFFFD0]  }
0x4d: {  	v26 =	vmul.f32 v10, v10;
	v29 =	vmul.f32 v14, v14;
	s9 =	sshll.u32 s4, $0x2;
	s15 =	sshra.s32 s15, $0x2;
	v24 =	vld [tilespmem:s1+$0xFFFFFFE0]  }
0x4e: {  	v31 =	vmul.f32 v7, v7;
	v32 =	vmul.f32 v15, v15;
	s6 =	ssub.s32 $0x0, s9;
	s9 =	sadd.s32 $0x2B0, s15;
	v61 =	vld [tilespmem:s1+$0x0]  }
0x4f: {  	v35 =	vmul.f32 v13, v13;
	v25 =	vmul.f32 v11, v11;
	v27 =	vld [tilespmem:s9+$0xFFFFFED0]  }
0x50: {  	v37 =	vmul.f32 v16, v16;
	v43 =	vmul.f32 v8, v8;
	v46 =	vld [tilespmem:s9+$0xFFFFFEE0]  }
0x51: {  	v25 =	vadd.f32 v26, v25;
	v26 =	vmul.f32 v6, v6;
	v38 =	vmul.f32 v17, v17;
	s26 =	sshra.s32 s6, $0x2;
	v55 =	vld [tilespmem:s9+$0xFFFFFEF0]  }
0x52: {  	v44 =	vmul.f32 v18, v18;
	v52 =	vmul.f32 v19, v19;
	s4 =	spop (v2sf);
	s15 =	sadd.s32 $0x2B0, s26;
	v56 =	vld [tilespmem:s9+$0xFFFFFF00]  }
0x53: {  	v40 =	vmul.f32 v12, v12;
	v26 =	vadd.f32 v26, v37;
	v35 =	vadd.f32 v35, v38;
	s25 =	sshll.u32 s4, $0x2;
	v30 =	vld [tilespmem:s15+$0xFFFFFF20]  }
0x54: {  	v29 =	vadd.f32 v43, v29;
	v42 =	vmul.f32 v2, v2;
	v34 =	vmul.f32 v3, v3;
	s25 =	ssub.s32 $0x0, s25;
	v33 =	vld [tilespmem:s15+$0xFFFFFF30]  }
0x55: {  	v54 =	vmul.f32 v4, v4;
	v28 =	vmul.f32 v5, v5;
	v26 =	vadd.f32 v26, v35;
	s25 =	sshra.s32 s25, $0x2;
	v36 =	vld [tilespmem:s15+$0xFFFFFF40]  }
0x56: {  	v23 =	vadd.f32 v31, v23;
	v39 =	vld [tilespmem:s15+$0xFFFFFF50];
	s6 =	sadd.s32 $0x2B0, s25;
	v45 =	vmul.f32 v20, v20;
	v13 =	vmul.f32 v22, v13  }
0x57: {  	v26 =	vadd.f32 v26, v54;
	v41 =	vld [tilespmem:s6+$0xFFFFFF70];
	v22 =	vmul.f32 v22, v22;
	v17 =	vmul.f32 v21, v17  }
0x58: {  	v23 =	vadd.f32 v23, v25;
	v51 =	vld [tilespmem:s6+$0xFFFFFF90];
	v47 =	vmul.f32 v24, v16;
	v21 =	vmul.f32 v21, v21  }
0x59: {  	v28 =	vadd.f32 v28, v40;
	(xrf2) =	vadd.scan.msk.f32 $0xffff, v26;
	v53 =	vld [tilespmem:s6+$0xFFFFFFA0];
	v24 =	vmul.f32 v24, v24;
	v26 =	vmul.f32 v61, v61  }
0x5a: {  	s25 =	simm.s32 $0x4;
	v58 =	vld [tilespmem:s6+$0xFFFFFFB0];
	v32 =	vadd.f32 v32, v45;
	v57 =	vmul.f32 v27, v12;
	v19 =	vmul.f32 v55, v19  }
0x5b: {  	v25 =	vld.idx.msk [tilespmem:v1+s25+$0x0 ss:$0x1], $0xffff;
	v16 =	vadd.f32 v44, v52;
	v5 =	vmul.f32 v46, v5;
	v11 =	vmul.f32 v30, v11  }
0x5c: {  	s26 =	simm.s32 $0x4;
	v60 =	vld [tilespmem:s9+$0xFFFFFF10];
	v12 =	vadd.f32 v29, v32;
	v30 =	vmul.f32 v30, v30;
	v10 =	vmul.f32 v33, v10  }
0x5d: {  	s4 =	rddreg [dreg:$0x3];
	s28 =	sand.u32 $0x80, s26;
	v50 =	vld [tilespmem:s6+$0xFFFFFF80];
	v9 =	vmul.f32 v36, v9;
	v21 =	vadd.f32 v22, v21;
	v22 =	vmul.f32 v39, v39  }
0x5e: {  	s6 =	sand.u32 $0x7C, s26;
	v16 =	vadd.f32 v16, v28;
	v28 =	vld [tilespmem:s15+$0xFFFFFF60];
	s15 =	sadd.s32 s28, s4;
	s28 =	simm.s32 $0x5;
	v7 =	vmul.f32 v39, v7;
	v20 =	vmul.f32 v41, v20  }
0x5f: {  	v29 =	vld [tilespmem:s1+$0xFFFFFFF0];
	v63 =	vadd.f32 v13, v17;
	s4 =	sadd.s32 s6, s15;
	s6 =	sand.u32 $0x7D, s28;
	v14 =	vmul.f32 v51, v14;
	v8 =	vmul.f32 v53, v8  }
0x60: {  	s28 =	simm.s32 $0x6;
	v41 =	vmul.f32 v41, v41;
	(v2sf) =	vpush v25, $0x0;
	v25 =	vmul.f32 v58, v2;
	v13 =	vld [tilespmem:s4+$0x0];
	s1 =	sadd.s32 s6, s15  }
0x61: {  	v31 =	vadd.f32 v12, v42;
	v12 =	vmul.f32 v33, v33;
	v59 =	vadd.f32 v16, v34;
	s4 =	sand.u32 $0x7E, s28;
	s28 =	simm.s32 $0x3F0;
	v48 =	vld [tilespmem:s1+$0x0]  }
0x62: {  	v16 =	vmul.f32 v36, v36;
	v10 =	vadd.f32 v10, v11;
	v11 =	vmul.f32 v50, v50;
	v2 =	vld [tilespmem:s28+$0xFFFFFF10]  }
0x63: {  	v7 =	vadd.f32 v7, v9;
	v9 =	vmul.f32 v56, v18;
	s6 =	sadd.s32 s4, s15;
	v8 =	vadd.f32 v8, v14;
	v35 =	vld [tilespmem:s28+$0xFFFFFFD0]  }
0x64: {  	v17 =	vadd.f32 v22, v16;
	v16 =	vmul.f32 v50, v15;
	v30 =	vadd.f32 v12, v30;
	v49 =	vld [tilespmem:s6+$0x0]  }
0x65: {  	v22 =	vmul.f32 v53, v53;
	v15 =	vld [tilespmem:s28+$0xFFFFFF50];
	v10 =	vadd.f32 v7, v10;
	(v2sf) =	vpush v13, $0x0  }
0x66: {  	v12 =	vld [tilespmem:s28+$0xFFFFFF30];
	v7 =	vadd.f32 v9, v19;
	v9 =	vmul.f32 v27, v27;
	(v2sf) =	vpush v48, $0x0  }
0x67: {  	s9 =	simm.s32 $0x190;
	v19 =	vadd.f32 v5, v57;
	v5 =	vmul.f32 v46, v46;
	v18 =	vadd.f32 v16, v20;
	v16 =	vld [tilespmem:s28+$0xFFFFFF40]  }
0x68: {  	s0 =	sand.u32 $0x50, s9;
	s15 =	simm.s32 $0x310;
	v11 =	vadd.f32 v11, v41;
	v14 =	vadd.f32 v17, v30;
	v30 =	vmul.f32 v60, v3;
	v3 =	vld [tilespmem:s28+$0xFFFFFFB0]  }
0x69: {  	s4 =	simm.s32 $0x140;
	s1 =	sand.u32 $0xFF80, s15;
	s6 =	simm.s32 $0x2C0;
	v27 =	vmul.f32 v56, v56;
	v6 =	vmul.f32 v29, v6;
	v9 =	vadd.f32 v5, v9;
	v5 =	vld [tilespmem:s28+$0xFFFFFEE0]  }
0x6a: {  	s9 =	sand.u32 $0x40, s4;
	s0 =	sor.u32 s0, s1;
	s15 =	sand.u32 $0xFF80, s6;
	v29 =	vmul.f32 v29, v29;
	v50 =	vmul.f32 v28, v62;
	v19 =	vadd.f32 v7, v19;
	v7 =	vld [tilespmem:s28+$0xFFFFFFA0]  }
0x6b: {  	s4 =	sor.u32 s9, s15;
	v20 =	vmul.f32 v51, v51;
	v13 =	vld [tilespmem:s0+$0x0];
	v6 =	vadd.f32 v6, v47;
	(v2sf) =	vpush v49, $0x0  }
0x6c: {  	s29 =	simm.s32 $0x3B0;
	(xrf2) =	vadd.scan.msk.f32 $0xffff, v59;
	s6 =	simm.s32 $0x230;
	v17 =	vld [tilespmem:s4+$0x0];
	v24 =	vadd.f32 v29, v24;
	v51 =	vadd.f32 v8, v18;
	v8 =	vmul.f32 v55, v55  }
0x6d: {  	v28 =	vmul.f32 v28, v28;
	(xrf2) =	vadd.scan.msk.f32 $0xffff, v31;
	s9 =	sand.u32 $0xFF80, s29;
	s0 =	sand.u32 $0x70, s6;
	v31 =	vadd.f32 v10, v50;
	v10 =	vld [tilespmem:s28+$0xFFFFFF00];
	v20 =	vadd.f32 v22, v20  }
0x6e: {  	v22 =	vmul.f32 v61, v4;
	v4 =	vld [tilespmem:s28+$0x0];
	s0 =	sor.u32 s0, s9;
	v52 =	vadd.f32 v27, v8;
	v8 =	vmul.f32 v62, v62  }
0x6f: {  	v34 =	vmul.f32 v60, v60;
	v18 =	vadd.f32 v14, v28;
	v6 =	vadd.f32 v6, v63;
	v32 =	vld [tilespmem:s0+$0x0]  }
0x70: {  	v14 =	vmul.f32 v58, v58;
	v11 =	vadd.f32 v20, v11;
	v20 =	vld [tilespmem:s28+$0xFFFFFF90];
	v23 =	vadd.f32 v23, v8  }
0x71: {  	v39 =	vadd.f32 v19, v30;
	v38 =	vmul.f32 v2, v2;
	v27 =	vld [tilespmem:s28+$0xFFFFFF80];
	v6 =	vadd.f32 v6, v22;
	s15 =	spop (v2sf)  }
0x72: {  	s4 =	simm.s32 $0x360;
	s9 =	simm.s32 $0x1E0;
	v25 =	vadd.f32 v51, v25;
	v28 =	vmul.f32 v16, v16;
	v22 =	vld [tilespmem:s28+$0xFFFFFFE0];
	v53 =	vmul.f32 v5, v5;
	(xrf2) =	vadd.scan.msk.f32 $0xffff, v23;
	s6 =	sshll.u32 s15, $0x2  }
0x73: {  	s9 =	sand.u32 $0x60, s9;
	v30 =	vmul.f32 v3, v3;
	v59 =	vmul.f32 v7, v7;
	v8 =	vld [tilespmem:s28+$0xFFFFFFF0];
	v9 =	vadd.f32 v52, v9;
	(xrf2) =	vadd.scan.msk.f32 $0xffff, v6;
	s15 =	sand.u32 $0xFF80, s4;
	s0 =	ssub.s32 $0x0, s6  }
0x74: {  	v29 =	vmul.f32 v13, v13;
	v14 =	vadd.f32 v11, v14;
	v11 =	vld [tilespmem:s28+$0xFFFFFEF0];
	v6 =	vadd.f32 v24, v21;
	s1 =	sor.u32 s9, s15;
	s0 =	sshra.s32 s0, $0x2;
	s4 =	spop (v2sf)  }
0x75: {  	v42 =	vmul.f32 v10, v10;
	v56 =	vmul.f32 v4, v4;
	v19 =	vadd.f32 v9, v34;
	(xrf2) =	vadd.scan.msk.f32 $0xffff, v25;
	v40 =	vld [tilespmem:s1+$0x0];
	s31 =	sadd.s32 $0x3F0, s0;
	s9 =	sshll.u32 s4, $0x2;
	s6 =	spop (v2sf)  }
0x76: {  	v9 =	vmul.f32 v35, v35;
	v26 =	vadd.f32 v6, v26;
	v6 =	vmul.f32 v32, v32;
	v34 =	vld [tilespmem:s31+$0xFFFFFFC0];
	s15 =	ssub.s32 $0x0, s9;
	s0 =	sshll.u32 s6, $0x2  }
0x77: {  	v23 =	vmul.f32 v12, v12;
	v54 =	vmul.f32 v20, v20;
	v55 =	vld [tilespmem:s31+$0xFFFFFFD0];
	s1 =	sshra.s32 s15, $0x2;
	s0 =	ssub.s32 $0x0, s0  }
0x78: {  	v25 =	vmul.f32 v22, v22;
	v57 =	vmul.f32 v8, v8;
	v9 =	vadd.f32 v9, v6;
	v43 =	vld [tilespmem:s31+$0xFFFFFFE0];
	s1 =	sadd.s32 $0x3F0, s1;
	s0 =	sshra.s32 s0, $0x2  }
0x79: {  	v58, _, _ =	vpop (xrf2);
	v21 =	vmul.f32 v15, v15;
	v24 =	vmul.f32 v27, v27;
	(xrf2) =	vadd.scan.msk.f32 $0xffff, v14;
	v14 =	vld [tilespmem:s1+$0xFFFFFED0];
	s6 =	sadd.s32 $0x3F0, s0  }
0x7a: {  	v23 =	vadd.f32 v23, v29;
	v25 =	vadd.f32 v57, v25;
	v6, _, _ =	vpop (xrf2);
	(xrf2) =	vadd.scan.msk.f32 $0xffff, v26;
	s4 =	spop (v2sf);
	v26 =	vmul.f32 v40, v40;
	v61 =	vld [tilespmem:s6+$0xFFFFFF20]  }
0x7b: {  	v29 =	vmul.f32 v17, v17;
	v60 =	vmul.f32 v11, v11;
	v36 =	vadd.f32 v59, v54;
	v62, _, _ =	vpop (xrf2);
	s15 =	sshll.u32 s4, $0x2;
	v63 =	vld [tilespmem:s6+$0xFFFFFF30]  }
0x7c: {  	v25 =	vadd.f32 v25, v9;
	v9, _, _ =	vpop (xrf2);
	v49 =	vadd.f32 v24, v26;
	v50 =	vmul.f32 v55, v35;
	s0 =	ssub.s32 $0x0, s15;
	v48 =	vld [tilespmem:s6+$0xFFFFFF40]  }
0x7d: {  	v29 =	vadd.f32 v53, v29;
	(xrf2) =	vadd.scan.msk.f32 $0xffff, v19;
	v57 =	vmul.f32 v55, v55;
	v24, _, _ =	vpop (xrf2);
	v52 =	vmul.f32 v34, v32;
	s0 =	sshra.s32 s0, $0x2  }
0x7e: {  	v19 =	vmul.f32 v43, v22;
	v26 =	vadd.f32 v25, v56;
	[tilespmem:s24+$0xC603] =	vst.msk vm0, v24;
	v51 =	vld [tilespmem:s6+$0xFFFFFF50];
	v22 =	vadd.f32 v36, v49;
	s0 =	sadd.s32 $0x3F0, s0  }
0x7f: {  	[tilespmem:s24+$0xC783] =	vst.msk vm0, v58;
	v58, _, _ =	vpop (xrf2);
	v33 =	vld [tilespmem:s0+$0xFFFFFF70];
	v24 =	vmul.f32 v14, v17;
	v17 =	vadd.f32 v42, v60;
	v59 =	vmul.f32 v61, v13  }
0x80: {  	[tilespmem:s24+$0xC602] =	vst.msk vm0, v58;
	v60 =	vld [tilespmem:s0+$0xFFFFFF80];
	v13 =	vadd.f32 v21, v28;
	v25 =	vmul.f32 v61, v61;
	v61 =	vmul.f32 v63, v12  }
0x81: {  	[tilespmem:s24+$0xC782] =	vst.msk vm0, v62;
	v37 =	vld [tilespmem:s0+$0xFFFFFFA0];
	v12 =	vadd.f32 v22, v30;
	v36 =	vmul.f32 v48, v16;
	v62 =	vmul.f32 v48, v48  }
0x82: {  	(xrf2) =	vadd.scan.msk.f32 $0xffff, v31;
	v28 =	vld [tilespmem:s0+$0xFFFFFF90];
	v17 =	vadd.f32 v17, v29;
	v13 =	vadd.f32 v13, v23;
	v23 =	vmul.f32 v34, v34  }
0x83: {  	v31 =	vld [tilespmem:s31+$0xFFFFFFF0];
	v29 =	vmul.f32 v63, v63;
	v63 =	vmul.f32 v51, v51;
	v34 =	vadd.f32 v61, v59  }
0x84: {  	v32 =	vld [tilespmem:s1+$0xFFFFFF00];
	v21 =	vadd.f32 v17, v38;
	v17 =	vmul.f32 v43, v43;
	v38 =	vmul.f32 v33, v40  }
0x85: {  	(xrf2) =	vadd.scan.msk.f32 $0xffff, v39;
	v22, _, _ =	vpop (xrf2);
	v30 =	vld [tilespmem:s1+$0xFFFFFEE0];
	v40 =	vmul.f32 v51, v15;
	v15 =	vadd.f32 v63, v62;
	v35 =	vmul.f32 v60, v60  }
0x86: {  	[tilespmem:s24+$0xC902] =	vst.msk vm0, v22;
	v22 =	vld [tilespmem:s1+$0xFFFFFEF0];
	v16 =	vadd.f32 v57, v23;
	v41 =	vmul.f32 v60, v27;
	v27 =	vmul.f32 v37, v37;
	v23, _, _ =	vpop (xrf2)  }
0x87: {  	s30 =	simm.s32 $0x20;
	v39 =	vmul.f32 v28, v20;
	v20 =	vld [tilespmem:s6+$0xFFFFFF60];
	(xrf2) =	vadd.scan.msk.f32 $0xffff, v18;
	[tilespmem:s24+$0xC903] =	vst.msk vm0, v23;
	v23 =	vadd.f32 v50, v52;
	v18, _, _ =	vpop (xrf2)  }
.LBB2_3:
0x88: {  	v25 =	vadd.f32 v29, v25;
	v29 =	vld [tilespmem:s0+$0xFFFFFFB0];
	s0 =	smov.u32 s26;
	s26 =	sadd.s32 $0x4, s26  }
0x89: {  	s15 =	rddreg [dreg:$0x3];
	s9 =	sshra.s32 s30, $0x2;
	(xrf2) =	vadd.scan.msk.f32 $0xffff, v26;
	v26 =	vld [tilespmem:s1+$0xFFFFFF10];
	s4 =	sand.u32 $0x80, s26  }
0x8a: {  	v48 =	vld.idx.msk [tilespmem:v1+s9+$0x0 ss:$0x1], $0xffff;
	s1 =	sand.u32 $0x7C, s26;
	s4 =	sadd.s32 s4, s15  }
0x8b: {  	v50 =	vld [tilespmem:s31+$0x0];
	s6 =	sadd.s32 $0x5, s0;
	s1 =	sadd.s32 s1, s4;
	v11 =	vmul.f32 v22, v11;
	v10 =	vmul.f32 v32, v10  }
0x8c: {  	v7 =	vmul.f32 v37, v7;
	s0 =	sadd.s32 $0x6, s0;
	s15 =	sand.u32 $0x7D, s6;
	v51 =	vadd.f32 v15, v25;
	v49, _, _ =	vpop (xrf2);
	v8 =	vmul.f32 v31, v8;
	v25 =	vld [tilespmem:s1+$0x0]  }
0x8d: {  	v36 =	vadd.f32 v40, v36;
	s0 =	sand.u32 $0x7E, s0;
	s6 =	sadd.s32 s15, s4;
	v10 =	vadd.f32 v10, v11;
	v11 =	vmul.f32 v14, v14;
	v14 =	vld [tilespmem:s28+$0xFFFFFF60];
	[tilespmem:s24+$0xC601] =	vst.msk vm0, v49  }
0x8e: {  	v33 =	vmul.f32 v33, v33;
	v38 =	vadd.f32 v41, v38;
	s0 =	sadd.s32 s0, s4;
	v8 =	vadd.f32 v8, v19;
	v52 =	vld [tilespmem:s6+$0x0]  }
0x8f: {  	v28 =	vmul.f32 v28, v28;
	v7 =	vadd.f32 v7, v39;
	v53 =	vld [tilespmem:s0+$0x0];
	(v2sf) =	vpush v48, $0x0;
	s28 =	sadd.s32 $0x140, s28;
	v15, _, _ =	vpop (xrf2)  }
0x90: {  	v5 =	vmul.f32 v30, v5;
	v30 =	vmul.f32 v30, v30;
	v56 =	vadd.f32 v8, v23;
	v23 =	vld [tilespmem:s28+$0xFFFFFF90];
	[tilespmem:s24+$0xC600] =	vst.msk vm0, v15  }
0x91: {  	s29 =	sadd.s32 $0x140, s29;
	v55 =	vmul.f32 v32, v32;
	v54 =	vmul.f32 v26, v2;
	v15 =	vld [tilespmem:s28+$0xFFFFFF50];
	(v2sf) =	vpush v25, $0x0;
	[tilespmem:s24+$0xC780] =	vst.msk vm0, v6  }
0x92: {  	s15 =	sadd.s32 $0xFFFFFDE0, s29;
	s4 =	sadd.s32 $0xFFFFFF60, s29;
	v6 =	vadd.f32 v27, v28;
	v27 =	vmul.f32 v50, v4;
	v4 =	vmul.f32 v31, v31;
	v31 =	vld [tilespmem:s28+$0xFFFFFFD0];
	[tilespmem:s24+$0xC900] =	vst.msk vm0, v18  }
0x93: {  	s1 =	sand.u32 $0xFF80, s4;
	s4 =	sadd.s32 $0xFFFFFD90, s29;
	v5 =	vadd.f32 v5, v24;
	s6 =	sadd.s32 $0xFFFFFF10, s29;
	v2, _, _ =	vpop (xrf2);
	(xrf2) =	vadd.scan.msk.f32 $0xffff, v21;
	v18 =	vld [tilespmem:s28+$0xFFFFFF40];
	[tilespmem:s24+$0xC781] =	vst.msk vm0, v9;
	(v2sf) =	vpush v52, $0x0  }
0x94: {  	s0 =	sand.u32 $0x50, s15;
	s4 =	sand.u32 $0x40, s4;
	v11 =	vadd.f32 v30, v11;
	v30 =	vadd.f32 v7, v38;
	s15 =	sand.u32 $0xFF80, s6;
	v7 =	vmul.f32 v22, v22;
	v21 =	vld [tilespmem:s28+$0xFFFFFF30]  }
0x95: {  	v34 =	vadd.f32 v36, v34;
	s0 =	sor.u32 s0, s1;
	v24 =	vmul.f32 v29, v3;
	v3 =	vadd.f32 v35, v33;
	s1 =	sor.u32 s4, s15;
	[tilespmem:s24+$0xC901] =	vst.msk vm0, v2;
	v2 =	vld [tilespmem:s28+$0xFFFFFF10]  }
0x96: {  	v10 =	vadd.f32 v10, v5;
	v7 =	vadd.f32 v55, v7;
	v9 =	vmul.f32 v20, v20;
	v22 =	vld [tilespmem:s1+$0x0]  }
0x97: {  	v28 =	vmul.f32 v20, v14;
	v6 =	vadd.f32 v6, v3;
	v3 =	vld [tilespmem:s28+$0xFFFFFFB0];
	(v2sf) =	vpush v53, $0x0  }
0x98: {  	v19, _, _ =	vpop (xrf2);
	(xrf2) =	vadd.scan.msk.f32 $0xffff, v12;
	v5 =	vmul.f32 v14, v14;
	v25 =	vld [tilespmem:s0+$0x0];
	v20 =	vadd.f32 v51, v9;
	v9 =	vadd.f32 v4, v17  }
0x99: {  	v26 =	vmul.f32 v26, v26;
	v8 =	vadd.f32 v7, v11;
	v7 =	vld [tilespmem:s28+$0xFFFFFFA0];
	v12 =	vadd.f32 v34, v28  }
0x9a: {  	v29 =	vmul.f32 v29, v29;
	v13 =	vadd.f32 v13, v5;
	v5 =	vld [tilespmem:s28+$0xFFFFFEE0];
	v9 =	vadd.f32 v9, v16  }
0x9b: {  	v14 =	vmul.f32 v50, v50;
	v4 =	vld [tilespmem:s28+$0x0];
	v16 =	vadd.f32 v10, v54;
	v10 =	vadd.f32 v56, v27  }
0x9c: {  	s4 =	sadd.s32 $0xFFFFFE80, s29;
	v29 =	vadd.f32 v6, v29;
	(xrf2) =	vadd.scan.msk.f32 $0xffff, v13;
	v13 =	vadd.f32 v8, v26;
	v27 =	vld [tilespmem:s28+$0xFFFFFF80];
	v11 =	vmul.f32 v21, v21  }
0x9d: {  	s6 =	sand.u32 $0xFF80, s29;
	s24 =	smov.u32 s25;
	s0 =	sand.u32 $0x70, s4;
	v8 =	vld [tilespmem:s28+$0xFFFFFFF0];
	v14 =	vadd.f32 v9, v14;
	v9 =	vadd.f32 v30, v24;
	v28 =	vmul.f32 v25, v25;
	v6, _, _ =	vpop (xrf2);
	(xrf2) =	vadd.scan.msk.f32 $0xffff, v10  }
0x9e: {  	s25 =	smov.u32 s9;
	s0 =	sor.u32 s0, s6;
	v26 =	vld [tilespmem:s28+$0xFFFFFFE0];
	s9 =	spop (v2sf)  }
0x9f: {  	s15 =	sadd.s32 $0xFFFFFFB0, s29;
	s4 =	sadd.s32 $0xFFFFFE30, s29;
	v35 =	vmul.f32 v15, v15;
	v32 =	vadd.f32 v11, v28;
	v28 =	vld [tilespmem:s0+$0x0];
	(xrf2) =	vadd.scan.msk.f32 $0xffff, v9;
	s6 =	sshll.u32 s9, $0x2  }
0xa0: {  	s4 =	sand.u32 $0x60, s4;
	v17 =	vmul.f32 v18, v18;
	v30 =	vmul.f32 v23, v23;
	v10 =	vld [tilespmem:s28+$0xFFFFFF00];
	s9 =	sand.u32 $0xFF80, s15;
	s0 =	ssub.s32 $0x0, s6  }
0xa1: {  	v36 =	vmul.f32 v2, v2;
	v37 =	vmul.f32 v3, v3;
	v11 =	vld [tilespmem:s28+$0xFFFFFEF0];
	s1 =	sor.u32 s4, s9;
	s0 =	sshra.s32 s0, $0x2;
	s15 =	spop (v2sf)  }
0xa2: {  	v44 =	vmul.f32 v22, v22;
	v47 =	vmul.f32 v7, v7;
	v34, _, _ =	vpop (xrf2);
	(xrf2) =	vadd.scan.msk.f32 $0xffff, v29;
	v38 =	vld [tilespmem:s1+$0x0];
	s4 =	sshll.u32 s15, $0x2;
	s31 =	sadd.s32 s0, s28;
	s6 =	spop (v2sf)  }
0xa3: {  	v58 =	vmul.f32 v26, v26;
	v43 =	vmul.f32 v8, v8;
	s9 =	ssub.s32 $0x0, s4;
	v39 =	vld [tilespmem:s31+$0xFFFFFFC0];
	s0 =	sshll.u32 s6, $0x2  }
0xa4: {  	v29 =	vmul.f32 v31, v31;
	v48 =	vmul.f32 v28, v28;
	v59 =	vld [tilespmem:s31+$0xFFFFFFD0];
	s1 =	sshra.s32 s9, $0x2;
	s0 =	ssub.s32 $0x0, s0  }
0xa5: {  	v24 =	vmul.f32 v5, v5;
	v17 =	vadd.f32 v35, v17;
	v30 =	vadd.f32 v47, v30;
	v46 =	vld [tilespmem:s31+$0xFFFFFFE0];
	s1 =	sadd.s32 s1, s28;
	s0 =	sshra.s32 s0, $0x2  }
0xa6: {  	v54 =	vmul.f32 v4, v4;
	v40 =	vadd.f32 v43, v58;
	v9, _, _ =	vpop (xrf2);
	(xrf2) =	vadd.scan.msk.f32 $0xffff, v14;
	v29 =	vadd.f32 v29, v48;
	s15 =	spop (v2sf);
	v14 =	vld [tilespmem:s1+$0xFFFFFED0];
	s6 =	sadd.s32 s0, s28  }
0xa7: {  	v57 =	vmul.f32 v27, v27;
	v60 =	vadd.f32 v24, v44;
	s4 =	sshll.u32 s15, $0x2;
	v42, _, _ =	vpop (xrf2);
	v24 =	vmul.f32 v38, v38;
	v62 =	vld [tilespmem:s6+$0xFFFFFF20]  }
0xa8: {  	v45 =	vmul.f32 v10, v10;
	v61 =	vmul.f32 v11, v11;
	v29 =	vadd.f32 v40, v29;
	s4 =	ssub.s32 $0x0, s4;
	[tilespmem:s24+$0xC603] =	vst.msk vm0, v42;
	v63 =	vld [tilespmem:s6+$0xFFFFFF30]  }
0xa9: {  	(xrf2) =	vadd.scan.msk.f32 $0xffff, v13;
	v13, _, _ =	vpop (xrf2);
	s15 =	sshra.s32 s4, $0x2;
	[tilespmem:s24+$0xC783] =	vst.msk vm0, v19;
	v49 =	vadd.f32 v57, v24;
	v50 =	vmul.f32 v59, v31;
	v55 =	vld [tilespmem:s6+$0xFFFFFF40]  }
0xaa: {  	v31 =	vmul.f32 v59, v59;
	v51 =	vmul.f32 v39, v28;
	[tilespmem:s24+$0xC602] =	vst.msk vm0, v13;
	v13 =	vadd.f32 v45, v61;
	v56 =	vld [tilespmem:s6+$0xFFFFFF50];
	s0 =	sadd.s32 s15, s28  }
0xab: {  	v19 =	vmul.f32 v46, v26;
	v26 =	vadd.f32 v29, v54;
	v61 =	vmul.f32 v39, v39;
	v33 =	vld [tilespmem:s0+$0xFFFFFF70];
	[tilespmem:s24+$0xC782] =	vst.msk vm0, v34  }
0xac: {  	v29, _, _ =	vpop (xrf2);
	v59 =	vadd.f32 v13, v60;
	v24 =	vmul.f32 v14, v22;
	v22 =	vadd.f32 v30, v49;
	v58 =	vld [tilespmem:s0+$0xFFFFFF80]  }
0xad: {  	v13 =	vadd.f32 v17, v32;
	v17 =	vmul.f32 v46, v46;
	v28 =	vld [tilespmem:s0+$0xFFFFFF90];
	[tilespmem:s24+$0xC902] =	vst.msk vm0, v29;
	v57 =	vmul.f32 v62, v25  }
0xae: {  	p0 =	slt.u32 s26, $0xFC;
	(xrf2) =	vadd.scan.msk.f32 $0xffff, v12;
	v12 =	vadd.f32 v22, v37;
	v37 =	vld [tilespmem:s0+$0xFFFFFFA0];
	v25 =	vmul.f32 v62, v62;
	v60 =	vmul.f32 v63, v21  }
.Ltmp0:
0xaf: {  	v32 =	vld [tilespmem:s1+$0xFFFFFF00];
	v29 =	vmul.f32 v63, v63;
	v21 =	vadd.f32 v59, v36;
	v36 =	vmul.f32 v55, v18;
	(pc) =	sbr.rel @p0 .LBB2_3-.Ltmp0, $4  }
0xb0: {  	(xrf2) =	vadd.scan.msk.f32 $0xffff, v16;
	v16 =	vadd.f32 v31, v61;
	v30 =	vld [tilespmem:s1+$0xFFFFFEE0];
	v62 =	vmul.f32 v55, v55;
	v63 =	vmul.f32 v56, v56  }
0xb1: {  	v22 =	vld [tilespmem:s1+$0xFFFFFEF0];
	v18, _, _ =	vpop (xrf2);
	v40 =	vmul.f32 v56, v15;
	(xrf2) =	vadd.scan.msk.f32 $0xffff, v20;
	v38 =	vmul.f32 v33, v38;
	v34 =	vadd.f32 v60, v57  }
0xb2: {  	v20 =	vld [tilespmem:s6+$0xFFFFFF60];
	[tilespmem:s24+$0xC903] =	vst.msk vm0, v18;
	v35 =	vmul.f32 v58, v58;
	v39 =	vmul.f32 v28, v23;
	v23 =	vadd.f32 v50, v51  }
0xb3: {  	s30 =	sadd.s32 $0x10, s30;
	v31 =	vld [tilespmem:s31+$0xFFFFFFF0];
	v15 =	vadd.f32 v63, v62;
	v41 =	vmul.f32 v58, v27;
	v18, _, _ =	vpop (xrf2);
	v27 =	vmul.f32 v37, v37  }
0xb4: {  	v1 =	vmul.f32 v37, v7;
	v7 =	vmul.f32 v33, v33  }
0xb5: {  	v36 =	vadd.f32 v40, v36;
	v10 =	vmul.f32 v32, v10;
	v57 =	vmul.f32 v28, v28  }
0xb6: {  	v56 =	vld [tilespmem:s28+$0xFFFFFF60];
	v59 =	vmul.f32 v32, v32;
	v38 =	vadd.f32 v41, v38;
	v11 =	vmul.f32 v22, v11  }
0xb7: {  	v55 =	vld [tilespmem:s31+$0x0];
	v5 =	vmul.f32 v30, v5;
	v58 =	vmul.f32 v30, v30;
	v1 =	vadd.f32 v1, v39  }
0xb8: {  	v8 =	vmul.f32 v31, v8;
	v10 =	vadd.f32 v10, v11;
	v11 =	vmul.f32 v14, v14;
	v14 =	vld [tilespmem:s0+$0xFFFFFFB0]  }
0xb9: {  	(xrf2) =	vadd.scan.msk.f32 $0xffff, v26;
	v7 =	vadd.f32 v35, v7;
	v63 =	vmul.f32 v22, v22;
	v5 =	vadd.f32 v5, v24  }
0xba: {  	(xrf2) =	vadd.scan.msk.f32 $0xffff, v21;
	v24 =	vadd.f32 v27, v57;
	v62 =	vmul.f32 v31, v31;
	v8 =	vadd.f32 v8, v19  }
0xbb: {  	v61 =	vld [tilespmem:s1+$0xFFFFFF10];
	(xrf2) =	vadd.scan.msk.f32 $0xffff, v12;
	v1 =	vadd.f32 v1, v38;
	v12 =	vadd.f32 v59, v63;
	v60 =	vmul.f32 v56, v56  }
0xbc: {  	v4 =	vmul.f32 v55, v4;
	v7 =	vadd.f32 v24, v7;
	v8 =	vadd.f32 v8, v23  }
0xbd: {  	v17 =	vadd.f32 v62, v17;
	v13 =	vadd.f32 v13, v60;
	v3 =	vmul.f32 v14, v3  }
0xbe: {  	v11 =	vadd.f32 v58, v11;
	v4 =	vadd.f32 v8, v4;
	v8 =	vmul.f32 v14, v14  }
0xbf: {  	(xrf2) =	vadd.scan.msk.f32 $0xffff, v13;
	v13 =	vmul.f32 v55, v55;
	v14 =	vadd.f32 v17, v16;
	v1 =	vadd.f32 v1, v3  }
0xc0: {  	v3 =	vmul.f32 v61, v61;
	(xrf2) =	vadd.scan.msk.f32 $0xffff, v4;
	v4 =	vadd.f32 v7, v8;
	v7 =	vadd.f32 v12, v11  }
0xc1: {  	v2 =	vmul.f32 v61, v2;
	v5 =	vadd.f32 v10, v5;
	v8 =	vadd.f32 v36, v34  }
0xc2: {  	v11 =	vmul.f32 v20, v56;
	v12 =	vadd.f32 v14, v13;
	(xrf2) =	vadd.scan.msk.f32 $0xffff, v1;
	v3 =	vadd.f32 v7, v3  }
0xc3: {  	v1, _, _ =	vpop (xrf2);
	(xrf2) =	vadd.scan.msk.f32 $0xffff, v4  }
0xc4: {  	v2 =	vadd.f32 v5, v2;
	v7 =	vadd.f32 v8, v11;
	v4, _, _ =	vpop (xrf2);
	(xrf2) =	vadd.scan.msk.f32 $0xffff, v12  }
0xc5: {  	v8 =	vadd.f32 v29, v25;
	[tilespmem:s24+$0xC601] =	vst.msk vm0, v1;
	v1, _, _ =	vpop (xrf2);
	(xrf2) =	vadd.scan.msk.f32 $0xffff, v3  }
0xc6: {  	[tilespmem:s24+$0xC600] =	vst.msk vm0, v4;
	v3, _, _ =	vpop (xrf2);
	(xrf2) =	vadd.scan.msk.f32 $0xffff, v7  }
0xc7: {  	v5 =	vmul.f32 v20, v20;
	v4 =	vadd.f32 v15, v8;
	[tilespmem:s24+$0xC780] =	vst.msk vm0, v6;
	v6, _, _ =	vpop (xrf2);
	(xrf2) =	vadd.scan.msk.f32 $0xffff, v2  }
0xc8: {  	[tilespmem:s24+$0xC781] =	vst.msk vm0, v9;
	v2, _, _ =	vpop (xrf2)  }
0xc9: {  	[tilespmem:s24+$0xC901] =	vst.msk vm0, v1;
	v4 =	vadd.f32 v4, v5;
	v7, _, _ =	vpop (xrf2)  }
0xca: {  	[tilespmem:s24+$0xC900] =	vst.msk vm0, v18;
	v1, _, _ =	vpop (xrf2)  }
0xcb: {  	(xrf2) =	vadd.scan.msk.f32 $0xffff, v4;
	[tilespmem:s25+$0xC603] =	vst.msk vm0, v1  }
0xcc: {  	v1, _, _ =	vpop (xrf2);
	[tilespmem:s25+$0xC783] =	vst.msk vm0, v3  }
0xcd: {  	[tilespmem:s25+$0xC602] =	vst.msk vm0, v1;
	v3, _, _ =	vpop (xrf2)  }
0xce: {  	[tilespmem:s25+$0xC782] =	vst.msk vm0, v2;
	v1, _, _ =	vpop (xrf2)  }
0xcf: {  	[tilespmem:s25+$0xC902] =	vst.msk vm0, v3;
	v2, _, _ =	vpop (xrf2)  }
0xd0: {  	[tilespmem:s25+$0xC903] =	vst.msk vm0, v1;
	v1, _, _ =	vpop (xrf2)  }
0xd1: {  	[tilespmem:s25+$0xC601] =	vst.msk vm0, v1;
	v1, _, _ =	vpop (xrf2)  }
0xd2: {  	[tilespmem:s25+$0xC600] =	vst.msk vm0, v1  }
0xd3: {  	[tilespmem:s25+$0xC781] =	vst.msk vm0, v7  }
0xd4: {  	[tilespmem:s25+$0xC780] =	vst.msk vm0, v6  }
0xd5: {  	v1, _, _ =	vpop (xrf2);
	[tilespmem:s25+$0xC900] =	vst.msk vm0, v2  }
0xd6: {  	s9 =	simm.s32 $0xC910;
	[tilespmem:s25+$0xC901] =	vst.msk vm0, v1  }
0xd7: {  	s15 =	simm.s32 $0xC790;
	v2 =	vld [tilespmem:s9+$0x0]  }
0xd8: {  	v3 =	vld [tilespmem:s15+$0x0];
	_ =	sdelay $0x1  }
0xd9: {  	v1 =	vld [tilespmem:s15+$0xFFFFFFF0]  }
0xda: {  	v4 =	vld [tilespmem:s9+$0xFFFFFFF0];
	_ =	sdelay $0x1  }
0xdb: {  	v2 =	vmul.f32 v2, v3  }
0xdc: {  	s4 =	simm.s32 $0xC7B0  }
0xdd: {  	s26 =	simm.s32 $0xC930;
	v7 =	vld [tilespmem:s4+$0x0];
	v2 =	vadd.f32 $9.999999710e-10, v2  }
0xde: {  	v9 =	vld [tilespmem:s26+$0xFFFFFFF0];
	v1 =	vmul.f32 v4, v1  }
0xdf: {  	v3 =	vld [tilespmem:s4+$0xFFFFFFF0];
	v4 =	vshra.s32 v2, $0x1;
	v5 =	vmul.f32 $5.000000000e-01, v2  }
0xe0: {  	v1 =	vadd.f32 $9.999999710e-10, v1;
	v2 =	vld [tilespmem:s26+$0x0];
	v4 =	vsub.s32 $0x5F3759DF, v4  }
0xe1: {  	v8 =	vmul.f32 v4, v5  }
0xe2: {  	v6 =	vshra.s32 v1, $0x1;
	v1 =	vmul.f32 $5.000000000e-01, v1  }
0xe3: {  	v6 =	vsub.s32 $0x5F3759DF, v6;
	v8 =	vmul.f32 v4, v8  }
0xe4: {  	v3 =	vmul.f32 v9, v3;
	v10 =	vmul.f32 v6, v1  }
0xe5: {  	v2 =	vmul.f32 v2, v7;
	v8 =	vsub.f32 $1.500000000e+00, v8  }
0xe6: {  	v3 =	vadd.f32 $9.999999710e-10, v3;
	v10 =	vmul.f32 v6, v10  }
0xe7: {  	s30 =	simm.s32 $0xC7D0;
	v2 =	vadd.f32 $9.999999710e-10, v2;
	v4 =	vmul.f32 v4, v8  }
0xe8: {  	s31 =	simm.s32 $0xC950;
	v12 =	vld [tilespmem:s30+$0x0];
	v11 =	vshra.s32 v3, $0x1;
	v7 =	vsub.f32 $1.500000000e+00, v10  }
0xe9: {  	v14 =	vld [tilespmem:s31+$0xFFFFFFF0];
	v8 =	vshra.s32 v2, $0x1;
	v2 =	vmul.f32 $5.000000000e-01, v2;
	v9 =	vmul.f32 v4, v5  }
0xea: {  	v3 =	vmul.f32 $5.000000000e-01, v3;
	v10 =	vld [tilespmem:s31+$0x0];
	v6 =	vmul.f32 v6, v7;
	v8 =	vsub.s32 $0x5F3759DF, v8  }
0xeb: {  	v11 =	vsub.s32 $0x5F3759DF, v11;
	v7 =	vld [tilespmem:s30+$0xFFFFFFF0];
	v13 =	vmul.f32 v8, v2;
	v9 =	vmul.f32 v9, v4  }
0xec: {  	v16 =	vmul.f32 v11, v3;
	v15 =	vmul.f32 v6, v1  }
0xed: {  	v13 =	vmul.f32 v8, v13;
	v9 =	vsub.f32 $1.500000000e+00, v9  }
0xee: {  	v16 =	vmul.f32 v11, v16;
	v15 =	vmul.f32 v15, v6  }
0xef: {  	v13 =	vsub.f32 $1.500000000e+00, v13;
	v4 =	vmul.f32 v9, v4;
	v9 =	vmul.f32 v10, v12  }
0xf0: {  	v7 =	vmul.f32 v14, v7;
	v14 =	vsub.f32 $1.500000000e+00, v16;
	v12 =	vsub.f32 $1.500000000e+00, v15  }
0xf1: {  	v10 =	vmul.f32 v8, v13;
	v16 =	vmul.f32 v4, v5;
	v5 =	vadd.f32 $9.999999710e-10, v9  }
0xf2: {  	s1 =	sadd.s32 $0xB600, s22;
	s28 =	simm.s32 $0xC7F0;
	s24 =	simm.s32 $0xC610;
	v9 =	vadd.f32 $9.999999710e-10, v7;
	v7 =	vmul.f32 v11, v14;
	v6 =	vmul.f32 v12, v6  }
0xf3: {  	s29 =	simm.s32 $0xC970;
	s0 =	simm.s32 $0x10;
	s25 =	simm.s32 $0x0;
	v14 =	vmul.f32 v10, v2;
	v15 =	vshra.s32 v5, $0x1;
	v8 =	vmul.f32 $5.000000000e-01, v5;
	v5 =	vld [tilespmem:s24+$0xFFFFFFF0]  }
0xf4: {  	s15 =	simm.s32 $0x4;
	s9 =	sand.u32 $0x80, s25;
	s26 =	simm.s32 $0x10;
	v11 =	vmul.f32 v16, v4;
	v13 =	vshra.s32 v9, $0x1;
	v12 =	vmul.f32 $5.000000000e-01, v9;
	v9 =	vld [tilespmem:s24+$0x0]  }
.LBB2_5:
0xf5: {  	v16 =	vld [tilespmem:s28+$0xFFFFFFF0];
	s15 =	sadd.s32 $0x2, s15;
	v15 =	vsub.s32 $0x5F3759DF, v15;
	v17 =	vmul.f32 v7, v3;
	v18 =	vmul.f32 v6, v1;
	s0 =	sadd.s32 $0x20, s0;
	s24 =	sadd.s32 $0x20, s24;
	v1 =	vmovc v3  }
0xf6: {  	v19 =	vld [tilespmem:s29+$0x0];
	p0 =	slt.u32 s15, $0xE;
	v20 =	vmul.f32 v15, v8;
	s4 =	sadd.s32 $0xFFFFFFF0, s0;
	v14 =	vmul.f32 v14, v10;
	v3 =	vmov v12  }
0xf7: {  	v11 =	vsub.f32 $1.500000000e+00, v11;
	v12 =	vld [tilespmem:s28+$0x0];
	v17 =	vmul.f32 v17, v7;
	s30 =	sand.u32 $0x80, s4;
	v18 =	vmul.f32 v18, v6  }
0xf8: {  	v13 =	vsub.s32 $0x5F3759DF, v13;
	v21 =	vld [tilespmem:s29+$0xFFFFFFF0];
	v20 =	vmul.f32 v15, v20;
	v14 =	vsub.f32 $1.500000000e+00, v14  }
0xf9: {  	s31 =	sand.u32 $0x60, s25;
	s6 =	sadd.s32 s9, s1;
	v22 =	vmul.f32 v13, v3;
	v11 =	vmul.f32 v11, v4;
	s25 =	smov.u32 s4;
	v18 =	vsub.f32 $1.500000000e+00, v18  }
0xfa: {  	s4 =	sadd.s32 s31, s6;
	s9 =	smov.u32 s30;
	v17 =	vsub.f32 $1.500000000e+00, v17;
	v20 =	vsub.f32 $1.500000000e+00, v20;
	v4 =	vmul.f32 v14, v10  }
0xfb: {  	v10 =	vmul.f32 v13, v22;
	v6 =	vmul.f32 v18, v6  }
0xfc: {  	s30 =	sand.u32 $0x70, s26;
	s26 =	smov.u32 s0;
	v9 =	vmul.f32 v11, v9;
	v12 =	vmul.f32 v19, v12  }
.Ltmp1:
0xfd: {  	s6 =	sadd.s32 s30, s6;
	v14 =	vsub.f32 $1.500000000e+00, v10;
	v11 =	vmul.f32 v21, v16;
	v16 =	vmul.f32 v4, v2;
	v2 =	vmovc v8;
	(pc) =	sbr.rel @p0 .LBB2_5-.Ltmp1, $4  }
0xfe: {  	v10 =	vmul.f32 v15, v20;
	v8 =	vadd.f32 $9.999999710e-10, v12;
	v12 =	vmul.f32 v6, v5;
	[tilespmem:s6+$0x0] =	vst v9  }
0xff: {  	v6 =	vmul.f32 v17, v7;
	v7 =	vmul.f32 v13, v14;
	v9 =	vadd.f32 $9.999999710e-10, v11  }
0x100: {  	v11 =	vmul.f32 v16, v4;
	v15 =	vshra.s32 v8, $0x1;
	v8 =	vmul.f32 $5.000000000e-01, v8;
	v5 =	vld [tilespmem:s24+$0xFFFFFFF0];
	[tilespmem:s4+$0x0] =	vst v12  }
0x101: {  	s28 =	sadd.s32 $0x20, s28;
	s29 =	sadd.s32 $0x20, s29;
	v14 =	vmul.f32 v10, v2;
	v13 =	vshra.s32 v9, $0x1;
	v12 =	vmul.f32 $5.000000000e-01, v9;
	v9 =	vld [tilespmem:s24+$0x0]  }
0x102: {  	v15 =	vsub.s32 $0x5F3759DF, v15  }
0x103: {  	v13 =	vsub.s32 $0x5F3759DF, v13;
	v16 =	vmul.f32 v15, v8  }
0x104: {  	v17 =	vmul.f32 v13, v12  }
0x105: {  	v16 =	vmul.f32 v15, v16  }
0x106: {  	v17 =	vmul.f32 v13, v17  }
0x107: {  	v16 =	vsub.f32 $1.500000000e+00, v16  }
0x108: {  	v17 =	vsub.f32 $1.500000000e+00, v17  }
0x109: {  	v15 =	vmul.f32 v15, v16  }
0x10a: {  	v16 =	vmul.f32 v7, v3;
	v13 =	vmul.f32 v13, v17  }
0x10b: {  	v14 =	vmul.f32 v14, v10;
	v17 =	vmul.f32 v15, v8  }
0x10c: {  	v16 =	vmul.f32 v16, v7;
	v18 =	vmul.f32 v13, v12  }
0x10d: {  	v14 =	vsub.f32 $1.500000000e+00, v14;
	v17 =	vmul.f32 v17, v15  }
0x10e: {  	v1 =	vmul.f32 v6, v1;
	v16 =	vsub.f32 $1.500000000e+00, v16;
	v18 =	vmul.f32 v18, v13  }
0x10f: {  	v10 =	vmul.f32 v14, v10;
	v14 =	vsub.f32 $1.500000000e+00, v17  }
0x110: {  	v1 =	vmul.f32 v1, v6;
	v7 =	vmul.f32 v16, v7;
	v16 =	vsub.f32 $1.500000000e+00, v18  }
0x111: {  	v2 =	vmul.f32 v10, v2;
	v14 =	vmul.f32 v14, v15  }
0x112: {  	v3 =	vmul.f32 v7, v3;
	v13 =	vmul.f32 v16, v13  }
0x113: {  	s4 =	sadd.s32 $0x20, s24;
	v11 =	vsub.f32 $1.500000000e+00, v11;
	v2 =	vmul.f32 v2, v10;
	v8 =	vmul.f32 v14, v8  }
0x114: {  	v1 =	vsub.f32 $1.500000000e+00, v1;
	v15 =	vld [tilespmem:s4+$0x0];
	v3 =	vmul.f32 v3, v7;
	v12 =	vmul.f32 v13, v12  }
0x115: {  	v4 =	vmul.f32 v11, v4;
	v11 =	vld [tilespmem:s4+$0xFFFFFFF0];
	v2 =	vsub.f32 $1.500000000e+00, v2;
	s4 =	sadd.s32 $0x20, s4;
	v8 =	vmul.f32 v8, v14  }
0x116: {  	s0 =	sadd.s32 $0x20, s0;
	s25 =	sand.u32 $0x60, s25;
	s9 =	sadd.s32 s9, s1;
	v1 =	vmul.f32 v1, v6;
	v6 =	vld [tilespmem:s4+$0x0];
	v3 =	vsub.f32 $1.500000000e+00, v3;
	v12 =	vmul.f32 v12, v13  }
0x117: {  	s26 =	sand.u32 $0x70, s26;
	s6 =	sadd.s32 $0xFFFFFFF0, s0;
	s24 =	sadd.s32 s25, s9;
	v4 =	vmul.f32 v4, v9;
	v2 =	vmul.f32 v2, v10;
	v9 =	vld [tilespmem:s4+$0xFFFFFFF0];
	v8 =	vsub.f32 $1.500000000e+00, v8  }
0x118: {  	s9 =	sadd.s32 s26, s9;
	s25 =	sadd.s32 $0x20, s0;
	s15 =	sand.u32 $0x80, s6;
	v1 =	vmul.f32 v1, v5;
	v3 =	vmul.f32 v3, v7;
	v5 =	vsub.f32 $1.500000000e+00, v12  }
0x119: {  	s0 =	sand.u32 $0x70, s0;
	s15 =	sadd.s32 s15, s1;
	[tilespmem:s9+$0x0] =	vst v4;
	s9 =	sadd.s32 $0xFFFFFFF0, s25;
	v2 =	vmul.f32 v2, v15;
	v4 =	vmul.f32 v8, v14  }
0x11a: {  	s6 =	sand.u32 $0x60, s6;
	s0 =	sadd.s32 s0, s15;
	s26 =	sand.u32 $0x80, s9;
	[tilespmem:s24+$0x0] =	vst v1;
	v1 =	vmul.f32 v3, v11;
	v3 =	vmul.f32 v5, v13  }
0x11b: {  	s6 =	sadd.s32 s6, s15;
	s25 =	sand.u32 $0x70, s25;
	s15 =	sadd.s32 s26, s1;
	[tilespmem:s0+$0x0] =	vst v2;
	v2 =	vmul.f32 v4, v6  }
0x11c: {  	s26 =	sand.u32 $0x60, s9;
	s1 =	sadd.s32 s25, s15;
	[tilespmem:s6+$0x0] =	vst v1;
	v1 =	vmul.f32 v3, v9  }
0x11d: {  	s0 =	sadd.s32 s26, s15;
	[tilespmem:s1+$0x0] =	vst v2  }
0x11e: {  	s4 =	simm.s32 $0x0;
	[tilespmem:s0+$0x0] =	vst v1;
	s1 =	sadd.s32 $0x13D0, s23;
	v1 =	vmov s18  }
0x11f: {  	[tilespmem:s4], [sflag:$0x1] =	stream.linear.gather [hbm4b:s1+s4], $0x5180, $0x38;
	[tilespmem:$0xCA80] =	vst v63  }
0x120: {  	_ =	swait.ge [sflag:s14], $0x5180  }
0x121: {  	s6 =	sadd.s32 $0xA700, s22;
	[sflag:s14] =	ssyncset.done $0x0  }
0x122: {  	s25 =	simm.s32 $0x0;
	[dreg:$0x4] =	wrdreg s6;
	[sflag:s14] =	ssyncadd.s32 $0xFFFFAE80  }
0x123: {  	s15 =	simm.s32 $0x0;
	v2 =	vld.idx.msk [tilespmem:v1+s25+$0x0 ss:$0x1], $0xffff  }
0x124: {  	s26 =	sand.u32 $0x80, s15;
	s0 =	simm.s32 $0x55B0;
	s9 =	rddreg [dreg:$0x4]  }
0x125: {  	s6 =	sand.u32 $0x7C, s15;
	s4 =	sadd.s32 s26, s9;
	v7 =	vld [tilespmem:s0+$0xFFFFFF50]  }
0x126: {  	s6 =	sadd.s32 s6, s4;
	v9 =	vld [tilespmem:s0+$0xFFFFFF40]  }
0x127: {  	v3 =	vld [tilespmem:s6+$0x0]  }
0x128: {  	v10 =	vld [tilespmem:s0+$0xFFFFFF30];
	(v2sf) =	vpush v2, $0x0  }
0x129: {  	v13 =	vld [tilespmem:s0+$0xFFFFFFD0]  }
0x12a: {  	s15 =	simm.s32 $0x1;
	v8 =	vld [tilespmem:s0+$0xFFFFFFA0]  }
0x12b: {  	s9 =	sand.u32 $0x7D, s15;
	s26 =	simm.s32 $0x2;
	v14 =	vld [tilespmem:s0+$0xFFFFFF90]  }
0x12c: {  	s9 =	sadd.s32 s9, s4;
	s26 =	sand.u32 $0x7E, s26;
	v15 =	vld [tilespmem:s0+$0xFFFFFF80];
	(v2sf) =	vpush v3, $0x0  }
0x12d: {  	v4 =	vld [tilespmem:s9+$0x0];
	s4 =	sadd.s32 s26, s4  }
0x12e: {  	v5 =	vld [tilespmem:s4+$0x0]  }
0x12f: {  	v6 =	vld [tilespmem:s0+$0xFFFFFFF0]  }
0x130: {  	s15 =	simm.s32 $0x1D0;
	v16 =	vld [tilespmem:s0+$0xFFFFFFE0]  }
0x131: {  	v18 =	vld [tilespmem:s0+$0xFFFFFF00];
	s9 =	simm.s32 $0x50;
	s6 =	sand.u32 $0xFF80, s15  }
0x132: {  	v19 =	vld [tilespmem:s0+$0xFFFFFEF0];
	s26 =	simm.s32 $0x180;
	s4 =	sand.u32 $0x50, s9;
	s9 =	simm.s32 $0x0;
	(v2sf) =	vpush v4, $0x0  }
0x133: {  	v62 =	vld [tilespmem:s0+$0xFFFFFF60];
	s26 =	sand.u32 $0xFF80, s26;
	s4 =	sor.u32 s4, s6;
	s9 =	sand.u32 $0x40, s9;
	(v2sf) =	vpush v5, $0x0  }
0x134: {  	v11 =	vld [tilespmem:s4+$0x5300];
	s6 =	sor.u32 s9, s26  }
0x135: {  	s1 =	simm.s32 $0x270;
	v12 =	vld [tilespmem:s6+$0x5300]  }
0x136: {  	s1 =	sand.u32 $0xFF80, s1;
	s9 =	simm.s32 $0xF0;
	v2 =	vld [tilespmem:s0+$0xFFFFFFB0]  }
0x137: {  	s26 =	simm.s32 $0x220;
	s4 =	sand.u32 $0x70, s9;
	v3 =	vld [tilespmem:s0+$0xFFFFFF10];
	s15 =	spop (v2sf)  }
0x138: {  	s6 =	simm.s32 $0xA0;
	s1 =	sor.u32 s4, s1;
	v4 =	vld [tilespmem:s0+$0x0];
	s15 =	sshll.u32 s15, $0x2  }
0x139: {  	s26 =	sand.u32 $0xFF80, s26;
	s6 =	sand.u32 $0x60, s6;
	v17 =	vld [tilespmem:s1+$0x5300];
	s1 =	ssub.s32 $0x0, s15  }
0x13a: {  	s4 =	sor.u32 s6, s26;
	v5 =	vld [tilespmem:s0+$0xFFFFFEE0];
	s1 =	sshra.s32 s1, $0x2  }
0x13b: {  	v20 =	vld [tilespmem:s4+$0x5300];
	s9 =	spop (v2sf);
	s1 =	sadd.s32 $0x55B0, s1  }
0x13c: {  	s6 =	sshll.u32 s9, $0x2;
	v21 =	vld [tilespmem:s1+$0xFFFFFFC0]  }
0x13d: {  	v23 =	vmul.f32 v9, v9;
	s6 =	ssub.s32 $0x0, s6;
	v22 =	vld [tilespmem:s1+$0xFFFFFFD0]  }
0x13e: {  	v26 =	vmul.f32 v10, v10;
	v29 =	vmul.f32 v14, v14;
	s6 =	sshra.s32 s6, $0x2;
	v24 =	vld [tilespmem:s1+$0xFFFFFFE0]  }
0x13f: {  	v31 =	vmul.f32 v7, v7;
	v32 =	vmul.f32 v15, v15;
	s9 =	sadd.s32 $0x55B0, s6;
	v61 =	vld [tilespmem:s1+$0x0]  }
0x140: {  	v35 =	vmul.f32 v13, v13;
	v25 =	vmul.f32 v11, v11;
	v27 =	vld [tilespmem:s9+$0xFFFFFED0]  }
0x141: {  	v37 =	vmul.f32 v16, v16;
	v43 =	vmul.f32 v8, v8;
	s15 =	spop (v2sf);
	v46 =	vld [tilespmem:s9+$0xFFFFFEE0]  }
0x142: {  	v44 =	vmul.f32 v18, v18;
	v23 =	vadd.f32 v31, v23;
	v25 =	vadd.f32 v26, v25;
	s4 =	sshll.u32 s15, $0x2;
	s26 =	spop (v2sf);
	v55 =	vld [tilespmem:s9+$0xFFFFFEF0]  }
0x143: {  	v26 =	vmul.f32 v6, v6;
	v38 =	vmul.f32 v17, v17;
	s4 =	ssub.s32 $0x0, s4;
	s6 =	sshll.u32 s26, $0x2;
	s26 =	simm.s32 $0x4;
	v56 =	vld [tilespmem:s9+$0xFFFFFF00]  }
0x144: {  	v52 =	vmul.f32 v19, v19;
	v40 =	vmul.f32 v12, v12;
	v23 =	vadd.f32 v23, v25;
	s4 =	sshra.s32 s4, $0x2;
	v25 =	vld.idx.msk [tilespmem:v1+s26+$0x0 ss:$0x1], $0xffff  }
0x145: {  	v42 =	vmul.f32 v2, v2;
	v26 =	vadd.f32 v26, v37;
	v35 =	vadd.f32 v35, v38;
	s4 =	sadd.s32 $0x55B0, s4;
	v60 =	vld [tilespmem:s9+$0xFFFFFF10]  }
0x146: {  	v34 =	vmul.f32 v3, v3;
	v54 =	vmul.f32 v4, v4;
	v30 =	vld [tilespmem:s4+$0xFFFFFF20]  }
0x147: {  	v28 =	vmul.f32 v5, v5;
	v45 =	vmul.f32 v20, v20;
	v26 =	vadd.f32 v26, v35;
	s6 =	ssub.s32 $0x0, s6;
	v33 =	vld [tilespmem:s4+$0xFFFFFF30]  }
0x148: {  	v29 =	vadd.f32 v43, v29;
	s6 =	sshra.s32 s6, $0x2;
	v36 =	vld [tilespmem:s4+$0xFFFFFF40];
	v13 =	vmul.f32 v22, v13;
	v22 =	vmul.f32 v22, v22  }
0x149: {  	v26 =	vadd.f32 v26, v54;
	v39 =	vld [tilespmem:s4+$0xFFFFFF50];
	s6 =	sadd.s32 $0x55B0, s6;
	v17 =	vmul.f32 v21, v17;
	v47 =	vmul.f32 v24, v16  }
0x14a: {  	v28 =	vadd.f32 v28, v40;
	v41 =	vld [tilespmem:s6+$0xFFFFFF70];
	v21 =	vmul.f32 v21, v21;
	v24 =	vmul.f32 v24, v24  }
0x14b: {  	v32 =	vadd.f32 v32, v45;
	(xrf2) =	vadd.scan.msk.f32 $0xffff, v26;
	v50 =	vld [tilespmem:s6+$0xFFFFFF80];
	v26 =	vmul.f32 v61, v61;
	v57 =	vmul.f32 v27, v12  }
0x14c: {  	v51 =	vld [tilespmem:s6+$0xFFFFFF90];
	v16 =	vadd.f32 v44, v52;
	v19 =	vmul.f32 v55, v19;
	v5 =	vmul.f32 v46, v5  }
0x14d: {  	s28 =	simm.s32 $0x4;
	v53 =	vld [tilespmem:s6+$0xFFFFFFA0];
	v12 =	vadd.f32 v29, v32;
	v11 =	vmul.f32 v30, v11;
	v30 =	vmul.f32 v30, v30  }
0x14e: {  	s29 =	simm.s32 $0x56F0;
	s15 =	sand.u32 $0x80, s28;
	v16 =	vadd.f32 v16, v28;
	v28 =	vld [tilespmem:s4+$0xFFFFFF60];
	v10 =	vmul.f32 v33, v10;
	s4 =	rddreg [dreg:$0x4];
	v9 =	vmul.f32 v36, v9  }
0x14f: {  	s9 =	sand.u32 $0x7C, s28;
	v58 =	vld [tilespmem:s6+$0xFFFFFFB0];
	v21 =	vadd.f32 v22, v21;
	v22 =	vmul.f32 v39, v39;
	v7 =	vmul.f32 v39, v7;
	s4 =	sadd.s32 s15, s4;
	s15 =	simm.s32 $0x5  }
0x150: {  	v35 =	vld [tilespmem:s29+$0xFFFFFFD0];
	v63 =	vadd.f32 v13, v17;
	v31 =	vadd.f32 v12, v42;
	v12 =	vmul.f32 v33, v33;
	s9 =	sadd.s32 s9, s4;
	s6 =	sand.u32 $0x7D, s15  }
0x151: {  	v59 =	vadd.f32 v16, v34;
	v16 =	vmul.f32 v36, v36;
	v20 =	vmul.f32 v41, v20;
	v13 =	vld [tilespmem:s9+$0x0];
	s6 =	sadd.s32 s6, s4  }
0x152: {  	v10 =	vadd.f32 v10, v11;
	v11 =	vmul.f32 v50, v50;
	v14 =	vmul.f32 v51, v14;
	v48 =	vld [tilespmem:s6+$0x0]  }
0x153: {  	v29 =	vld [tilespmem:s1+$0xFFFFFFF0];
	(v2sf) =	vpush v25, $0x0;
	v8 =	vmul.f32 v53, v8;
	v41 =	vmul.f32 v41, v41  }
0x154: {  	s15 =	simm.s32 $0x6;
	v7 =	vadd.f32 v7, v9;
	v9 =	vmul.f32 v56, v18;
	v25 =	vmul.f32 v58, v2;
	v2 =	vld [tilespmem:s29+$0xFFFFFF10]  }
0x155: {  	s15 =	sand.u32 $0x7E, s15;
	v30 =	vadd.f32 v12, v30;
	v12 =	vld [tilespmem:s29+$0xFFFFFF30];
	v17 =	vadd.f32 v22, v16;
	v16 =	vmul.f32 v50, v15  }
0x156: {  	v22 =	vmul.f32 v53, v53;
	s1 =	sadd.s32 s15, s4;
	v15 =	vld [tilespmem:s29+$0xFFFFFF50];
	v10 =	vadd.f32 v7, v10;
	(v2sf) =	vpush v13, $0x0  }
0x157: {  	v7 =	vadd.f32 v9, v19;
	v9 =	vmul.f32 v27, v27;
	v49 =	vld [tilespmem:s1+$0x0];
	(v2sf) =	vpush v48, $0x0  }
0x158: {  	v19 =	vadd.f32 v5, v57;
	v5 =	vmul.f32 v46, v46;
	v18 =	vadd.f32 v16, v20;
	v16 =	vld [tilespmem:s29+$0xFFFFFF40]  }
0x159: {  	v8 =	vadd.f32 v8, v14;
	v14 =	vadd.f32 v17, v30;
	v30 =	vmul.f32 v60, v3;
	v3 =	vld [tilespmem:s29+$0xFFFFFFB0]  }
0x15a: {  	s9 =	simm.s32 $0x2C0;
	s4 =	simm.s32 $0x190;
	s6 =	simm.s32 $0x310;
	v6 =	vmul.f32 v29, v6;
	v50 =	vmul.f32 v28, v62;
	v9 =	vadd.f32 v5, v9;
	v5 =	vld [tilespmem:s29+$0xFFFFFEE0]  }
0x15b: {  	v11 =	vadd.f32 v11, v41;
	v27 =	vmul.f32 v56, v56;
	(xrf2) =	vadd.scan.msk.f32 $0xffff, v59;
	s1 =	sand.u32 $0xFF80, s6;
	s0 =	sand.u32 $0x50, s4;
	s4 =	simm.s32 $0x140;
	v19 =	vadd.f32 v7, v19;
	v7 =	vld [tilespmem:s29+$0xFFFFFFA0]  }
0x15c: {  	s15 =	sand.u32 $0xFF80, s9;
	(xrf2) =	vadd.scan.msk.f32 $0xffff, v31;
	s0 =	sor.u32 s0, s1;
	s4 =	sand.u32 $0x40, s4;
	v20 =	vmul.f32 v51, v51;
	v31 =	vadd.f32 v10, v50;
	v10 =	vld [tilespmem:s29+$0xFFFFFF00];
	(v2sf) =	vpush v49, $0x0  }
0x15d: {  	v6 =	vadd.f32 v6, v47;
	s1 =	sor.u32 s4, s15;
	v13 =	vld [tilespmem:s0+$0x5300];
	v51 =	vadd.f32 v8, v18;
	v8 =	vmul.f32 v55, v55  }
0x15e: {  	v29 =	vmul.f32 v29, v29;
	v17 =	vld [tilespmem:s1+$0x5300];
	v20 =	vadd.f32 v22, v20;
	v22 =	vmul.f32 v61, v4  }
0x15f: {  	s30 =	simm.s32 $0x3B0;
	s4 =	simm.s32 $0x230;
	v4 =	vld [tilespmem:s29+$0x0];
	v6 =	vadd.f32 v6, v63;
	v52 =	vadd.f32 v27, v8;
	v8 =	vmul.f32 v62, v62  }
0x160: {  	v28 =	vmul.f32 v28, v28;
	s6 =	sand.u32 $0xFF80, s30;
	v24 =	vadd.f32 v29, v24;
	s0 =	sand.u32 $0x70, s4;
	v11 =	vadd.f32 v20, v11;
	v20 =	vld [tilespmem:s29+$0xFFFFFF90]  }
0x161: {  	v34 =	vmul.f32 v60, v60;
	s0 =	sor.u32 s0, s6;
	v6 =	vadd.f32 v6, v22;
	v22 =	vld [tilespmem:s29+$0xFFFFFFE0];
	v23 =	vadd.f32 v23, v8  }
0x162: {  	s15 =	simm.s32 $0x360;
	v38 =	vmul.f32 v2, v2;
	v18 =	vadd.f32 v14, v28;
	v14 =	vmul.f32 v58, v58;
	s4 =	simm.s32 $0x1E0;
	v32 =	vld [tilespmem:s0+$0x5300];
	s9 =	spop (v2sf)  }
0x163: {  	s15 =	sand.u32 $0xFF80, s15;
	v39 =	vadd.f32 v19, v30;
	s4 =	sand.u32 $0x60, s4;
	v25 =	vadd.f32 v51, v25;
	v28 =	vmul.f32 v16, v16;
	v8 =	vld [tilespmem:s29+$0xFFFFFFF0];
	(xrf2) =	vadd.scan.msk.f32 $0xffff, v23;
	s9 =	sshll.u32 s9, $0x2  }
0x164: {  	v27 =	vld [tilespmem:s29+$0xFFFFFF80];
	s1 =	sor.u32 s4, s15;
	v53 =	vmul.f32 v5, v5;
	v30 =	vmul.f32 v3, v3;
	v9 =	vadd.f32 v52, v9;
	(xrf2) =	vadd.scan.msk.f32 $0xffff, v6;
	s0 =	ssub.s32 $0x0, s9  }
0x165: {  	v40 =	vld [tilespmem:s1+$0x5300];
	v59 =	vmul.f32 v7, v7;
	v14 =	vadd.f32 v11, v14;
	v6 =	vadd.f32 v24, v21;
	s0 =	sshra.s32 s0, $0x2;
	s6 =	spop (v2sf)  }
0x166: {  	v11 =	vld [tilespmem:s29+$0xFFFFFEF0];
	v42 =	vmul.f32 v10, v10;
	v29 =	vmul.f32 v13, v13;
	v19 =	vadd.f32 v9, v34;
	(xrf2) =	vadd.scan.msk.f32 $0xffff, v25;
	s1 =	sadd.s32 $0x56F0, s0;
	s4 =	sshll.u32 s6, $0x2;
	s9 =	spop (v2sf)  }
0x167: {  	v9 =	vmul.f32 v35, v35;
	v26 =	vadd.f32 v6, v26;
	v6 =	vmul.f32 v32, v32;
	v34 =	vld [tilespmem:s1+$0xFFFFFFC0];
	s4 =	ssub.s32 $0x0, s4;
	s0 =	sshll.u32 s9, $0x2  }
0x168: {  	v25 =	vmul.f32 v22, v22;
	v57 =	vmul.f32 v8, v8;
	v55 =	vld [tilespmem:s1+$0xFFFFFFD0];
	s4 =	sshra.s32 s4, $0x2;
	s15 =	ssub.s32 $0x0, s0  }
0x169: {  	v56 =	vmul.f32 v4, v4;
	v23 =	vmul.f32 v12, v12;
	v43 =	vld [tilespmem:s1+$0xFFFFFFE0];
	v9 =	vadd.f32 v9, v6;
	s0 =	sadd.s32 $0x56F0, s4;
	s6 =	sshra.s32 s15, $0x2  }
0x16a: {  	v58, _, _ =	vpop (xrf2);
	v54 =	vmul.f32 v20, v20;
	v24 =	vmul.f32 v27, v27;
	(xrf2) =	vadd.scan.msk.f32 $0xffff, v14;
	v25 =	vadd.f32 v57, v25;
	v14 =	vld [tilespmem:s0+$0xFFFFFED0];
	s15 =	sadd.s32 $0x56F0, s6  }
0x16b: {  	v23 =	vadd.f32 v23, v29;
	v29 =	vmul.f32 v17, v17;
	v6, _, _ =	vpop (xrf2);
	(xrf2) =	vadd.scan.msk.f32 $0xffff, v26;
	v26 =	vmul.f32 v40, v40;
	s9 =	spop (v2sf);
	v61 =	vld [tilespmem:s15+$0xFFFFFF20]  }
0x16c: {  	v21 =	vmul.f32 v15, v15;
	v36 =	vadd.f32 v59, v54;
	v25 =	vadd.f32 v25, v9;
	v62, _, _ =	vpop (xrf2);
	s9 =	sshll.u32 s9, $0x2;
	v63 =	vld [tilespmem:s15+$0xFFFFFF30]  }
0x16d: {  	v60 =	vmul.f32 v11, v11;
	v29 =	vadd.f32 v53, v29;
	v49 =	vadd.f32 v24, v26;
	v9, _, _ =	vpop (xrf2);
	s4 =	ssub.s32 $0x0, s9;
	v48 =	vld [tilespmem:s15+$0xFFFFFF40]  }
0x16e: {  	v26 =	vadd.f32 v25, v56;
	v50 =	vmul.f32 v55, v35;
	v57 =	vmul.f32 v55, v55;
	(xrf2) =	vadd.scan.msk.f32 $0xffff, v19;
	v24, _, _ =	vpop (xrf2);
	s4 =	sshra.s32 s4, $0x2  }
0x16f: {  	v52 =	vmul.f32 v34, v32;
	v19 =	vmul.f32 v43, v22;
	v22 =	vadd.f32 v36, v49;
	[tilespmem:s25+$0xC603] =	vst.msk vm0, v24;
	v51 =	vld [tilespmem:s15+$0xFFFFFF50];
	s9 =	sadd.s32 $0x56F0, s4  }
0x170: {  	[tilespmem:s25+$0xC783] =	vst.msk vm0, v58;
	v58, _, _ =	vpop (xrf2);
	v33 =	vld [tilespmem:s9+$0xFFFFFF70];
	v24 =	vmul.f32 v14, v17;
	v17 =	vadd.f32 v42, v60;
	v59 =	vmul.f32 v61, v13  }
0x171: {  	[tilespmem:s25+$0xC602] =	vst.msk vm0, v58;
	v60 =	vld [tilespmem:s9+$0xFFFFFF80];
	v13 =	vadd.f32 v21, v28;
	v25 =	vmul.f32 v61, v61;
	v61 =	vmul.f32 v63, v12  }
0x172: {  	[tilespmem:s25+$0xC782] =	vst.msk vm0, v62;
	v37 =	vld [tilespmem:s9+$0xFFFFFFA0];
	v12 =	vadd.f32 v22, v30;
	v36 =	vmul.f32 v48, v16;
	v62 =	vmul.f32 v48, v48  }
0x173: {  	(xrf2) =	vadd.scan.msk.f32 $0xffff, v31;
	v28 =	vld [tilespmem:s9+$0xFFFFFF90];
	v17 =	vadd.f32 v17, v29;
	v13 =	vadd.f32 v13, v23;
	v23 =	vmul.f32 v34, v34  }
0x174: {  	v31 =	vld [tilespmem:s1+$0xFFFFFFF0];
	v29 =	vmul.f32 v63, v63;
	v63 =	vmul.f32 v51, v51;
	v34 =	vadd.f32 v61, v59  }
0x175: {  	v32 =	vld [tilespmem:s0+$0xFFFFFF00];
	v21 =	vadd.f32 v17, v38;
	v17 =	vmul.f32 v43, v43;
	v38 =	vmul.f32 v33, v40  }
0x176: {  	(xrf2) =	vadd.scan.msk.f32 $0xffff, v39;
	v22, _, _ =	vpop (xrf2);
	v30 =	vld [tilespmem:s0+$0xFFFFFEE0];
	v40 =	vmul.f32 v51, v15;
	v15 =	vadd.f32 v63, v62;
	v35 =	vmul.f32 v60, v60  }
0x177: {  	[tilespmem:s25+$0xC902] =	vst.msk vm0, v22;
	v22 =	vld [tilespmem:s0+$0xFFFFFEF0];
	v16 =	vadd.f32 v57, v23;
	v41 =	vmul.f32 v60, v27;
	v27 =	vmul.f32 v37, v37;
	v23, _, _ =	vpop (xrf2)  }
0x178: {  	s31 =	simm.s32 $0x20;
	s24 =	sor.u32 $0x100, s22;
	v39 =	vmul.f32 v28, v20;
	v20 =	vld [tilespmem:s15+$0xFFFFFF60];
	(xrf2) =	vadd.scan.msk.f32 $0xffff, v18;
	[tilespmem:s25+$0xC903] =	vst.msk vm0, v23;
	v23 =	vadd.f32 v50, v52;
	v18, _, _ =	vpop (xrf2)  }
.LBB2_7:
0x179: {  	v25 =	vadd.f32 v29, v25;
	v29 =	vld [tilespmem:s9+$0xFFFFFFB0];
	s6 =	smov.u32 s28;
	s28 =	sadd.s32 $0x4, s28  }
0x17a: {  	s4 =	rddreg [dreg:$0x4];
	s15 =	sshra.s32 s31, $0x2;
	(xrf2) =	vadd.scan.msk.f32 $0xffff, v26;
	v26 =	vld [tilespmem:s0+$0xFFFFFF10];
	s9 =	sand.u32 $0x80, s28  }
0x17b: {  	v48 =	vld.idx.msk [tilespmem:v1+s15+$0x0 ss:$0x1], $0xffff;
	s0 =	sand.u32 $0x7C, s28;
	s4 =	sadd.s32 s9, s4  }
0x17c: {  	v50 =	vld [tilespmem:s1+$0x0];
	s9 =	sadd.s32 $0x5, s6;
	s0 =	sadd.s32 s0, s4;
	v11 =	vmul.f32 v22, v11;
	v10 =	vmul.f32 v32, v10  }
0x17d: {  	v7 =	vmul.f32 v37, v7;
	s6 =	sadd.s32 $0x6, s6;
	v51 =	vadd.f32 v15, v25;
	s9 =	sand.u32 $0x7D, s9;
	v49, _, _ =	vpop (xrf2);
	v8 =	vmul.f32 v31, v8;
	v25 =	vld [tilespmem:s0+$0x0]  }
0x17e: {  	v36 =	vadd.f32 v40, v36;
	s1 =	sadd.s32 s9, s4;
	s9 =	sand.u32 $0x7E, s6;
	v10 =	vadd.f32 v10, v11;
	v11 =	vmul.f32 v14, v14;
	v14 =	vld [tilespmem:s29+$0xFFFFFF60];
	[tilespmem:s25+$0xC601] =	vst.msk vm0, v49  }
0x17f: {  	v33 =	vmul.f32 v33, v33;
	v38 =	vadd.f32 v41, v38;
	v8 =	vadd.f32 v8, v19;
	v52 =	vld [tilespmem:s1+$0x0];
	s1 =	sadd.s32 s9, s4  }
0x180: {  	v28 =	vmul.f32 v28, v28;
	v7 =	vadd.f32 v7, v39;
	(v2sf) =	vpush v48, $0x0;
	s29 =	sadd.s32 $0x140, s29;
	v15, _, _ =	vpop (xrf2);
	v53 =	vld [tilespmem:s1+$0x0]  }
0x181: {  	v5 =	vmul.f32 v30, v5;
	v30 =	vmul.f32 v30, v30;
	v56 =	vadd.f32 v8, v23;
	v23 =	vld [tilespmem:s29+$0xFFFFFF90];
	[tilespmem:s25+$0xC600] =	vst.msk vm0, v15  }
0x182: {  	s30 =	sadd.s32 $0x140, s30;
	v55 =	vmul.f32 v32, v32;
	v54 =	vmul.f32 v26, v2;
	v15 =	vld [tilespmem:s29+$0xFFFFFF50];
	(v2sf) =	vpush v25, $0x0;
	[tilespmem:s25+$0xC780] =	vst.msk vm0, v6  }
0x183: {  	s6 =	sadd.s32 $0xFFFFFF60, s30;
	s4 =	sadd.s32 $0xFFFFFDE0, s30;
	v6 =	vadd.f32 v27, v28;
	v27 =	vmul.f32 v50, v4;
	v4 =	vmul.f32 v31, v31;
	v31 =	vld [tilespmem:s29+$0xFFFFFFD0];
	[tilespmem:s25+$0xC900] =	vst.msk vm0, v18  }
0x184: {  	v5 =	vadd.f32 v5, v24;
	s9 =	sadd.s32 $0xFFFFFF10, s30;
	s0 =	sand.u32 $0x50, s4;
	s4 =	sadd.s32 $0xFFFFFD90, s30;
	v2, _, _ =	vpop (xrf2);
	(xrf2) =	vadd.scan.msk.f32 $0xffff, v21;
	v18 =	vld [tilespmem:s29+$0xFFFFFF40];
	[tilespmem:s25+$0xC781] =	vst.msk vm0, v9;
	(v2sf) =	vpush v52, $0x0  }
0x185: {  	s1 =	sand.u32 $0xFF80, s6;
	v11 =	vadd.f32 v30, v11;
	v30 =	vadd.f32 v7, v38;
	s9 =	sand.u32 $0xFF80, s9;
	v7 =	vmul.f32 v22, v22;
	s4 =	sand.u32 $0x40, s4;
	v21 =	vld [tilespmem:s29+$0xFFFFFF30]  }
0x186: {  	v34 =	vadd.f32 v36, v34;
	v24 =	vmul.f32 v29, v3;
	v3 =	vadd.f32 v35, v33;
	s0 =	sor.u32 s0, s1;
	s1 =	sor.u32 s4, s9;
	[tilespmem:s25+$0xC901] =	vst.msk vm0, v2;
	v2 =	vld [tilespmem:s29+$0xFFFFFF10]  }
0x187: {  	v10 =	vadd.f32 v10, v5;
	v7 =	vadd.f32 v55, v7;
	v9 =	vmul.f32 v20, v20;
	v22 =	vld [tilespmem:s1+$0x5300]  }
0x188: {  	v28 =	vmul.f32 v20, v14;
	v6 =	vadd.f32 v6, v3;
	v3 =	vld [tilespmem:s29+$0xFFFFFFB0];
	(v2sf) =	vpush v53, $0x0  }
0x189: {  	v19, _, _ =	vpop (xrf2);
	(xrf2) =	vadd.scan.msk.f32 $0xffff, v12;
	v5 =	vmul.f32 v14, v14;
	v25 =	vld [tilespmem:s0+$0x5300];
	v20 =	vadd.f32 v51, v9;
	v9 =	vadd.f32 v4, v17  }
0x18a: {  	v26 =	vmul.f32 v26, v26;
	v8 =	vadd.f32 v7, v11;
	v7 =	vld [tilespmem:s29+$0xFFFFFFA0];
	v12 =	vadd.f32 v34, v28  }
0x18b: {  	v29 =	vmul.f32 v29, v29;
	v13 =	vadd.f32 v13, v5;
	v5 =	vld [tilespmem:s29+$0xFFFFFEE0];
	v9 =	vadd.f32 v9, v16  }
0x18c: {  	v14 =	vmul.f32 v50, v50;
	v4 =	vld [tilespmem:s29+$0x0];
	v16 =	vadd.f32 v10, v54;
	v10 =	vadd.f32 v56, v27  }
0x18d: {  	s4 =	sadd.s32 $0xFFFFFE80, s30;
	v29 =	vadd.f32 v6, v29;
	(xrf2) =	vadd.scan.msk.f32 $0xffff, v13;
	v13 =	vadd.f32 v8, v26;
	v27 =	vld [tilespmem:s29+$0xFFFFFF80];
	v11 =	vmul.f32 v21, v21  }
0x18e: {  	s6 =	sand.u32 $0xFF80, s30;
	s25 =	smov.u32 s26;
	s0 =	sand.u32 $0x70, s4;
	v8 =	vld [tilespmem:s29+$0xFFFFFFF0];
	v14 =	vadd.f32 v9, v14;
	v9 =	vadd.f32 v30, v24;
	v28 =	vmul.f32 v25, v25;
	v6, _, _ =	vpop (xrf2);
	(xrf2) =	vadd.scan.msk.f32 $0xffff, v10  }
0x18f: {  	s26 =	smov.u32 s15;
	s0 =	sor.u32 s0, s6;
	v26 =	vld [tilespmem:s29+$0xFFFFFFE0];
	s9 =	spop (v2sf)  }
0x190: {  	s15 =	sadd.s32 $0xFFFFFFB0, s30;
	s4 =	sadd.s32 $0xFFFFFE30, s30;
	v35 =	vmul.f32 v15, v15;
	v32 =	vadd.f32 v11, v28;
	v28 =	vld [tilespmem:s0+$0x5300];
	(xrf2) =	vadd.scan.msk.f32 $0xffff, v9;
	s1 =	sshll.u32 s9, $0x2  }
0x191: {  	s4 =	sand.u32 $0x60, s4;
	v17 =	vmul.f32 v18, v18;
	v30 =	vmul.f32 v23, v23;
	v10 =	vld [tilespmem:s29+$0xFFFFFF00];
	s9 =	sand.u32 $0xFF80, s15;
	s0 =	ssub.s32 $0x0, s1  }
0x192: {  	v36 =	vmul.f32 v2, v2;
	v37 =	vmul.f32 v3, v3;
	v11 =	vld [tilespmem:s29+$0xFFFFFEF0];
	s1 =	sor.u32 s4, s9;
	s0 =	sshra.s32 s0, $0x2;
	s15 =	spop (v2sf)  }
0x193: {  	v44 =	vmul.f32 v22, v22;
	v47 =	vmul.f32 v7, v7;
	v34, _, _ =	vpop (xrf2);
	(xrf2) =	vadd.scan.msk.f32 $0xffff, v29;
	v38 =	vld [tilespmem:s1+$0x5300];
	s4 =	sshll.u32 s15, $0x2;
	s1 =	sadd.s32 s0, s29;
	s6 =	spop (v2sf)  }
0x194: {  	v58 =	vmul.f32 v26, v26;
	v43 =	vmul.f32 v8, v8;
	s4 =	ssub.s32 $0x0, s4;
	v39 =	vld [tilespmem:s1+$0xFFFFFFC0];
	s0 =	sshll.u32 s6, $0x2  }
0x195: {  	v29 =	vmul.f32 v31, v31;
	v48 =	vmul.f32 v28, v28;
	v59 =	vld [tilespmem:s1+$0xFFFFFFD0];
	s4 =	sshra.s32 s4, $0x2;
	s15 =	ssub.s32 $0x0, s0  }
0x196: {  	v24 =	vmul.f32 v5, v5;
	v17 =	vadd.f32 v35, v17;
	v30 =	vadd.f32 v47, v30;
	v46 =	vld [tilespmem:s1+$0xFFFFFFE0];
	s0 =	sadd.s32 s4, s29;
	s15 =	sshra.s32 s15, $0x2  }
0x197: {  	v54 =	vmul.f32 v4, v4;
	v40 =	vadd.f32 v43, v58;
	v9, _, _ =	vpop (xrf2);
	(xrf2) =	vadd.scan.msk.f32 $0xffff, v14;
	v29 =	vadd.f32 v29, v48;
	s9 =	spop (v2sf);
	v14 =	vld [tilespmem:s0+$0xFFFFFED0];
	s15 =	sadd.s32 s15, s29  }
0x198: {  	v57 =	vmul.f32 v27, v27;
	v60 =	vadd.f32 v24, v44;
	s6 =	sshll.u32 s9, $0x2;
	v42, _, _ =	vpop (xrf2);
	v24 =	vmul.f32 v38, v38;
	v62 =	vld [tilespmem:s15+$0xFFFFFF20]  }
0x199: {  	v45 =	vmul.f32 v10, v10;
	v61 =	vmul.f32 v11, v11;
	v29 =	vadd.f32 v40, v29;
	s6 =	ssub.s32 $0x0, s6;
	[tilespmem:s25+$0xC603] =	vst.msk vm0, v42;
	v63 =	vld [tilespmem:s15+$0xFFFFFF30]  }
0x19a: {  	(xrf2) =	vadd.scan.msk.f32 $0xffff, v13;
	v13, _, _ =	vpop (xrf2);
	s9 =	sshra.s32 s6, $0x2;
	[tilespmem:s25+$0xC783] =	vst.msk vm0, v19;
	v49 =	vadd.f32 v57, v24;
	v50 =	vmul.f32 v59, v31;
	v55 =	vld [tilespmem:s15+$0xFFFFFF40]  }
0x19b: {  	v31 =	vmul.f32 v59, v59;
	v51 =	vmul.f32 v39, v28;
	[tilespmem:s25+$0xC602] =	vst.msk vm0, v13;
	v13 =	vadd.f32 v45, v61;
	v56 =	vld [tilespmem:s15+$0xFFFFFF50];
	s9 =	sadd.s32 s9, s29  }
0x19c: {  	v19 =	vmul.f32 v46, v26;
	v26 =	vadd.f32 v29, v54;
	v61 =	vmul.f32 v39, v39;
	v33 =	vld [tilespmem:s9+$0xFFFFFF70];
	[tilespmem:s25+$0xC782] =	vst.msk vm0, v34  }
0x19d: {  	v29, _, _ =	vpop (xrf2);
	v59 =	vadd.f32 v13, v60;
	v58 =	vld [tilespmem:s9+$0xFFFFFF80];
	v24 =	vmul.f32 v14, v22;
	v22 =	vadd.f32 v30, v49  }
0x19e: {  	v13 =	vadd.f32 v17, v32;
	v17 =	vmul.f32 v46, v46;
	v28 =	vld [tilespmem:s9+$0xFFFFFF90];
	[tilespmem:s25+$0xC902] =	vst.msk vm0, v29;
	v57 =	vmul.f32 v62, v25  }
0x19f: {  	p0 =	slt.u32 s28, $0xFC;
	(xrf2) =	vadd.scan.msk.f32 $0xffff, v12;
	v25 =	vmul.f32 v62, v62;
	v60 =	vmul.f32 v63, v21;
	v12 =	vadd.f32 v22, v37;
	v37 =	vld [tilespmem:s9+$0xFFFFFFA0]  }
.Ltmp2:
0x1a0: {  	v32 =	vld [tilespmem:s0+$0xFFFFFF00];
	v29 =	vmul.f32 v63, v63;
	v21 =	vadd.f32 v59, v36;
	v36 =	vmul.f32 v55, v18;
	(pc) =	sbr.rel @p0 .LBB2_7-.Ltmp2, $4  }
0x1a1: {  	(xrf2) =	vadd.scan.msk.f32 $0xffff, v16;
	v16 =	vadd.f32 v31, v61;
	v30 =	vld [tilespmem:s0+$0xFFFFFEE0];
	v62 =	vmul.f32 v55, v55;
	v63 =	vmul.f32 v56, v56  }
0x1a2: {  	v18, _, _ =	vpop (xrf2);
	v22 =	vld [tilespmem:s0+$0xFFFFFEF0];
	v40 =	vmul.f32 v56, v15;
	(xrf2) =	vadd.scan.msk.f32 $0xffff, v20;
	v38 =	vmul.f32 v33, v38;
	v34 =	vadd.f32 v60, v57  }
0x1a3: {  	v20 =	vld [tilespmem:s15+$0xFFFFFF60];
	[tilespmem:s25+$0xC903] =	vst.msk vm0, v18;
	v35 =	vmul.f32 v58, v58;
	v39 =	vmul.f32 v28, v23;
	v23 =	vadd.f32 v50, v51  }
0x1a4: {  	s31 =	sadd.s32 $0x10, s31;
	v31 =	vld [tilespmem:s1+$0xFFFFFFF0];
	v15 =	vadd.f32 v63, v62;
	v41 =	vmul.f32 v58, v27;
	v18, _, _ =	vpop (xrf2);
	v27 =	vmul.f32 v37, v37  }
0x1a5: {  	v1 =	vmul.f32 v37, v7;
	v7 =	vmul.f32 v33, v33  }
0x1a6: {  	v36 =	vadd.f32 v40, v36;
	v10 =	vmul.f32 v32, v10;
	v57 =	vmul.f32 v28, v28  }
0x1a7: {  	v56 =	vld [tilespmem:s29+$0xFFFFFF60];
	v59 =	vmul.f32 v32, v32;
	v38 =	vadd.f32 v41, v38;
	v11 =	vmul.f32 v22, v11  }
0x1a8: {  	v55 =	vld [tilespmem:s1+$0x0];
	v5 =	vmul.f32 v30, v5;
	v58 =	vmul.f32 v30, v30;
	v1 =	vadd.f32 v1, v39  }
0x1a9: {  	v8 =	vmul.f32 v31, v8;
	v10 =	vadd.f32 v10, v11;
	v11 =	vmul.f32 v14, v14;
	v14 =	vld [tilespmem:s9+$0xFFFFFFB0]  }
0x1aa: {  	(xrf2) =	vadd.scan.msk.f32 $0xffff, v26;
	v7 =	vadd.f32 v35, v7;
	v63 =	vmul.f32 v22, v22;
	v5 =	vadd.f32 v5, v24  }
0x1ab: {  	(xrf2) =	vadd.scan.msk.f32 $0xffff, v21;
	v24 =	vadd.f32 v27, v57;
	v62 =	vmul.f32 v31, v31;
	v8 =	vadd.f32 v8, v19  }
0x1ac: {  	v61 =	vld [tilespmem:s0+$0xFFFFFF10];
	(xrf2) =	vadd.scan.msk.f32 $0xffff, v12;
	v1 =	vadd.f32 v1, v38;
	v12 =	vadd.f32 v59, v63;
	v60 =	vmul.f32 v56, v56  }
0x1ad: {  	v4 =	vmul.f32 v55, v4;
	v7 =	vadd.f32 v24, v7;
	v8 =	vadd.f32 v8, v23  }
0x1ae: {  	v17 =	vadd.f32 v62, v17;
	v13 =	vadd.f32 v13, v60;
	v3 =	vmul.f32 v14, v3  }
0x1af: {  	v11 =	vadd.f32 v58, v11;
	v4 =	vadd.f32 v8, v4;
	v8 =	vmul.f32 v14, v14  }
0x1b0: {  	(xrf2) =	vadd.scan.msk.f32 $0xffff, v13;
	v13 =	vmul.f32 v55, v55;
	v14 =	vadd.f32 v17, v16;
	v1 =	vadd.f32 v1, v3  }
0x1b1: {  	v3 =	vmul.f32 v61, v61;
	(xrf2) =	vadd.scan.msk.f32 $0xffff, v4;
	v4 =	vadd.f32 v7, v8;
	v7 =	vadd.f32 v12, v11  }
0x1b2: {  	v2 =	vmul.f32 v61, v2;
	v5 =	vadd.f32 v10, v5;
	v8 =	vadd.f32 v36, v34  }
0x1b3: {  	v11 =	vmul.f32 v20, v56;
	v12 =	vadd.f32 v14, v13;
	(xrf2) =	vadd.scan.msk.f32 $0xffff, v1;
	v3 =	vadd.f32 v7, v3  }
0x1b4: {  	v1, _, _ =	vpop (xrf2);
	(xrf2) =	vadd.scan.msk.f32 $0xffff, v4  }
0x1b5: {  	v2 =	vadd.f32 v5, v2;
	v7 =	vadd.f32 v8, v11;
	v4, _, _ =	vpop (xrf2);
	(xrf2) =	vadd.scan.msk.f32 $0xffff, v12  }
0x1b6: {  	v8 =	vadd.f32 v29, v25;
	[tilespmem:s25+$0xC601] =	vst.msk vm0, v1;
	v1, _, _ =	vpop (xrf2);
	(xrf2) =	vadd.scan.msk.f32 $0xffff, v3  }
0x1b7: {  	[tilespmem:s25+$0xC600] =	vst.msk vm0, v4;
	v3, _, _ =	vpop (xrf2);
	(xrf2) =	vadd.scan.msk.f32 $0xffff, v7  }
0x1b8: {  	v5 =	vmul.f32 v20, v20;
	v4 =	vadd.f32 v15, v8;
	[tilespmem:s25+$0xC780] =	vst.msk vm0, v6;
	v6, _, _ =	vpop (xrf2);
	(xrf2) =	vadd.scan.msk.f32 $0xffff, v2  }
0x1b9: {  	[tilespmem:s25+$0xC781] =	vst.msk vm0, v9;
	v2, _, _ =	vpop (xrf2)  }
0x1ba: {  	[tilespmem:s25+$0xC901] =	vst.msk vm0, v1;
	v4 =	vadd.f32 v4, v5;
	v7, _, _ =	vpop (xrf2)  }
0x1bb: {  	[tilespmem:s25+$0xC900] =	vst.msk vm0, v18;
	v1, _, _ =	vpop (xrf2)  }
0x1bc: {  	(xrf2) =	vadd.scan.msk.f32 $0xffff, v4;
	[tilespmem:s26+$0xC603] =	vst.msk vm0, v1  }
0x1bd: {  	v1, _, _ =	vpop (xrf2);
	[tilespmem:s26+$0xC783] =	vst.msk vm0, v3  }
0x1be: {  	[tilespmem:s26+$0xC602] =	vst.msk vm0, v1;
	v3, _, _ =	vpop (xrf2)  }
0x1bf: {  	[tilespmem:s26+$0xC782] =	vst.msk vm0, v2;
	v1, _, _ =	vpop (xrf2)  }
0x1c0: {  	[tilespmem:s26+$0xC902] =	vst.msk vm0, v3;
	v2, _, _ =	vpop (xrf2)  }
0x1c1: {  	[tilespmem:s26+$0xC903] =	vst.msk vm0, v1;
	v1, _, _ =	vpop (xrf2)  }
0x1c2: {  	[tilespmem:s26+$0xC601] =	vst.msk vm0, v1;
	v1, _, _ =	vpop (xrf2)  }
0x1c3: {  	[tilespmem:s26+$0xC600] =	vst.msk vm0, v1  }
0x1c4: {  	[tilespmem:s26+$0xC781] =	vst.msk vm0, v7  }
0x1c5: {  	[tilespmem:s26+$0xC780] =	vst.msk vm0, v6  }
0x1c6: {  	v1, _, _ =	vpop (xrf2);
	[tilespmem:s26+$0xC900] =	vst.msk vm0, v2  }
0x1c7: {  	[tilespmem:s26+$0xC901] =	vst.msk vm0, v1;
	s26 =	simm.s32 $0xC910  }
0x1c8: {  	s15 =	simm.s32 $0xC790;
	v2 =	vld [tilespmem:s26+$0x0]  }
0x1c9: {  	v3 =	vld [tilespmem:s15+$0x0];
	_ =	sdelay $0x1  }
0x1ca: {  	v1 =	vld [tilespmem:s15+$0xFFFFFFF0]  }
0x1cb: {  	v4 =	vld [tilespmem:s26+$0xFFFFFFF0];
	_ =	sdelay $0x1  }
0x1cc: {  	v2 =	vmul.f32 v2, v3  }
0x1cd: {  	s4 =	simm.s32 $0xC7B0  }
0x1ce: {  	s6 =	simm.s32 $0xC930;
	v7 =	vld [tilespmem:s4+$0x0];
	v2 =	vadd.f32 $9.999999710e-10, v2  }
0x1cf: {  	v9 =	vld [tilespmem:s6+$0xFFFFFFF0];
	v1 =	vmul.f32 v4, v1  }
0x1d0: {  	v3 =	vld [tilespmem:s4+$0xFFFFFFF0];
	v4 =	vshra.s32 v2, $0x1;
	v5 =	vmul.f32 $5.000000000e-01, v2  }
0x1d1: {  	v1 =	vadd.f32 $9.999999710e-10, v1;
	v2 =	vld [tilespmem:s6+$0x0];
	v4 =	vsub.s32 $0x5F3759DF, v4  }
0x1d2: {  	v8 =	vmul.f32 v4, v5  }
0x1d3: {  	v6 =	vshra.s32 v1, $0x1;
	v1 =	vmul.f32 $5.000000000e-01, v1  }
0x1d4: {  	v6 =	vsub.s32 $0x5F3759DF, v6;
	v8 =	vmul.f32 v4, v8  }
0x1d5: {  	v3 =	vmul.f32 v9, v3;
	v10 =	vmul.f32 v6, v1  }
0x1d6: {  	v2 =	vmul.f32 v2, v7;
	v8 =	vsub.f32 $1.500000000e+00, v8  }
0x1d7: {  	v3 =	vadd.f32 $9.999999710e-10, v3;
	v10 =	vmul.f32 v6, v10  }
0x1d8: {  	s30 =	simm.s32 $0xC7D0;
	v2 =	vadd.f32 $9.999999710e-10, v2;
	v4 =	vmul.f32 v4, v8  }
0x1d9: {  	s31 =	simm.s32 $0xC950;
	v12 =	vld [tilespmem:s30+$0x0];
	v11 =	vshra.s32 v3, $0x1;
	v7 =	vsub.f32 $1.500000000e+00, v10  }
0x1da: {  	v14 =	vld [tilespmem:s31+$0xFFFFFFF0];
	v8 =	vshra.s32 v2, $0x1;
	v2 =	vmul.f32 $5.000000000e-01, v2;
	v9 =	vmul.f32 v4, v5  }
0x1db: {  	v3 =	vmul.f32 $5.000000000e-01, v3;
	v10 =	vld [tilespmem:s31+$0x0];
	v6 =	vmul.f32 v6, v7;
	v8 =	vsub.s32 $0x5F3759DF, v8  }
0x1dc: {  	v11 =	vsub.s32 $0x5F3759DF, v11;
	v7 =	vld [tilespmem:s30+$0xFFFFFFF0];
	v13 =	vmul.f32 v8, v2;
	v9 =	vmul.f32 v9, v4  }
0x1dd: {  	v16 =	vmul.f32 v11, v3;
	v15 =	vmul.f32 v6, v1  }
0x1de: {  	v13 =	vmul.f32 v8, v13;
	v9 =	vsub.f32 $1.500000000e+00, v9  }
0x1df: {  	v16 =	vmul.f32 v11, v16;
	v15 =	vmul.f32 v15, v6  }
0x1e0: {  	v13 =	vsub.f32 $1.500000000e+00, v13;
	v4 =	vmul.f32 v9, v4;
	v9 =	vmul.f32 v10, v12  }
0x1e1: {  	v7 =	vmul.f32 v14, v7;
	v14 =	vsub.f32 $1.500000000e+00, v16;
	v12 =	vsub.f32 $1.500000000e+00, v15  }
0x1e2: {  	v10 =	vmul.f32 v8, v13;
	v16 =	vmul.f32 v4, v5;
	v5 =	vadd.f32 $9.999999710e-10, v9  }
0x1e3: {  	s1 =	sadd.s32 $0xB600, s24;
	s0 =	simm.s32 $0x10;
	s24 =	simm.s32 $0xC610;
	v9 =	vadd.f32 $9.999999710e-10, v7;
	v7 =	vmul.f32 v11, v14;
	v6 =	vmul.f32 v12, v6  }
0x1e4: {  	s28 =	simm.s32 $0xC7F0;
	s29 =	simm.s32 $0xC970;
	s25 =	simm.s32 $0x0;
	v14 =	vmul.f32 v10, v2;
	v15 =	vshra.s32 v5, $0x1;
	v8 =	vmul.f32 $5.000000000e-01, v5;
	v5 =	vld [tilespmem:s24+$0xFFFFFFF0]  }
0x1e5: {  	s9 =	sand.u32 $0x80, s25;
	s15 =	simm.s32 $0x4;
	s26 =	simm.s32 $0x10;
	v11 =	vmul.f32 v16, v4;
	v13 =	vshra.s32 v9, $0x1;
	v12 =	vmul.f32 $5.000000000e-01, v9;
	v9 =	vld [tilespmem:s24+$0x0]  }
.LBB2_9:
0x1e6: {  	v16 =	vld [tilespmem:s28+$0xFFFFFFF0];
	s15 =	sadd.s32 $0x2, s15;
	v15 =	vsub.s32 $0x5F3759DF, v15;
	v17 =	vmul.f32 v7, v3;
	v18 =	vmul.f32 v6, v1;
	s0 =	sadd.s32 $0x20, s0;
	s24 =	sadd.s32 $0x20, s24;
	v1 =	vmovc v3  }
0x1e7: {  	v19 =	vld [tilespmem:s29+$0x0];
	p0 =	slt.u32 s15, $0xE;
	v20 =	vmul.f32 v15, v8;
	s4 =	sadd.s32 $0xFFFFFFF0, s0;
	v14 =	vmul.f32 v14, v10;
	v3 =	vmov v12  }
0x1e8: {  	v11 =	vsub.f32 $1.500000000e+00, v11;
	v12 =	vld [tilespmem:s28+$0x0];
	v17 =	vmul.f32 v17, v7;
	s6 =	sand.u32 $0x80, s4;
	v18 =	vmul.f32 v18, v6  }
0x1e9: {  	v13 =	vsub.s32 $0x5F3759DF, v13;
	v21 =	vld [tilespmem:s29+$0xFFFFFFF0];
	v20 =	vmul.f32 v15, v20;
	v14 =	vsub.f32 $1.500000000e+00, v14  }
0x1ea: {  	s30 =	sand.u32 $0x60, s25;
	s31 =	sadd.s32 s9, s1;
	v22 =	vmul.f32 v13, v3;
	v11 =	vmul.f32 v11, v4;
	s25 =	smov.u32 s4;
	v18 =	vsub.f32 $1.500000000e+00, v18  }
0x1eb: {  	s4 =	sadd.s32 s30, s31;
	s9 =	smov.u32 s6;
	v17 =	vsub.f32 $1.500000000e+00, v17;
	v20 =	vsub.f32 $1.500000000e+00, v20;
	v4 =	vmul.f32 v14, v10  }
0x1ec: {  	v10 =	vmul.f32 v13, v22;
	v6 =	vmul.f32 v18, v6  }
0x1ed: {  	s6 =	sand.u32 $0x70, s26;
	s26 =	smov.u32 s0;
	v9 =	vmul.f32 v11, v9;
	v12 =	vmul.f32 v19, v12  }
.Ltmp3:
0x1ee: {  	s6 =	sadd.s32 s6, s31;
	v14 =	vsub.f32 $1.500000000e+00, v10;
	v11 =	vmul.f32 v21, v16;
	v16 =	vmul.f32 v4, v2;
	v2 =	vmovc v8;
	(pc) =	sbr.rel @p0 .LBB2_9-.Ltmp3, $4  }
0x1ef: {  	v10 =	vmul.f32 v15, v20;
	v8 =	vadd.f32 $9.999999710e-10, v12;
	v12 =	vmul.f32 v6, v5;
	[tilespmem:s6+$0x0] =	vst v9  }
0x1f0: {  	v6 =	vmul.f32 v17, v7;
	v7 =	vmul.f32 v13, v14;
	v9 =	vadd.f32 $9.999999710e-10, v11  }
0x1f1: {  	v11 =	vmul.f32 v16, v4;
	v15 =	vshra.s32 v8, $0x1;
	v8 =	vmul.f32 $5.000000000e-01, v8;
	v5 =	vld [tilespmem:s24+$0xFFFFFFF0];
	[tilespmem:s4+$0x0] =	vst v12  }
0x1f2: {  	s28 =	sadd.s32 $0x20, s28;
	s29 =	sadd.s32 $0x20, s29;
	v14 =	vmul.f32 v10, v2;
	v13 =	vshra.s32 v9, $0x1;
	v12 =	vmul.f32 $5.000000000e-01, v9;
	v9 =	vld [tilespmem:s24+$0x0]  }
0x1f3: {  	v15 =	vsub.s32 $0x5F3759DF, v15  }
0x1f4: {  	v13 =	vsub.s32 $0x5F3759DF, v13;
	v16 =	vmul.f32 v15, v8  }
0x1f5: {  	v17 =	vmul.f32 v13, v12  }
0x1f6: {  	v16 =	vmul.f32 v15, v16  }
0x1f7: {  	v17 =	vmul.f32 v13, v17  }
0x1f8: {  	v16 =	vsub.f32 $1.500000000e+00, v16  }
0x1f9: {  	v17 =	vsub.f32 $1.500000000e+00, v17  }
0x1fa: {  	v15 =	vmul.f32 v15, v16  }
0x1fb: {  	v16 =	vmul.f32 v7, v3;
	v13 =	vmul.f32 v13, v17  }
0x1fc: {  	v14 =	vmul.f32 v14, v10;
	v17 =	vmul.f32 v15, v8  }
0x1fd: {  	v16 =	vmul.f32 v16, v7;
	v18 =	vmul.f32 v13, v12  }
0x1fe: {  	v14 =	vsub.f32 $1.500000000e+00, v14;
	v17 =	vmul.f32 v17, v15  }
0x1ff: {  	v1 =	vmul.f32 v6, v1;
	v16 =	vsub.f32 $1.500000000e+00, v16;
	v18 =	vmul.f32 v18, v13  }
0x200: {  	v10 =	vmul.f32 v14, v10;
	v14 =	vsub.f32 $1.500000000e+00, v17  }
0x201: {  	v1 =	vmul.f32 v1, v6;
	v7 =	vmul.f32 v16, v7;
	v16 =	vsub.f32 $1.500000000e+00, v18  }
0x202: {  	v2 =	vmul.f32 v10, v2;
	v14 =	vmul.f32 v14, v15  }
0x203: {  	v3 =	vmul.f32 v7, v3;
	v13 =	vmul.f32 v16, v13  }
0x204: {  	s4 =	sadd.s32 $0x20, s24;
	v11 =	vsub.f32 $1.500000000e+00, v11;
	v2 =	vmul.f32 v2, v10;
	v8 =	vmul.f32 v14, v8  }
0x205: {  	v1 =	vsub.f32 $1.500000000e+00, v1;
	v15 =	vld [tilespmem:s4+$0x0];
	v3 =	vmul.f32 v3, v7;
	v12 =	vmul.f32 v13, v12  }
0x206: {  	v4 =	vmul.f32 v11, v4;
	v11 =	vld [tilespmem:s4+$0xFFFFFFF0];
	v2 =	vsub.f32 $1.500000000e+00, v2;
	s4 =	sadd.s32 $0x20, s4;
	v8 =	vmul.f32 v8, v14  }
0x207: {  	s0 =	sadd.s32 $0x20, s0;
	s25 =	sand.u32 $0x60, s25;
	s9 =	sadd.s32 s9, s1;
	v1 =	vmul.f32 v1, v6;
	v6 =	vld [tilespmem:s4+$0x0];
	v3 =	vsub.f32 $1.500000000e+00, v3;
	v12 =	vmul.f32 v12, v13  }
0x208: {  	s26 =	sand.u32 $0x70, s26;
	s6 =	sadd.s32 $0xFFFFFFF0, s0;
	s31 =	sadd.s32 s25, s9;
	v4 =	vmul.f32 v4, v9;
	v2 =	vmul.f32 v2, v10;
	v9 =	vld [tilespmem:s4+$0xFFFFFFF0];
	v8 =	vsub.f32 $1.500000000e+00, v8  }
0x209: {  	s9 =	sadd.s32 s26, s9;
	s24 =	sadd.s32 $0x20, s0;
	s15 =	sand.u32 $0x80, s6;
	v1 =	vmul.f32 v1, v5;
	v3 =	vmul.f32 v3, v7;
	v5 =	vsub.f32 $1.500000000e+00, v12  }
0x20a: {  	s0 =	sand.u32 $0x70, s0;
	s25 =	sadd.s32 $0xFFFFFFF0, s24;
	s15 =	sadd.s32 s15, s1;
	[tilespmem:s9+$0x0] =	vst v4;
	v2 =	vmul.f32 v2, v15;
	v4 =	vmul.f32 v8, v14  }
0x20b: {  	s6 =	sand.u32 $0x60, s6;
	s26 =	sand.u32 $0x80, s25;
	s0 =	sadd.s32 s0, s15;
	[tilespmem:s31+$0x0] =	vst v1;
	v1 =	vmul.f32 v3, v11;
	v3 =	vmul.f32 v5, v13  }
0x20c: {  	s6 =	sadd.s32 s6, s15;
	s31 =	sadd.s32 s26, s1;
	s4 =	sand.u32 $0x70, s24;
	[tilespmem:s0+$0x0] =	vst v2;
	v2 =	vmul.f32 v4, v6  }
0x20d: {  	s9 =	sand.u32 $0x60, s25;
	s1 =	sadd.s32 s4, s31;
	[tilespmem:s6+$0x0] =	vst v1;
	v1 =	vmul.f32 v3, v9  }
0x20e: {  	s0 =	sadd.s32 s9, s31;
	[tilespmem:s1+$0x0] =	vst v2  }
0x20f: {  	s15 =	sadd.s32 $0x1DD0, s23;
	s23 =	simm.s32 $0x0;
	[tilespmem:s0+$0x0] =	vst v1;
	v1 =	vmov s19  }
0x210: {  	[tilespmem:s12], [sflag:$0x2] =	stream.linear.gather [hbm4b:s15+s23], $0x4A00, $0x38;
	[tilespmem:$0xCA80] =	vst v63  }
0x211: {  	_ =	swait.ge [sflag:s13], $0x5180  }
0x212: {  	s24 =	sadd.s32 $0xA800, s22;
	[sflag:s13] =	ssyncset.done $0x0  }
0x213: {  	[dreg:$0x5] =	wrdreg s24;
	s24 =	simm.s32 $0x0;
	[sflag:s13] =	ssyncadd.s32 $0xFFFFAE80  }
0x214: {  	s26 =	simm.s32 $0x0;
	s0 =	simm.s32 $0x2B0;
	v2 =	vld.idx.msk [tilespmem:v1+s24+$0x0 ss:$0x1], $0xffff  }
0x215: {  	s31 =	sand.u32 $0x80, s26;
	s25 =	rddreg [dreg:$0x5];
	v7 =	vld [tilespmem:s0+$0xFFFFFF50]  }
0x216: {  	s6 =	sand.u32 $0x7C, s26;
	s4 =	sadd.s32 s31, s25;
	v9 =	vld [tilespmem:s0+$0xFFFFFF40]  }
0x217: {  	s6 =	sadd.s32 s6, s4;
	v10 =	vld [tilespmem:s0+$0xFFFFFF30]  }
0x218: {  	v3 =	vld [tilespmem:s6+$0x0]  }
0x219: {  	v13 =	vld [tilespmem:s0+$0xFFFFFFD0];
	(v2sf) =	vpush v2, $0x0  }
0x21a: {  	s15 =	simm.s32 $0x1;
	v8 =	vld [tilespmem:s0+$0xFFFFFFA0]  }
0x21b: {  	s9 =	sand.u32 $0x7D, s15;
	v14 =	vld [tilespmem:s0+$0xFFFFFF90]  }
0x21c: {  	s26 =	sadd.s32 s9, s4;
	v15 =	vld [tilespmem:s0+$0xFFFFFF80]  }
0x21d: {  	v4 =	vld [tilespmem:s26+$0x0];
	(v2sf) =	vpush v3, $0x0  }
0x21e: {  	s25 =	simm.s32 $0x2;
	v6 =	vld [tilespmem:s0+$0xFFFFFFF0]  }
0x21f: {  	s31 =	sand.u32 $0x7E, s25;
	v16 =	vld [tilespmem:s0+$0xFFFFFFE0]  }
0x220: {  	s15 =	simm.s32 $0x1D0;
	s9 =	simm.s32 $0x50;
	v18 =	vld [tilespmem:s0+$0xFFFFFF00];
	s4 =	sadd.s32 s31, s4  }
0x221: {  	s6 =	sand.u32 $0xFF80, s15;
	v5 =	vld [tilespmem:s4+$0x0];
	s4 =	sand.u32 $0x50, s9  }
0x222: {  	s25 =	simm.s32 $0x0;
	v19 =	vld [tilespmem:s0+$0xFFFFFEF0];
	s26 =	simm.s32 $0x180;
	s4 =	sor.u32 s4, s6;
	(v2sf) =	vpush v4, $0x0  }
0x223: {  	s31 =	sand.u32 $0xFF80, s26;
	s9 =	sand.u32 $0x40, s25;
	v11 =	vld [tilespmem:s4+$0x0]  }
0x224: {  	v62 =	vld [tilespmem:s0+$0xFFFFFF60];
	s15 =	sor.u32 s9, s31  }
0x225: {  	s1 =	simm.s32 $0x270;
	s25 =	simm.s32 $0xF0;
	v12 =	vld [tilespmem:s15+$0x0]  }
0x226: {  	s1 =	sand.u32 $0xFF80, s1;
	s4 =	sand.u32 $0x70, s25;
	v2 =	vld [tilespmem:s0+$0xFFFFFFB0];
	(v2sf) =	vpush v5, $0x0  }
0x227: {  	s1 =	sor.u32 s4, s1;
	v23 =	vmul.f32 v9, v9;
	v26 =	vmul.f32 v10, v10;
	v3 =	vld [tilespmem:s0+$0xFFFFFF10]  }
0x228: {  	s31 =	simm.s32 $0xA0;
	s15 =	simm.s32 $0x220;
	v31 =	vmul.f32 v7, v7;
	v17 =	vld [tilespmem:s1+$0x0];
	v25 =	vmul.f32 v11, v11;
	s26 =	spop (v2sf)  }
0x229: {  	s6 =	sand.u32 $0x60, s31;
	v4 =	vld [tilespmem:s0+$0x0];
	s25 =	sshll.u32 s26, $0x2;
	s26 =	sand.u32 $0xFF80, s15  }
0x22a: {  	v23 =	vadd.f32 v31, v23;
	v5 =	vld [tilespmem:s0+$0xFFFFFEE0];
	v25 =	vadd.f32 v26, v25;
	s1 =	ssub.s32 $0x0, s25;
	s4 =	sor.u32 s6, s26  }
0x22b: {  	s25 =	simm.s32 $0x4;
	s1 =	sshra.s32 s1, $0x2;
	v20 =	vld [tilespmem:s4+$0x0]  }
0x22c: {  	v23 =	vadd.f32 v23, v25;
	s31 =	spop (v2sf);
	v25 =	vld.idx.msk [tilespmem:v1+s25+$0x0 ss:$0x1], $0xffff;
	s1 =	sadd.s32 $0x2B0, s1  }
0x22d: {  	s6 =	sshll.u32 s31, $0x2;
	v21 =	vld [tilespmem:s1+$0xFFFFFFC0]  }
0x22e: {  	s6 =	ssub.s32 $0x0, s6;
	v22 =	vld [tilespmem:s1+$0xFFFFFFD0]  }
0x22f: {  	s6 =	sshra.s32 s6, $0x2;
	v24 =	vld [tilespmem:s1+$0xFFFFFFE0]  }
0x230: {  	v29 =	vmul.f32 v14, v14;
	v32 =	vmul.f32 v15, v15;
	s15 =	sadd.s32 $0x2B0, s6;
	v61 =	vld [tilespmem:s1+$0x0]  }
0x231: {  	v35 =	vmul.f32 v13, v13;
	v37 =	vmul.f32 v16, v16;
	s9 =	spop (v2sf);
	v27 =	vld [tilespmem:s15+$0xFFFFFED0]  }
0x232: {  	v43 =	vmul.f32 v8, v8;
	v44 =	vmul.f32 v18, v18;
	s4 =	sshll.u32 s9, $0x2;
	v46 =	vld [tilespmem:s15+$0xFFFFFEE0]  }
0x233: {  	v38 =	vmul.f32 v17, v17;
	v26 =	vmul.f32 v6, v6;
	s4 =	ssub.s32 $0x0, s4;
	v55 =	vld [tilespmem:s15+$0xFFFFFEF0]  }
0x234: {  	v52 =	vmul.f32 v19, v19;
	v40 =	vmul.f32 v12, v12;
	s4 =	sshra.s32 s4, $0x2;
	v56 =	vld [tilespmem:s15+$0xFFFFFF00]  }
0x235: {  	v42 =	vmul.f32 v2, v2;
	v35 =	vadd.f32 v35, v38;
	v26 =	vadd.f32 v26, v37;
	s26 =	spop (v2sf);
	s4 =	sadd.s32 $0x2B0, s4;
	v60 =	vld [tilespmem:s15+$0xFFFFFF10]  }
0x236: {  	v29 =	vadd.f32 v43, v29;
	v34 =	vmul.f32 v3, v3;
	v28 =	vmul.f32 v5, v5;
	s6 =	sshll.u32 s26, $0x2;
	v30 =	vld [tilespmem:s4+$0xFFFFFF20]  }
0x237: {  	v54 =	vmul.f32 v4, v4;
	v26 =	vadd.f32 v26, v35;
	s6 =	ssub.s32 $0x0, s6;
	v33 =	vld [tilespmem:s4+$0xFFFFFF30];
	v45 =	vmul.f32 v20, v20  }
0x238: {  	v28 =	vadd.f32 v28, v40;
	s6 =	sshra.s32 s6, $0x2;
	v36 =	vld [tilespmem:s4+$0xFFFFFF40];
	v13 =	vmul.f32 v22, v13;
	v22 =	vmul.f32 v22, v22  }
0x239: {  	v26 =	vadd.f32 v26, v54;
	v39 =	vld [tilespmem:s4+$0xFFFFFF50];
	s6 =	sadd.s32 $0x2B0, s6;
	v17 =	vmul.f32 v21, v17;
	v47 =	vmul.f32 v24, v16  }
0x23a: {  	(v2sf) =	vpush v25, $0x0;
	v41 =	vld [tilespmem:s6+$0xFFFFFF70];
	v21 =	vmul.f32 v21, v21;
	v24 =	vmul.f32 v24, v24  }
0x23b: {  	(xrf2) =	vadd.scan.msk.f32 $0xffff, v26;
	v50 =	vld [tilespmem:s6+$0xFFFFFF80];
	v32 =	vadd.f32 v32, v45;
	v26 =	vmul.f32 v61, v61;
	v57 =	vmul.f32 v27, v12  }
0x23c: {  	v51 =	vld [tilespmem:s6+$0xFFFFFF90];
	v16 =	vadd.f32 v44, v52;
	v19 =	vmul.f32 v55, v19;
	v5 =	vmul.f32 v46, v5  }
0x23d: {  	s26 =	simm.s32 $0x4;
	v53 =	vld [tilespmem:s6+$0xFFFFFFA0];
	v12 =	vadd.f32 v29, v32;
	v11 =	vmul.f32 v30, v11;
	v30 =	vmul.f32 v30, v30  }
0x23e: {  	s28 =	simm.s32 $0x3F0;
	s31 =	sand.u32 $0x80, s26;
	v16 =	vadd.f32 v16, v28;
	v28 =	vld [tilespmem:s4+$0xFFFFFF60];
	v10 =	vmul.f32 v33, v10;
	s4 =	rddreg [dreg:$0x5];
	v9 =	vmul.f32 v36, v9  }
0x23f: {  	s15 =	sand.u32 $0x7C, s26;
	v58 =	vld [tilespmem:s6+$0xFFFFFFB0];
	v21 =	vadd.f32 v22, v21;
	v22 =	vmul.f32 v39, v39;
	v7 =	vmul.f32 v39, v7;
	s4 =	sadd.s32 s31, s4;
	s31 =	simm.s32 $0x5  }
0x240: {  	v35 =	vld [tilespmem:s28+$0xFFFFFFD0];
	v63 =	vadd.f32 v13, v17;
	v31 =	vadd.f32 v12, v42;
	v12 =	vmul.f32 v33, v33;
	s15 =	sadd.s32 s15, s4;
	s6 =	sand.u32 $0x7D, s31  }
0x241: {  	v59 =	vadd.f32 v16, v34;
	v16 =	vmul.f32 v36, v36;
	v20 =	vmul.f32 v41, v20;
	v13 =	vld [tilespmem:s15+$0x0];
	s15 =	sadd.s32 s6, s4  }
0x242: {  	v10 =	vadd.f32 v10, v11;
	v11 =	vmul.f32 v50, v50;
	v14 =	vmul.f32 v51, v14;
	v48 =	vld [tilespmem:s15+$0x0]  }
0x243: {  	v29 =	vld [tilespmem:s1+$0xFFFFFFF0];
	v8 =	vmul.f32 v53, v8;
	v41 =	vmul.f32 v41, v41;
	v7 =	vadd.f32 v7, v9  }
0x244: {  	s31 =	simm.s32 $0x6;
	v9 =	vmul.f32 v56, v18;
	v25 =	vmul.f32 v58, v2;
	v2 =	vld [tilespmem:s28+$0xFFFFFF10];
	v17 =	vadd.f32 v22, v16  }
0x245: {  	s31 =	sand.u32 $0x7E, s31;
	v16 =	vmul.f32 v50, v15;
	v30 =	vadd.f32 v12, v30;
	v15 =	vld [tilespmem:s28+$0xFFFFFF50];
	v8 =	vadd.f32 v8, v14  }
0x246: {  	v22 =	vmul.f32 v53, v53;
	s1 =	sadd.s32 s31, s4;
	v10 =	vadd.f32 v7, v10;
	v12 =	vld [tilespmem:s28+$0xFFFFFF30];
	(v2sf) =	vpush v13, $0x0  }
0x247: {  	v7 =	vadd.f32 v9, v19;
	v9 =	vmul.f32 v27, v27;
	v49 =	vld [tilespmem:s1+$0x0];
	(v2sf) =	vpush v48, $0x0  }
0x248: {  	s9 =	simm.s32 $0x140;
	s6 =	simm.s32 $0x310;
	v19 =	vadd.f32 v5, v57;
	v5 =	vmul.f32 v46, v46;
	v18 =	vadd.f32 v16, v20;
	v16 =	vld [tilespmem:s28+$0xFFFFFF40]  }
0x249: {  	s4 =	simm.s32 $0x190;
	s15 =	simm.s32 $0x2C0;
	v11 =	vadd.f32 v11, v41;
	s1 =	sand.u32 $0xFF80, s6;
	v14 =	vadd.f32 v17, v30;
	v30 =	vmul.f32 v60, v3;
	v3 =	vld [tilespmem:s28+$0xFFFFFFB0]  }
0x24a: {  	v27 =	vmul.f32 v56, v56;
	s0 =	sand.u32 $0x50, s4;
	v6 =	vmul.f32 v29, v6;
	s31 =	sand.u32 $0xFF80, s15;
	s4 =	sand.u32 $0x40, s9;
	v9 =	vadd.f32 v5, v9;
	v5 =	vld [tilespmem:s28+$0xFFFFFEE0]  }
0x24b: {  	v29 =	vmul.f32 v29, v29;
	v50 =	vmul.f32 v28, v62;
	s0 =	sor.u32 s0, s1;
	s1 =	sor.u32 s4, s31;
	v19 =	vadd.f32 v7, v19;
	v7 =	vld [tilespmem:s28+$0xFFFFFFA0]  }
0x24c: {  	(xrf2) =	vadd.scan.msk.f32 $0xffff, v59;
	v20 =	vmul.f32 v51, v51;
	v17 =	vld [tilespmem:s1+$0x0];
	v6 =	vadd.f32 v6, v47;
	(v2sf) =	vpush v49, $0x0  }
0x24d: {  	(xrf2) =	vadd.scan.msk.f32 $0xffff, v31;
	v31 =	vadd.f32 v10, v50;
	v10 =	vld [tilespmem:s28+$0xFFFFFF00];
	v51 =	vadd.f32 v8, v18;
	v8 =	vmul.f32 v55, v55  }
0x24e: {  	v28 =	vmul.f32 v28, v28;
	v24 =	vadd.f32 v29, v24;
	v13 =	vld [tilespmem:s0+$0x0];
	v20 =	vadd.f32 v22, v20  }
0x24f: {  	s29 =	simm.s32 $0x3B0;
	s4 =	simm.s32 $0x230;
	v22 =	vmul.f32 v61, v4;
	v4 =	vld [tilespmem:s28+$0x0];
	v52 =	vadd.f32 v27, v8;
	v8 =	vmul.f32 v62, v62  }
0x250: {  	v34 =	vmul.f32 v60, v60;
	s6 =	sand.u32 $0xFF80, s29;
	s0 =	sand.u32 $0x70, s4;
	v6 =	vadd.f32 v6, v63;
	v11 =	vadd.f32 v20, v11;
	v20 =	vld [tilespmem:s28+$0xFFFFFF90]  }
0x251: {  	v38 =	vmul.f32 v2, v2;
	v18 =	vadd.f32 v14, v28;
	s0 =	sor.u32 s0, s6;
	v27 =	vld [tilespmem:s28+$0xFFFFFF80];
	v23 =	vadd.f32 v23, v8  }
0x252: {  	v14 =	vmul.f32 v58, v58;
	v39 =	vadd.f32 v19, v30;
	v32 =	vld [tilespmem:s0+$0x0];
	v6 =	vadd.f32 v6, v22;
	s9 =	spop (v2sf)  }
0x253: {  	s15 =	simm.s32 $0x1E0;
	s31 =	simm.s32 $0x360;
	v25 =	vadd.f32 v51, v25;
	v28 =	vmul.f32 v16, v16;
	v22 =	vld [tilespmem:s28+$0xFFFFFFE0];
	v53 =	vmul.f32 v5, v5;
	s1 =	sshll.u32 s9, $0x2;
	(xrf2) =	vadd.scan.msk.f32 $0xffff, v23  }
0x254: {  	s4 =	sand.u32 $0x60, s15;
	s6 =	sand.u32 $0xFF80, s31;
	v30 =	vmul.f32 v3, v3;
	v59 =	vmul.f32 v7, v7;
	v8 =	vld [tilespmem:s28+$0xFFFFFFF0];
	v9 =	vadd.f32 v52, v9;
	s0 =	ssub.s32 $0x0, s1;
	(xrf2) =	vadd.scan.msk.f32 $0xffff, v6  }
0x255: {  	v14 =	vadd.f32 v11, v14;
	v11 =	vld [tilespmem:s28+$0xFFFFFEF0];
	v42 =	vmul.f32 v10, v10;
	s1 =	sor.u32 s4, s6;
	s0 =	sshra.s32 s0, $0x2;
	v6 =	vadd.f32 v24, v21;
	s9 =	spop (v2sf)  }
0x256: {  	v29 =	vmul.f32 v13, v13;
	v56 =	vmul.f32 v4, v4;
	v40 =	vld [tilespmem:s1+$0x0];
	v19 =	vadd.f32 v9, v34;
	s1 =	sadd.s32 $0x3F0, s0;
	(xrf2) =	vadd.scan.msk.f32 $0xffff, v25;
	s4 =	sshll.u32 s9, $0x2;
	s15 =	spop (v2sf)  }
0x257: {  	v9 =	vmul.f32 v35, v35;
	v34 =	vld [tilespmem:s1+$0xFFFFFFC0];
	v26 =	vadd.f32 v6, v26;
	v6 =	vmul.f32 v32, v32;
	s4 =	ssub.s32 $0x0, s4;
	s0 =	sshll.u32 s15, $0x2  }
0x258: {  	v23 =	vmul.f32 v12, v12;
	v54 =	vmul.f32 v20, v20;
	v55 =	vld [tilespmem:s1+$0xFFFFFFD0];
	s4 =	sshra.s32 s4, $0x2;
	s31 =	ssub.s32 $0x0, s0  }
0x259: {  	v25 =	vmul.f32 v22, v22;
	v43 =	vld [tilespmem:s1+$0xFFFFFFE0];
	v57 =	vmul.f32 v8, v8;
	v9 =	vadd.f32 v9, v6;
	s0 =	sadd.s32 $0x3F0, s4;
	s6 =	sshra.s32 s31, $0x2  }
0x25a: {  	v58, _, _ =	vpop (xrf2);
	v21 =	vmul.f32 v15, v15;
	v24 =	vmul.f32 v27, v27;
	(xrf2) =	vadd.scan.msk.f32 $0xffff, v14;
	v14 =	vld [tilespmem:s0+$0xFFFFFED0];
	s15 =	sadd.s32 $0x3F0, s6  }
0x25b: {  	v23 =	vadd.f32 v23, v29;
	v25 =	vadd.f32 v57, v25;
	v6, _, _ =	vpop (xrf2);
	(xrf2) =	vadd.scan.msk.f32 $0xffff, v26;
	v26 =	vmul.f32 v40, v40;
	s9 =	spop (v2sf);
	v61 =	vld [tilespmem:s15+$0xFFFFFF20]  }
0x25c: {  	v29 =	vmul.f32 v17, v17;
	v60 =	vmul.f32 v11, v11;
	v36 =	vadd.f32 v59, v54;
	v62, _, _ =	vpop (xrf2);
	s31 =	sshll.u32 s9, $0x2;
	v63 =	vld [tilespmem:s15+$0xFFFFFF30]  }
0x25d: {  	v25 =	vadd.f32 v25, v9;
	v50 =	vmul.f32 v55, v35;
	v49 =	vadd.f32 v24, v26;
	v9, _, _ =	vpop (xrf2);
	s4 =	ssub.s32 $0x0, s31;
	v48 =	vld [tilespmem:s15+$0xFFFFFF40]  }
0x25e: {  	v29 =	vadd.f32 v53, v29;
	v57 =	vmul.f32 v55, v55;
	v52 =	vmul.f32 v34, v32;
	(xrf2) =	vadd.scan.msk.f32 $0xffff, v19;
	v24, _, _ =	vpop (xrf2);
	s4 =	sshra.s32 s4, $0x2  }
0x25f: {  	v26 =	vadd.f32 v25, v56;
	v19 =	vmul.f32 v43, v22;
	v22 =	vadd.f32 v36, v49;
	[tilespmem:s24+$0xC603] =	vst.msk vm0, v24;
	v51 =	vld [tilespmem:s15+$0xFFFFFF50];
	s9 =	sadd.s32 $0x3F0, s4  }
0x260: {  	[tilespmem:s24+$0xC783] =	vst.msk vm0, v58;
	v58, _, _ =	vpop (xrf2);
	v33 =	vld [tilespmem:s9+$0xFFFFFF70];
	v24 =	vmul.f32 v14, v17;
	v17 =	vadd.f32 v42, v60;
	v59 =	vmul.f32 v61, v13  }
0x261: {  	[tilespmem:s24+$0xC602] =	vst.msk vm0, v58;
	v60 =	vld [tilespmem:s9+$0xFFFFFF80];
	v13 =	vadd.f32 v21, v28;
	v25 =	vmul.f32 v61, v61;
	v61 =	vmul.f32 v63, v12  }
0x262: {  	[tilespmem:s24+$0xC782] =	vst.msk vm0, v62;
	v37 =	vld [tilespmem:s9+$0xFFFFFFA0];
	v12 =	vadd.f32 v22, v30;
	v36 =	vmul.f32 v48, v16;
	v62 =	vmul.f32 v48, v48  }
0x263: {  	(xrf2) =	vadd.scan.msk.f32 $0xffff, v31;
	v28 =	vld [tilespmem:s9+$0xFFFFFF90];
	v17 =	vadd.f32 v17, v29;
	v13 =	vadd.f32 v13, v23;
	v23 =	vmul.f32 v34, v34  }
0x264: {  	v31 =	vld [tilespmem:s1+$0xFFFFFFF0];
	v29 =	vmul.f32 v63, v63;
	v63 =	vmul.f32 v51, v51;
	v34 =	vadd.f32 v61, v59  }
0x265: {  	v32 =	vld [tilespmem:s0+$0xFFFFFF00];
	v21 =	vadd.f32 v17, v38;
	v17 =	vmul.f32 v43, v43;
	v38 =	vmul.f32 v33, v40  }
0x266: {  	(xrf2) =	vadd.scan.msk.f32 $0xffff, v39;
	v22, _, _ =	vpop (xrf2);
	v30 =	vld [tilespmem:s0+$0xFFFFFEE0];
	v40 =	vmul.f32 v51, v15;
	v15 =	vadd.f32 v63, v62;
	v35 =	vmul.f32 v60, v60  }
0x267: {  	[tilespmem:s24+$0xC902] =	vst.msk vm0, v22;
	v22 =	vld [tilespmem:s0+$0xFFFFFEF0];
	v16 =	vadd.f32 v57, v23;
	v41 =	vmul.f32 v60, v27;
	v27 =	vmul.f32 v37, v37;
	v23, _, _ =	vpop (xrf2)  }
0x268: {  	s30 =	simm.s32 $0x20;
	s23 =	sor.u32 $0x200, s22;
	v39 =	vmul.f32 v28, v20;
	v20 =	vld [tilespmem:s15+$0xFFFFFF60];
	(xrf2) =	vadd.scan.msk.f32 $0xffff, v18;
	[tilespmem:s24+$0xC903] =	vst.msk vm0, v23;
	v23 =	vadd.f32 v50, v52;
	v18, _, _ =	vpop (xrf2)  }
.LBB2_11:
0x269: {  	v25 =	vadd.f32 v29, v25;
	v29 =	vld [tilespmem:s9+$0xFFFFFFB0];
	s6 =	smov.u32 s26;
	s26 =	sadd.s32 $0x4, s26  }
0x26a: {  	s4 =	rddreg [dreg:$0x5];
	s15 =	sshra.s32 s30, $0x2;
	(xrf2) =	vadd.scan.msk.f32 $0xffff, v26;
	v26 =	vld [tilespmem:s0+$0xFFFFFF10];
	s31 =	sand.u32 $0x80, s26  }
0x26b: {  	v48 =	vld.idx.msk [tilespmem:v1+s15+$0x0 ss:$0x1], $0xffff;
	s0 =	sand.u32 $0x7C, s26;
	s4 =	sadd.s32 s31, s4  }
0x26c: {  	v50 =	vld [tilespmem:s1+$0x0];
	s31 =	sadd.s32 $0x5, s6;
	s0 =	sadd.s32 s0, s4;
	v11 =	vmul.f32 v22, v11;
	v10 =	vmul.f32 v32, v10  }
0x26d: {  	v7 =	vmul.f32 v37, v7;
	s6 =	sadd.s32 $0x6, s6;
	v51 =	vadd.f32 v15, v25;
	s31 =	sand.u32 $0x7D, s31;
	v49, _, _ =	vpop (xrf2);
	v8 =	vmul.f32 v31, v8;
	v25 =	vld [tilespmem:s0+$0x0]  }
0x26e: {  	v36 =	vadd.f32 v40, v36;
	s9 =	sadd.s32 s31, s4;
	s31 =	sand.u32 $0x7E, s6;
	v10 =	vadd.f32 v10, v11;
	v11 =	vmul.f32 v14, v14;
	v14 =	vld [tilespmem:s28+$0xFFFFFF60];
	[tilespmem:s24+$0xC601] =	vst.msk vm0, v49  }
0x26f: {  	v33 =	vmul.f32 v33, v33;
	v38 =	vadd.f32 v41, v38;
	s4 =	sadd.s32 s31, s4;
	v8 =	vadd.f32 v8, v19;
	v52 =	vld [tilespmem:s9+$0x0]  }
0x270: {  	v28 =	vmul.f32 v28, v28;
	v7 =	vadd.f32 v7, v39;
	v53 =	vld [tilespmem:s4+$0x0];
	(v2sf) =	vpush v48, $0x0;
	s28 =	sadd.s32 $0x140, s28;
	v15, _, _ =	vpop (xrf2)  }
0x271: {  	v5 =	vmul.f32 v30, v5;
	v30 =	vmul.f32 v30, v30;
	v56 =	vadd.f32 v8, v23;
	v23 =	vld [tilespmem:s28+$0xFFFFFF90];
	[tilespmem:s24+$0xC600] =	vst.msk vm0, v15  }
0x272: {  	v55 =	vmul.f32 v32, v32;
	v54 =	vmul.f32 v26, v2;
	v15 =	vld [tilespmem:s28+$0xFFFFFF50];
	(v2sf) =	vpush v25, $0x0;
	[tilespmem:s24+$0xC780] =	vst.msk vm0, v6  }
0x273: {  	s29 =	sadd.s32 $0x140, s29;
	v6 =	vadd.f32 v27, v28;
	v27 =	vmul.f32 v50, v4;
	v4 =	vmul.f32 v31, v31;
	v31 =	vld [tilespmem:s28+$0xFFFFFFD0];
	[tilespmem:s24+$0xC900] =	vst.msk vm0, v18  }
0x274: {  	s31 =	sadd.s32 $0xFFFFFF10, s29;
	v5 =	vadd.f32 v5, v24;
	s4 =	sadd.s32 $0xFFFFFD90, s29;
	s9 =	sadd.s32 $0xFFFFFF60, s29;
	v2, _, _ =	vpop (xrf2);
	(xrf2) =	vadd.scan.msk.f32 $0xffff, v21;
	v18 =	vld [tilespmem:s28+$0xFFFFFF40];
	[tilespmem:s24+$0xC781] =	vst.msk vm0, v9;
	(v2sf) =	vpush v52, $0x0  }
0x275: {  	v24 =	vmul.f32 v29, v3;
	v3 =	vadd.f32 v35, v33;
	s4 =	sand.u32 $0x40, s4;
	s1 =	sand.u32 $0xFF80, s9;
	v11 =	vadd.f32 v30, v11;
	s9 =	sand.u32 $0xFF80, s31;
	v21 =	vld [tilespmem:s28+$0xFFFFFF30]  }
0x276: {  	s6 =	sadd.s32 $0xFFFFFDE0, s29;
	v30 =	vadd.f32 v7, v38;
	v7 =	vmul.f32 v22, v22;
	s31 =	sor.u32 s4, s9;
	[tilespmem:s24+$0xC901] =	vst.msk vm0, v2;
	v2 =	vld [tilespmem:s28+$0xFFFFFF10];
	(v2sf) =	vpush v53, $0x0  }
0x277: {  	v34 =	vadd.f32 v36, v34;
	s0 =	sand.u32 $0x50, s6;
	v10 =	vadd.f32 v10, v5;
	v9 =	vmul.f32 v20, v20;
	v22 =	vld [tilespmem:s31+$0x0]  }
0x278: {  	s0 =	sor.u32 s0, s1;
	v7 =	vadd.f32 v55, v7;
	v28 =	vmul.f32 v20, v14;
	v6 =	vadd.f32 v6, v3;
	v3 =	vld [tilespmem:s28+$0xFFFFFFB0]  }
0x279: {  	v19, _, _ =	vpop (xrf2);
	(xrf2) =	vadd.scan.msk.f32 $0xffff, v12;
	v5 =	vmul.f32 v14, v14;
	v25 =	vld [tilespmem:s0+$0x0];
	v20 =	vadd.f32 v51, v9;
	v9 =	vadd.f32 v4, v17  }
0x27a: {  	v26 =	vmul.f32 v26, v26;
	v8 =	vadd.f32 v7, v11;
	v7 =	vld [tilespmem:s28+$0xFFFFFFA0];
	v12 =	vadd.f32 v34, v28  }
0x27b: {  	v29 =	vmul.f32 v29, v29;
	v13 =	vadd.f32 v13, v5;
	v5 =	vld [tilespmem:s28+$0xFFFFFEE0];
	v9 =	vadd.f32 v9, v16  }
0x27c: {  	s1 =	sadd.s32 $0xFFFFFE80, s29;
	v14 =	vmul.f32 v50, v50;
	v4 =	vld [tilespmem:s28+$0x0];
	v16 =	vadd.f32 v10, v54;
	v10 =	vadd.f32 v56, v27  }
0x27d: {  	s4 =	sand.u32 $0xFF80, s29;
	s9 =	sadd.s32 $0xFFFFFFB0, s29;
	s0 =	sand.u32 $0x70, s1;
	v29 =	vadd.f32 v6, v29;
	(xrf2) =	vadd.scan.msk.f32 $0xffff, v13;
	v13 =	vadd.f32 v8, v26;
	v27 =	vld [tilespmem:s28+$0xFFFFFF80];
	v11 =	vmul.f32 v21, v21  }
0x27e: {  	s24 =	smov.u32 s25;
	s0 =	sor.u32 s0, s4;
	s4 =	sadd.s32 $0xFFFFFE30, s29;
	v8 =	vld [tilespmem:s28+$0xFFFFFFF0];
	v14 =	vadd.f32 v9, v14;
	v9 =	vadd.f32 v30, v24;
	v28 =	vmul.f32 v25, v25;
	v6, _, _ =	vpop (xrf2);
	(xrf2) =	vadd.scan.msk.f32 $0xffff, v10  }
0x27f: {  	s31 =	sand.u32 $0xFF80, s9;
	v26 =	vld [tilespmem:s28+$0xFFFFFFE0];
	s4 =	sand.u32 $0x60, s4;
	s6 =	spop (v2sf)  }
0x280: {  	s25 =	smov.u32 s15;
	v35 =	vmul.f32 v15, v15;
	s1 =	sor.u32 s4, s31;
	v32 =	vadd.f32 v11, v28;
	v28 =	vld [tilespmem:s0+$0x0];
	(xrf2) =	vadd.scan.msk.f32 $0xffff, v9;
	s15 =	sshll.u32 s6, $0x2  }
0x281: {  	v17 =	vmul.f32 v18, v18;
	v30 =	vmul.f32 v23, v23;
	v38 =	vld [tilespmem:s1+$0x0];
	s0 =	ssub.s32 $0x0, s15  }
0x282: {  	v36 =	vmul.f32 v2, v2;
	v37 =	vmul.f32 v3, v3;
	v10 =	vld [tilespmem:s28+$0xFFFFFF00];
	s0 =	sshra.s32 s0, $0x2;
	s6 =	spop (v2sf)  }
0x283: {  	v44 =	vmul.f32 v22, v22;
	v47 =	vmul.f32 v7, v7;
	v34, _, _ =	vpop (xrf2);
	v11 =	vld [tilespmem:s28+$0xFFFFFEF0];
	(xrf2) =	vadd.scan.msk.f32 $0xffff, v29;
	s4 =	sshll.u32 s6, $0x2;
	s1 =	sadd.s32 s0, s28;
	s9 =	spop (v2sf)  }
0x284: {  	v58 =	vmul.f32 v26, v26;
	v43 =	vmul.f32 v8, v8;
	s4 =	ssub.s32 $0x0, s4;
	v39 =	vld [tilespmem:s1+$0xFFFFFFC0];
	s0 =	sshll.u32 s9, $0x2  }
0x285: {  	v29 =	vmul.f32 v31, v31;
	v48 =	vmul.f32 v28, v28;
	v59 =	vld [tilespmem:s1+$0xFFFFFFD0];
	s4 =	sshra.s32 s4, $0x2;
	s15 =	spop (v2sf);
	s31 =	ssub.s32 $0x0, s0  }
0x286: {  	v24 =	vmul.f32 v5, v5;
	v17 =	vadd.f32 v35, v17;
	v30 =	vadd.f32 v47, v30;
	v46 =	vld [tilespmem:s1+$0xFFFFFFE0];
	s6 =	sshll.u32 s15, $0x2;
	s0 =	sadd.s32 s4, s28;
	s15 =	sshra.s32 s31, $0x2  }
0x287: {  	v54 =	vmul.f32 v4, v4;
	v40 =	vadd.f32 v43, v58;
	v9, _, _ =	vpop (xrf2);
	(xrf2) =	vadd.scan.msk.f32 $0xffff, v14;
	v29 =	vadd.f32 v29, v48;
	v14 =	vld [tilespmem:s0+$0xFFFFFED0];
	s15 =	sadd.s32 s15, s28  }
0x288: {  	v57 =	vmul.f32 v27, v27;
	v60 =	vadd.f32 v24, v44;
	v24 =	vmul.f32 v38, v38;
	v42, _, _ =	vpop (xrf2);
	v62 =	vld [tilespmem:s15+$0xFFFFFF20]  }
0x289: {  	v45 =	vmul.f32 v10, v10;
	v61 =	vmul.f32 v11, v11;
	v29 =	vadd.f32 v40, v29;
	s6 =	ssub.s32 $0x0, s6;
	[tilespmem:s24+$0xC603] =	vst.msk vm0, v42;
	v63 =	vld [tilespmem:s15+$0xFFFFFF30]  }
0x28a: {  	v49 =	vadd.f32 v57, v24;
	(xrf2) =	vadd.scan.msk.f32 $0xffff, v13;
	v13, _, _ =	vpop (xrf2);
	s31 =	sshra.s32 s6, $0x2;
	[tilespmem:s24+$0xC783] =	vst.msk vm0, v19;
	v50 =	vmul.f32 v59, v31;
	v55 =	vld [tilespmem:s15+$0xFFFFFF40]  }
0x28b: {  	v31 =	vmul.f32 v59, v59;
	v51 =	vmul.f32 v39, v28;
	[tilespmem:s24+$0xC602] =	vst.msk vm0, v13;
	v13 =	vadd.f32 v45, v61;
	v56 =	vld [tilespmem:s15+$0xFFFFFF50];
	s9 =	sadd.s32 s31, s28  }
0x28c: {  	v19 =	vmul.f32 v46, v26;
	v26 =	vadd.f32 v29, v54;
	v61 =	vmul.f32 v39, v39;
	v33 =	vld [tilespmem:s9+$0xFFFFFF70];
	[tilespmem:s24+$0xC782] =	vst.msk vm0, v34  }
0x28d: {  	v29, _, _ =	vpop (xrf2);
	v59 =	vadd.f32 v13, v60;
	v58 =	vld [tilespmem:s9+$0xFFFFFF80];
	v24 =	vmul.f32 v14, v22;
	v22 =	vadd.f32 v30, v49  }
0x28e: {  	v13 =	vadd.f32 v17, v32;
	v17 =	vmul.f32 v46, v46;
	v28 =	vld [tilespmem:s9+$0xFFFFFF90];
	[tilespmem:s24+$0xC902] =	vst.msk vm0, v29;
	v57 =	vmul.f32 v62, v25  }
0x28f: {  	p0 =	slt.u32 s26, $0xFC;
	(xrf2) =	vadd.scan.msk.f32 $0xffff, v12;
	v25 =	vmul.f32 v62, v62;
	v60 =	vmul.f32 v63, v21;
	v12 =	vadd.f32 v22, v37;
	v37 =	vld [tilespmem:s9+$0xFFFFFFA0]  }
.Ltmp4:
0x290: {  	v32 =	vld [tilespmem:s0+$0xFFFFFF00];
	v29 =	vmul.f32 v63, v63;
	v21 =	vadd.f32 v59, v36;
	v36 =	vmul.f32 v55, v18;
	(pc) =	sbr.rel @p0 .LBB2_11-.Ltmp4, $4  }
0x291: {  	(xrf2) =	vadd.scan.msk.f32 $0xffff, v16;
	v16 =	vadd.f32 v31, v61;
	v30 =	vld [tilespmem:s0+$0xFFFFFEE0];
	v62 =	vmul.f32 v55, v55;
	v63 =	vmul.f32 v56, v56  }
0x292: {  	v18, _, _ =	vpop (xrf2);
	v22 =	vld [tilespmem:s0+$0xFFFFFEF0];
	v40 =	vmul.f32 v56, v15;
	(xrf2) =	vadd.scan.msk.f32 $0xffff, v20;
	v38 =	vmul.f32 v33, v38;
	v34 =	vadd.f32 v60, v57  }
0x293: {  	v20 =	vld [tilespmem:s15+$0xFFFFFF60];
	[tilespmem:s24+$0xC903] =	vst.msk vm0, v18;
	v35 =	vmul.f32 v58, v58;
	v39 =	vmul.f32 v28, v23;
	v23 =	vadd.f32 v50, v51  }
0x294: {  	s30 =	sadd.s32 $0x10, s30;
	v31 =	vld [tilespmem:s1+$0xFFFFFFF0];
	v15 =	vadd.f32 v63, v62;
	v41 =	vmul.f32 v58, v27;
	v18, _, _ =	vpop (xrf2);
	v27 =	vmul.f32 v37, v37  }
0x295: {  	v1 =	vmul.f32 v37, v7;
	v7 =	vmul.f32 v33, v33  }
0x296: {  	v36 =	vadd.f32 v40, v36;
	v10 =	vmul.f32 v32, v10;
	v57 =	vmul.f32 v28, v28  }
0x297: {  	v56 =	vld [tilespmem:s28+$0xFFFFFF60];
	v59 =	vmul.f32 v32, v32;
	v38 =	vadd.f32 v41, v38;
	v11 =	vmul.f32 v22, v11  }
0x298: {  	v55 =	vld [tilespmem:s1+$0x0];
	v5 =	vmul.f32 v30, v5;
	v58 =	vmul.f32 v30, v30;
	v1 =	vadd.f32 v1, v39  }
0x299: {  	v8 =	vmul.f32 v31, v8;
	v10 =	vadd.f32 v10, v11;
	v11 =	vmul.f32 v14, v14;
	v14 =	vld [tilespmem:s9+$0xFFFFFFB0]  }
0x29a: {  	(xrf2) =	vadd.scan.msk.f32 $0xffff, v26;
	v7 =	vadd.f32 v35, v7;
	v63 =	vmul.f32 v22, v22;
	v5 =	vadd.f32 v5, v24  }
0x29b: {  	(xrf2) =	vadd.scan.msk.f32 $0xffff, v21;
	v24 =	vadd.f32 v27, v57;
	v62 =	vmul.f32 v31, v31;
	v8 =	vadd.f32 v8, v19  }
0x29c: {  	v61 =	vld [tilespmem:s0+$0xFFFFFF10];
	(xrf2) =	vadd.scan.msk.f32 $0xffff, v12;
	v1 =	vadd.f32 v1, v38;
	v12 =	vadd.f32 v59, v63;
	v60 =	vmul.f32 v56, v56  }
0x29d: {  	v4 =	vmul.f32 v55, v4;
	v7 =	vadd.f32 v24, v7;
	v8 =	vadd.f32 v8, v23  }
0x29e: {  	v17 =	vadd.f32 v62, v17;
	v13 =	vadd.f32 v13, v60;
	v3 =	vmul.f32 v14, v3  }
0x29f: {  	v11 =	vadd.f32 v58, v11;
	v4 =	vadd.f32 v8, v4;
	v8 =	vmul.f32 v14, v14  }
0x2a0: {  	(xrf2) =	vadd.scan.msk.f32 $0xffff, v13;
	v13 =	vmul.f32 v55, v55;
	v14 =	vadd.f32 v17, v16;
	v1 =	vadd.f32 v1, v3  }
0x2a1: {  	v3 =	vmul.f32 v61, v61;
	(xrf2) =	vadd.scan.msk.f32 $0xffff, v4;
	v4 =	vadd.f32 v7, v8;
	v7 =	vadd.f32 v12, v11  }
0x2a2: {  	v2 =	vmul.f32 v61, v2;
	v5 =	vadd.f32 v10, v5;
	v8 =	vadd.f32 v36, v34  }
0x2a3: {  	v11 =	vmul.f32 v20, v56;
	v12 =	vadd.f32 v14, v13;
	(xrf2) =	vadd.scan.msk.f32 $0xffff, v1;
	v3 =	vadd.f32 v7, v3  }
0x2a4: {  	v1, _, _ =	vpop (xrf2);
	(xrf2) =	vadd.scan.msk.f32 $0xffff, v4  }
0x2a5: {  	v2 =	vadd.f32 v5, v2;
	v7 =	vadd.f32 v8, v11;
	v4, _, _ =	vpop (xrf2);
	(xrf2) =	vadd.scan.msk.f32 $0xffff, v12  }
0x2a6: {  	v8 =	vadd.f32 v29, v25;
	[tilespmem:s24+$0xC601] =	vst.msk vm0, v1;
	v1, _, _ =	vpop (xrf2);
	(xrf2) =	vadd.scan.msk.f32 $0xffff, v3  }
0x2a7: {  	[tilespmem:s24+$0xC600] =	vst.msk vm0, v4;
	v3, _, _ =	vpop (xrf2);
	(xrf2) =	vadd.scan.msk.f32 $0xffff, v7  }
0x2a8: {  	v5 =	vmul.f32 v20, v20;
	v4 =	vadd.f32 v15, v8;
	[tilespmem:s24+$0xC780] =	vst.msk vm0, v6;
	v6, _, _ =	vpop (xrf2);
	(xrf2) =	vadd.scan.msk.f32 $0xffff, v2  }
0x2a9: {  	[tilespmem:s24+$0xC781] =	vst.msk vm0, v9;
	v2, _, _ =	vpop (xrf2)  }
0x2aa: {  	[tilespmem:s24+$0xC901] =	vst.msk vm0, v1;
	v4 =	vadd.f32 v4, v5;
	v7, _, _ =	vpop (xrf2)  }
0x2ab: {  	[tilespmem:s24+$0xC900] =	vst.msk vm0, v18;
	v1, _, _ =	vpop (xrf2)  }
0x2ac: {  	(xrf2) =	vadd.scan.msk.f32 $0xffff, v4;
	[tilespmem:s25+$0xC603] =	vst.msk vm0, v1  }
0x2ad: {  	v1, _, _ =	vpop (xrf2);
	[tilespmem:s25+$0xC783] =	vst.msk vm0, v3  }
0x2ae: {  	[tilespmem:s25+$0xC602] =	vst.msk vm0, v1;
	v3, _, _ =	vpop (xrf2)  }
0x2af: {  	[tilespmem:s25+$0xC782] =	vst.msk vm0, v2;
	v1, _, _ =	vpop (xrf2)  }
0x2b0: {  	[tilespmem:s25+$0xC902] =	vst.msk vm0, v3;
	v2, _, _ =	vpop (xrf2)  }
0x2b1: {  	[tilespmem:s25+$0xC903] =	vst.msk vm0, v1;
	v1, _, _ =	vpop (xrf2)  }
0x2b2: {  	[tilespmem:s25+$0xC601] =	vst.msk vm0, v1;
	v1, _, _ =	vpop (xrf2)  }
0x2b3: {  	[tilespmem:s25+$0xC600] =	vst.msk vm0, v1  }
0x2b4: {  	[tilespmem:s25+$0xC781] =	vst.msk vm0, v7  }
0x2b5: {  	[tilespmem:s25+$0xC780] =	vst.msk vm0, v6  }
0x2b6: {  	v1, _, _ =	vpop (xrf2);
	[tilespmem:s25+$0xC900] =	vst.msk vm0, v2  }
0x2b7: {  	s29 =	simm.s32 $0xC910;
	[tilespmem:s25+$0xC901] =	vst.msk vm0, v1  }
0x2b8: {  	s15 =	simm.s32 $0xC790;
	v2 =	vld [tilespmem:s29+$0x0]  }
0x2b9: {  	v3 =	vld [tilespmem:s15+$0x0]  }
0x2ba: {  	v1 =	vld [tilespmem:s15+$0xFFFFFFF0]  }
0x2bb: {  	v4 =	vld [tilespmem:s29+$0xFFFFFFF0];
	_ =	sdelay $0x2  }
0x2bc: {  	v2 =	vmul.f32 v2, v3;
	_ =	sdelay $0x1  }
0x2bd: {  	s4 =	simm.s32 $0xC7B0;
	v1 =	vmul.f32 v4, v1;
	v2 =	vadd.f32 $9.999999710e-10, v2  }
0x2be: {  	s6 =	simm.s32 $0xC930;
	v7 =	vld [tilespmem:s4+$0x0]  }
0x2bf: {  	v1 =	vadd.f32 $9.999999710e-10, v1;
	v4 =	vshra.s32 v2, $0x1;
	v6 =	vmul.f32 $5.000000000e-01, v2;
	v2 =	vld [tilespmem:s6+$0x0]  }
0x2c0: {  	v9 =	vld [tilespmem:s6+$0xFFFFFFF0];
	v4 =	vsub.s32 $0x5F3759DF, v4  }
0x2c1: {  	v3 =	vld [tilespmem:s4+$0xFFFFFFF0];
	v5 =	vshra.s32 v1, $0x1;
	v1 =	vmul.f32 $5.000000000e-01, v1;
	v8 =	vmul.f32 v4, v6  }
0x2c2: {  	v5 =	vsub.s32 $0x5F3759DF, v5  }
0x2c3: {  	v10 =	vmul.f32 v5, v1;
	v8 =	vmul.f32 v4, v8  }
0x2c4: {  	v2 =	vmul.f32 v2, v7  }
0x2c5: {  	v10 =	vmul.f32 v5, v10;
	v8 =	vsub.f32 $1.500000000e+00, v8  }
0x2c6: {  	s31 =	simm.s32 $0xC950;
	v3 =	vmul.f32 v9, v3;
	v2 =	vadd.f32 $9.999999710e-10, v2  }
0x2c7: {  	v11 =	vld [tilespmem:s31+$0x0];
	v7 =	vsub.f32 $1.500000000e+00, v10;
	v4 =	vmul.f32 v4, v8  }
0x2c8: {  	s30 =	simm.s32 $0xC7D0;
	v14 =	vld [tilespmem:s31+$0xFFFFFFF0];
	v3 =	vadd.f32 $9.999999710e-10, v3;
	v9 =	vshra.s32 v2, $0x1;
	v2 =	vmul.f32 $5.000000000e-01, v2  }
0x2c9: {  	v8 =	vmul.f32 v5, v7;
	v7 =	vld [tilespmem:s30+$0xFFFFFFF0];
	v10 =	vmul.f32 v4, v6;
	v9 =	vsub.s32 $0x5F3759DF, v9  }
0x2ca: {  	v13 =	vld [tilespmem:s30+$0x0];
	v12 =	vshra.s32 v3, $0x1;
	v5 =	vmul.f32 $5.000000000e-01, v3;
	v3 =	vmul.f32 v9, v2  }
0x2cb: {  	v12 =	vsub.s32 $0x5F3759DF, v12;
	v15 =	vmul.f32 v8, v1;
	v10 =	vmul.f32 v10, v4  }
0x2cc: {  	v16 =	vmul.f32 v12, v5;
	v3 =	vmul.f32 v9, v3  }
0x2cd: {  	v15 =	vmul.f32 v15, v8;
	v10 =	vsub.f32 $1.500000000e+00, v10  }
0x2ce: {  	v16 =	vmul.f32 v12, v16;
	v7 =	vmul.f32 v14, v7;
	v17 =	vsub.f32 $1.500000000e+00, v3  }
0x2cf: {  	v3 =	vmul.f32 v10, v4;
	v4 =	vmul.f32 v11, v13  }
0x2d0: {  	v11 =	vsub.f32 $1.500000000e+00, v15;
	v13 =	vsub.f32 $1.500000000e+00, v16;
	v10 =	vmul.f32 v9, v17  }
0x2d1: {  	v9 =	vadd.f32 $9.999999710e-10, v7;
	v14 =	vmul.f32 v3, v6;
	v4 =	vadd.f32 $9.999999710e-10, v4  }
0x2d2: {  	s1 =	sadd.s32 $0xB600, s23;
	s0 =	simm.s32 $0x10;
	s23 =	simm.s32 $0xC610;
	v7 =	vmul.f32 v12, v13;
	v6 =	vmul.f32 v11, v8  }
0x2d3: {  	s26 =	simm.s32 $0xC7F0;
	s28 =	simm.s32 $0xC970;
	s24 =	simm.s32 $0x0;
	v13 =	vshra.s32 v9, $0x1;
	v12 =	vmul.f32 $5.000000000e-01, v9;
	v9 =	vld [tilespmem:s23+$0x0];
	v8 =	vmul.f32 $5.000000000e-01, v4  }
0x2d4: {  	s9 =	simm.s32 $0x10;
	s25 =	sand.u32 $0x80, s24;
	s15 =	simm.s32 $0x4;
	v15 =	vshra.s32 v4, $0x1;
	v4 =	vld [tilespmem:s23+$0xFFFFFFF0];
	v11 =	vmul.f32 v14, v3;
	v14 =	vmul.f32 v10, v2  }
.LBB2_13:
0x2d5: {  	v16 =	vld [tilespmem:s26+$0xFFFFFFF0];
	s15 =	sadd.s32 $0x2, s15;
	v15 =	vsub.s32 $0x5F3759DF, v15;
	v17 =	vmul.f32 v7, v5;
	v18 =	vmul.f32 v6, v1;
	s0 =	sadd.s32 $0x20, s0;
	s23 =	sadd.s32 $0x20, s23;
	v1 =	vmovc v5  }
0x2d6: {  	v19 =	vld [tilespmem:s28+$0x0];
	p0 =	slt.u32 s15, $0xE;
	v20 =	vmul.f32 v15, v8;
	s4 =	sadd.s32 $0xFFFFFFF0, s0;
	v14 =	vmul.f32 v14, v10;
	v5 =	vmov v12  }
0x2d7: {  	v11 =	vsub.f32 $1.500000000e+00, v11;
	v12 =	vld [tilespmem:s26+$0x0];
	v17 =	vmul.f32 v17, v7;
	s6 =	sand.u32 $0x80, s4;
	v18 =	vmul.f32 v18, v6  }
0x2d8: {  	v13 =	vsub.s32 $0x5F3759DF, v13;
	v21 =	vld [tilespmem:s28+$0xFFFFFFF0];
	v20 =	vmul.f32 v15, v20;
	v14 =	vsub.f32 $1.500000000e+00, v14  }
0x2d9: {  	s29 =	sand.u32 $0x60, s24;
	s30 =	sadd.s32 s25, s1;
	v22 =	vmul.f32 v13, v5;
	v11 =	vmul.f32 v11, v3;
	s24 =	smov.u32 s4;
	v18 =	vsub.f32 $1.500000000e+00, v18  }
0x2da: {  	s4 =	sadd.s32 s29, s30;
	s25 =	smov.u32 s6;
	v17 =	vsub.f32 $1.500000000e+00, v17;
	v20 =	vsub.f32 $1.500000000e+00, v20;
	v3 =	vmul.f32 v14, v10  }
0x2db: {  	v10 =	vmul.f32 v13, v22;
	v6 =	vmul.f32 v18, v6  }
0x2dc: {  	s6 =	sand.u32 $0x70, s9;
	s9 =	smov.u32 s0;
	v9 =	vmul.f32 v11, v9;
	v12 =	vmul.f32 v19, v12  }
.Ltmp5:
0x2dd: {  	s6 =	sadd.s32 s6, s30;
	v14 =	vsub.f32 $1.500000000e+00, v10;
	v11 =	vmul.f32 v21, v16;
	v16 =	vmul.f32 v3, v2;
	v2 =	vmovc v8;
	(pc) =	sbr.rel @p0 .LBB2_13-.Ltmp5, $4  }
0x2de: {  	v10 =	vmul.f32 v15, v20;
	v8 =	vadd.f32 $9.999999710e-10, v12;
	v12 =	vmul.f32 v6, v4;
	[tilespmem:s6+$0x0] =	vst v9  }
0x2df: {  	v6 =	vmul.f32 v17, v7;
	v7 =	vmul.f32 v13, v14;
	v9 =	vadd.f32 $9.999999710e-10, v11  }
0x2e0: {  	v11 =	vmul.f32 v16, v3;
	v15 =	vshra.s32 v8, $0x1;
	v8 =	vmul.f32 $5.000000000e-01, v8;
	v4 =	vld [tilespmem:s23+$0xFFFFFFF0];
	[tilespmem:s4+$0x0] =	vst v12  }
0x2e1: {  	s26 =	sadd.s32 $0x20, s26;
	s28 =	sadd.s32 $0x20, s28;
	v14 =	vmul.f32 v10, v2;
	v13 =	vshra.s32 v9, $0x1;
	v12 =	vmul.f32 $5.000000000e-01, v9;
	v9 =	vld [tilespmem:s23+$0x0]  }
0x2e2: {  	v15 =	vsub.s32 $0x5F3759DF, v15  }
0x2e3: {  	v13 =	vsub.s32 $0x5F3759DF, v13;
	v16 =	vmul.f32 v15, v8  }
0x2e4: {  	v17 =	vmul.f32 v13, v12  }
0x2e5: {  	v16 =	vmul.f32 v15, v16  }
0x2e6: {  	v17 =	vmul.f32 v13, v17  }
0x2e7: {  	v16 =	vsub.f32 $1.500000000e+00, v16  }
0x2e8: {  	v17 =	vsub.f32 $1.500000000e+00, v17  }
0x2e9: {  	v15 =	vmul.f32 v15, v16  }
0x2ea: {  	v16 =	vmul.f32 v7, v5;
	v13 =	vmul.f32 v13, v17  }
0x2eb: {  	v14 =	vmul.f32 v14, v10;
	v17 =	vmul.f32 v15, v8  }
0x2ec: {  	v16 =	vmul.f32 v16, v7;
	v18 =	vmul.f32 v13, v12  }
0x2ed: {  	v14 =	vsub.f32 $1.500000000e+00, v14;
	v17 =	vmul.f32 v17, v15  }
0x2ee: {  	v1 =	vmul.f32 v6, v1;
	v16 =	vsub.f32 $1.500000000e+00, v16;
	v18 =	vmul.f32 v18, v13  }
0x2ef: {  	v10 =	vmul.f32 v14, v10;
	v14 =	vsub.f32 $1.500000000e+00, v17  }
0x2f0: {  	v1 =	vmul.f32 v1, v6;
	v7 =	vmul.f32 v16, v7;
	v16 =	vsub.f32 $1.500000000e+00, v18  }
0x2f1: {  	v2 =	vmul.f32 v10, v2;
	v14 =	vmul.f32 v14, v15  }
0x2f2: {  	v5 =	vmul.f32 v7, v5;
	v13 =	vmul.f32 v16, v13  }
0x2f3: {  	s4 =	sadd.s32 $0x20, s23;
	v11 =	vsub.f32 $1.500000000e+00, v11;
	v2 =	vmul.f32 v2, v10;
	v8 =	vmul.f32 v14, v8  }
0x2f4: {  	s0 =	sadd.s32 $0x20, s0;
	v1 =	vsub.f32 $1.500000000e+00, v1;
	v15 =	vld [tilespmem:s4+$0x0];
	v5 =	vmul.f32 v5, v7;
	v12 =	vmul.f32 v13, v12  }
0x2f5: {  	s24 =	sand.u32 $0x60, s24;
	s26 =	sadd.s32 s25, s1;
	v3 =	vmul.f32 v11, v3;
	v11 =	vld [tilespmem:s4+$0xFFFFFFF0];
	v2 =	vsub.f32 $1.500000000e+00, v2;
	s4 =	sadd.s32 $0x20, s4;
	v8 =	vmul.f32 v8, v14  }
0x2f6: {  	s9 =	sand.u32 $0x70, s9;
	s21 =	sadd.s32 $0x1, s21;
	s6 =	sadd.s32 $0xFFFFFFF0, s0;
	v1 =	vmul.f32 v1, v6;
	v6 =	vld [tilespmem:s4+$0x0];
	v5 =	vsub.f32 $1.500000000e+00, v5;
	v12 =	vmul.f32 v12, v13  }
0x2f7: {  	s25 =	sadd.s32 $0x20, s0;
	s23 =	sadd.s32 s24, s26;
	s15 =	sand.u32 $0x80, s6;
	v3 =	vmul.f32 v3, v9;
	v2 =	vmul.f32 v2, v10;
	v9 =	vld [tilespmem:s4+$0xFFFFFFF0];
	v8 =	vsub.f32 $1.500000000e+00, v8  }
0x2f8: {  	s9 =	sadd.s32 s9, s26;
	s6 =	sand.u32 $0x60, s6;
	s15 =	sadd.s32 s15, s1;
	v1 =	vmul.f32 v1, v4;
	v4 =	vmul.f32 v5, v7;
	v5 =	vsub.f32 $1.500000000e+00, v12  }
0x2f9: {  	s0 =	sand.u32 $0x70, s0;
	s6 =	sadd.s32 s6, s15;
	[tilespmem:s9+$0x0] =	vst v3;
	s4 =	sadd.s32 $0xFFFFFFF0, s25;
	v2 =	vmul.f32 v2, v15;
	v3 =	vmul.f32 v8, v14  }
0x2fa: {  	s0 =	sadd.s32 s0, s15;
	[tilespmem:s23+$0x0] =	vst v1;
	s23 =	smin.u32 s21, $0x3;
	s31 =	sand.u32 $0x80, s4;
	v1 =	vmul.f32 v4, v11;
	v4 =	vmul.f32 v5, v13  }
0x2fb: {  	s9 =	sor.u32 s5, s23;
	s26 =	sadd.s32 s31, s1;
	s31 =	sand.u32 $0x70, s25;
	[tilespmem:s0+$0x0] =	vst v2;
	v2 =	vmul.f32 v3, v6  }
0x2fc: {  	s9 =	smul.u32 $0x2710, s9;
	s4 =	sand.u32 $0x60, s4;
	s1 =	sadd.s32 s31, s26;
	[tilespmem:s6+$0x0] =	vst v1;
	v1 =	vmul.f32 v4, v9  }
0x2fd: {  	s0 =	sadd.s32 s4, s26;
	[tilespmem:s1+$0x0] =	vst v2  }
0x2fe: {  	s23 =	simm.s32 $0x0;
	s15 =	sadd.s32 s2, s9;
	[tilespmem:s0+$0x0] =	vst v1;
	v1 =	vmov s20  }
0x2ff: {  	[tilespmem:s11], [sflag:$0x1] =	stream.linear.gather [hbm4b:s15+s23], $0x5000, $0x38;
	[tilespmem:$0xCA80] =	vst v63  }
0x300: {  	_ =	swait.ge [sflag:s14], $0x4A00  }
0x301: {  	s24 =	sadd.s32 $0xA900, s22;
	[sflag:s14] =	ssyncset.done $0x0  }
0x302: {  	[dreg:$0x6] =	wrdreg s24;
	s24 =	simm.s32 $0x0;
	[sflag:s14] =	ssyncadd.s32 $0xFFFFB600  }
0x303: {  	s26 =	simm.s32 $0x0;
	s0 =	simm.s32 $0x55B0;
	v2 =	vld.idx.msk [tilespmem:v1+s24+$0x0 ss:$0x1], $0xffff  }
0x304: {  	s31 =	sand.u32 $0x80, s26;
	s25 =	rddreg [dreg:$0x6];
	v7 =	vld [tilespmem:s0+$0xFFFFFF50]  }
0x305: {  	s6 =	sand.u32 $0x7C, s26;
	s4 =	sadd.s32 s31, s25;
	v9 =	vld [tilespmem:s0+$0xFFFFFF40]  }
0x306: {  	s6 =	sadd.s32 s6, s4;
	v10 =	vld [tilespmem:s0+$0xFFFFFF30]  }
0x307: {  	v3 =	vld [tilespmem:s6+$0x0]  }
0x308: {  	v13 =	vld [tilespmem:s0+$0xFFFFFFD0];
	(v2sf) =	vpush v2, $0x0  }
0x309: {  	s15 =	simm.s32 $0x1;
	v8 =	vld [tilespmem:s0+$0xFFFFFFA0]  }
0x30a: {  	s9 =	sand.u32 $0x7D, s15;
	v14 =	vld [tilespmem:s0+$0xFFFFFF90]  }
0x30b: {  	s26 =	sadd.s32 s9, s4;
	v15 =	vld [tilespmem:s0+$0xFFFFFF80]  }
0x30c: {  	v4 =	vld [tilespmem:s26+$0x0];
	(v2sf) =	vpush v3, $0x0  }
0x30d: {  	s25 =	simm.s32 $0x2;
	v6 =	vld [tilespmem:s0+$0xFFFFFFF0]  }
0x30e: {  	s31 =	sand.u32 $0x7E, s25;
	v16 =	vld [tilespmem:s0+$0xFFFFFFE0]  }
0x30f: {  	s15 =	simm.s32 $0x1D0;
	s9 =	simm.s32 $0x50;
	v18 =	vld [tilespmem:s0+$0xFFFFFF00];
	s4 =	sadd.s32 s31, s4  }
0x310: {  	s6 =	sand.u32 $0xFF80, s15;
	v5 =	vld [tilespmem:s4+$0x0];
	s4 =	sand.u32 $0x50, s9  }
0x311: {  	s25 =	simm.s32 $0x0;
	v19 =	vld [tilespmem:s0+$0xFFFFFEF0];
	s26 =	simm.s32 $0x180;
	s4 =	sor.u32 s4, s6;
	(v2sf) =	vpush v4, $0x0  }
0x312: {  	s31 =	sand.u32 $0xFF80, s26;
	s9 =	sand.u32 $0x40, s25;
	v11 =	vld [tilespmem:s4+$0x5300]  }
0x313: {  	v62 =	vld [tilespmem:s0+$0xFFFFFF60];
	s15 =	sor.u32 s9, s31  }
0x314: {  	s1 =	simm.s32 $0x270;
	s25 =	simm.s32 $0xF0;
	v12 =	vld [tilespmem:s15+$0x5300]  }
0x315: {  	s1 =	sand.u32 $0xFF80, s1;
	s4 =	sand.u32 $0x70, s25;
	v2 =	vld [tilespmem:s0+$0xFFFFFFB0];
	(v2sf) =	vpush v5, $0x0  }
0x316: {  	s1 =	sor.u32 s4, s1;
	v23 =	vmul.f32 v9, v9;
	v26 =	vmul.f32 v10, v10;
	v3 =	vld [tilespmem:s0+$0xFFFFFF10]  }
0x317: {  	s31 =	simm.s32 $0xA0;
	s15 =	simm.s32 $0x220;
	v31 =	vmul.f32 v7, v7;
	v17 =	vld [tilespmem:s1+$0x5300];
	v25 =	vmul.f32 v11, v11;
	s26 =	spop (v2sf)  }
0x318: {  	s6 =	sand.u32 $0x60, s31;
	v4 =	vld [tilespmem:s0+$0x0];
	s25 =	sshll.u32 s26, $0x2;
	s26 =	sand.u32 $0xFF80, s15  }
0x319: {  	v23 =	vadd.f32 v31, v23;
	v5 =	vld [tilespmem:s0+$0xFFFFFEE0];
	v25 =	vadd.f32 v26, v25;
	s1 =	ssub.s32 $0x0, s25;
	s4 =	sor.u32 s6, s26  }
0x31a: {  	s25 =	simm.s32 $0x4;
	s1 =	sshra.s32 s1, $0x2;
	v20 =	vld [tilespmem:s4+$0x5300]  }
0x31b: {  	v23 =	vadd.f32 v23, v25;
	s31 =	spop (v2sf);
	v25 =	vld.idx.msk [tilespmem:v1+s25+$0x0 ss:$0x1], $0xffff;
	s1 =	sadd.s32 $0x55B0, s1  }
0x31c: {  	s6 =	sshll.u32 s31, $0x2;
	v21 =	vld [tilespmem:s1+$0xFFFFFFC0]  }
0x31d: {  	s6 =	ssub.s32 $0x0, s6;
	v22 =	vld [tilespmem:s1+$0xFFFFFFD0]  }
0x31e: {  	s6 =	sshra.s32 s6, $0x2;
	v24 =	vld [tilespmem:s1+$0xFFFFFFE0]  }
0x31f: {  	v29 =	vmul.f32 v14, v14;
	v32 =	vmul.f32 v15, v15;
	s15 =	sadd.s32 $0x55B0, s6;
	v61 =	vld [tilespmem:s1+$0x0]  }
0x320: {  	v35 =	vmul.f32 v13, v13;
	v37 =	vmul.f32 v16, v16;
	s9 =	spop (v2sf);
	v27 =	vld [tilespmem:s15+$0xFFFFFED0]  }
0x321: {  	v43 =	vmul.f32 v8, v8;
	v44 =	vmul.f32 v18, v18;
	s4 =	sshll.u32 s9, $0x2;
	v46 =	vld [tilespmem:s15+$0xFFFFFEE0]  }
0x322: {  	v38 =	vmul.f32 v17, v17;
	v26 =	vmul.f32 v6, v6;
	s4 =	ssub.s32 $0x0, s4;
	v55 =	vld [tilespmem:s15+$0xFFFFFEF0]  }
0x323: {  	v52 =	vmul.f32 v19, v19;
	v40 =	vmul.f32 v12, v12;
	s4 =	sshra.s32 s4, $0x2;
	v56 =	vld [tilespmem:s15+$0xFFFFFF00]  }
0x324: {  	v42 =	vmul.f32 v2, v2;
	v35 =	vadd.f32 v35, v38;
	v26 =	vadd.f32 v26, v37;
	s26 =	spop (v2sf);
	s4 =	sadd.s32 $0x55B0, s4;
	v60 =	vld [tilespmem:s15+$0xFFFFFF10]  }
0x325: {  	v29 =	vadd.f32 v43, v29;
	v34 =	vmul.f32 v3, v3;
	v28 =	vmul.f32 v5, v5;
	s6 =	sshll.u32 s26, $0x2;
	v30 =	vld [tilespmem:s4+$0xFFFFFF20]  }
0x326: {  	v54 =	vmul.f32 v4, v4;
	v26 =	vadd.f32 v26, v35;
	s6 =	ssub.s32 $0x0, s6;
	v33 =	vld [tilespmem:s4+$0xFFFFFF30];
	v45 =	vmul.f32 v20, v20  }
0x327: {  	v28 =	vadd.f32 v28, v40;
	s6 =	sshra.s32 s6, $0x2;
	v36 =	vld [tilespmem:s4+$0xFFFFFF40];
	v13 =	vmul.f32 v22, v13;
	v22 =	vmul.f32 v22, v22  }
0x328: {  	v26 =	vadd.f32 v26, v54;
	v39 =	vld [tilespmem:s4+$0xFFFFFF50];
	s6 =	sadd.s32 $0x55B0, s6;
	v17 =	vmul.f32 v21, v17;
	v47 =	vmul.f32 v24, v16  }
0x329: {  	(v2sf) =	vpush v25, $0x0;
	v41 =	vld [tilespmem:s6+$0xFFFFFF70];
	v21 =	vmul.f32 v21, v21;
	v24 =	vmul.f32 v24, v24  }
0x32a: {  	(xrf2) =	vadd.scan.msk.f32 $0xffff, v26;
	v50 =	vld [tilespmem:s6+$0xFFFFFF80];
	v32 =	vadd.f32 v32, v45;
	v26 =	vmul.f32 v61, v61;
	v57 =	vmul.f32 v27, v12  }
0x32b: {  	v51 =	vld [tilespmem:s6+$0xFFFFFF90];
	v16 =	vadd.f32 v44, v52;
	v19 =	vmul.f32 v55, v19;
	v5 =	vmul.f32 v46, v5  }
0x32c: {  	s26 =	simm.s32 $0x4;
	v53 =	vld [tilespmem:s6+$0xFFFFFFA0];
	v12 =	vadd.f32 v29, v32;
	v11 =	vmul.f32 v30, v11;
	v30 =	vmul.f32 v30, v30  }
0x32d: {  	s28 =	simm.s32 $0x56F0;
	s31 =	sand.u32 $0x80, s26;
	v16 =	vadd.f32 v16, v28;
	v28 =	vld [tilespmem:s4+$0xFFFFFF60];
	v10 =	vmul.f32 v33, v10;
	s4 =	rddreg [dreg:$0x6];
	v9 =	vmul.f32 v36, v9  }
0x32e: {  	s15 =	sand.u32 $0x7C, s26;
	v58 =	vld [tilespmem:s6+$0xFFFFFFB0];
	v21 =	vadd.f32 v22, v21;
	v22 =	vmul.f32 v39, v39;
	v7 =	vmul.f32 v39, v7;
	s4 =	sadd.s32 s31, s4;
	s31 =	simm.s32 $0x5  }
0x32f: {  	v35 =	vld [tilespmem:s28+$0xFFFFFFD0];
	v63 =	vadd.f32 v13, v17;
	v31 =	vadd.f32 v12, v42;
	v12 =	vmul.f32 v33, v33;
	s15 =	sadd.s32 s15, s4;
	s6 =	sand.u32 $0x7D, s31  }
0x330: {  	v59 =	vadd.f32 v16, v34;
	v16 =	vmul.f32 v36, v36;
	v20 =	vmul.f32 v41, v20;
	v13 =	vld [tilespmem:s15+$0x0];
	s15 =	sadd.s32 s6, s4  }
0x331: {  	v10 =	vadd.f32 v10, v11;
	v11 =	vmul.f32 v50, v50;
	v14 =	vmul.f32 v51, v14;
	v48 =	vld [tilespmem:s15+$0x0]  }
0x332: {  	v29 =	vld [tilespmem:s1+$0xFFFFFFF0];
	v8 =	vmul.f32 v53, v8;
	v41 =	vmul.f32 v41, v41;
	v7 =	vadd.f32 v7, v9  }
0x333: {  	s31 =	simm.s32 $0x6;
	v9 =	vmul.f32 v56, v18;
	v25 =	vmul.f32 v58, v2;
	v2 =	vld [tilespmem:s28+$0xFFFFFF10];
	v17 =	vadd.f32 v22, v16  }
0x334: {  	s31 =	sand.u32 $0x7E, s31;
	v16 =	vmul.f32 v50, v15;
	v30 =	vadd.f32 v12, v30;
	v15 =	vld [tilespmem:s28+$0xFFFFFF50];
	v8 =	vadd.f32 v8, v14  }
0x335: {  	v22 =	vmul.f32 v53, v53;
	s1 =	sadd.s32 s31, s4;
	v10 =	vadd.f32 v7, v10;
	v12 =	vld [tilespmem:s28+$0xFFFFFF30];
	(v2sf) =	vpush v13, $0x0  }
0x336: {  	v7 =	vadd.f32 v9, v19;
	v9 =	vmul.f32 v27, v27;
	v49 =	vld [tilespmem:s1+$0x0];
	(v2sf) =	vpush v48, $0x0  }
0x337: {  	s9 =	simm.s32 $0x140;
	s6 =	simm.s32 $0x310;
	v19 =	vadd.f32 v5, v57;
	v5 =	vmul.f32 v46, v46;
	v18 =	vadd.f32 v16, v20;
	v16 =	vld [tilespmem:s28+$0xFFFFFF40]  }
0x338: {  	s4 =	simm.s32 $0x190;
	s15 =	simm.s32 $0x2C0;
	v11 =	vadd.f32 v11, v41;
	s1 =	sand.u32 $0xFF80, s6;
	v14 =	vadd.f32 v17, v30;
	v30 =	vmul.f32 v60, v3;
	v3 =	vld [tilespmem:s28+$0xFFFFFFB0]  }
0x339: {  	v27 =	vmul.f32 v56, v56;
	s0 =	sand.u32 $0x50, s4;
	v6 =	vmul.f32 v29, v6;
	s31 =	sand.u32 $0xFF80, s15;
	s4 =	sand.u32 $0x40, s9;
	v9 =	vadd.f32 v5, v9;
	v5 =	vld [tilespmem:s28+$0xFFFFFEE0]  }
0x33a: {  	v29 =	vmul.f32 v29, v29;
	v50 =	vmul.f32 v28, v62;
	s0 =	sor.u32 s0, s1;
	s1 =	sor.u32 s4, s31;
	v19 =	vadd.f32 v7, v19;
	v7 =	vld [tilespmem:s28+$0xFFFFFFA0]  }
0x33b: {  	(xrf2) =	vadd.scan.msk.f32 $0xffff, v59;
	v20 =	vmul.f32 v51, v51;
	v17 =	vld [tilespmem:s1+$0x5300];
	v6 =	vadd.f32 v6, v47;
	(v2sf) =	vpush v49, $0x0  }
0x33c: {  	(xrf2) =	vadd.scan.msk.f32 $0xffff, v31;
	v31 =	vadd.f32 v10, v50;
	v10 =	vld [tilespmem:s28+$0xFFFFFF00];
	v51 =	vadd.f32 v8, v18;
	v8 =	vmul.f32 v55, v55  }
0x33d: {  	v28 =	vmul.f32 v28, v28;
	v24 =	vadd.f32 v29, v24;
	v13 =	vld [tilespmem:s0+$0x5300];
	v20 =	vadd.f32 v22, v20  }
0x33e: {  	s29 =	simm.s32 $0x3B0;
	s4 =	simm.s32 $0x230;
	v22 =	vmul.f32 v61, v4;
	v4 =	vld [tilespmem:s28+$0x0];
	v52 =	vadd.f32 v27, v8;
	v8 =	vmul.f32 v62, v62  }
0x33f: {  	v34 =	vmul.f32 v60, v60;
	s6 =	sand.u32 $0xFF80, s29;
	s0 =	sand.u32 $0x70, s4;
	v6 =	vadd.f32 v6, v63;
	v11 =	vadd.f32 v20, v11;
	v20 =	vld [tilespmem:s28+$0xFFFFFF90]  }
0x340: {  	v38 =	vmul.f32 v2, v2;
	v18 =	vadd.f32 v14, v28;
	s0 =	sor.u32 s0, s6;
	v27 =	vld [tilespmem:s28+$0xFFFFFF80];
	v23 =	vadd.f32 v23, v8  }
0x341: {  	v14 =	vmul.f32 v58, v58;
	v39 =	vadd.f32 v19, v30;
	v32 =	vld [tilespmem:s0+$0x5300];
	v6 =	vadd.f32 v6, v22;
	s9 =	spop (v2sf)  }
0x342: {  	s15 =	simm.s32 $0x1E0;
	s31 =	simm.s32 $0x360;
	v25 =	vadd.f32 v51, v25;
	v28 =	vmul.f32 v16, v16;
	v22 =	vld [tilespmem:s28+$0xFFFFFFE0];
	v53 =	vmul.f32 v5, v5;
	s1 =	sshll.u32 s9, $0x2;
	(xrf2) =	vadd.scan.msk.f32 $0xffff, v23  }
0x343: {  	s4 =	sand.u32 $0x60, s15;
	s6 =	sand.u32 $0xFF80, s31;
	v30 =	vmul.f32 v3, v3;
	v59 =	vmul.f32 v7, v7;
	v8 =	vld [tilespmem:s28+$0xFFFFFFF0];
	v9 =	vadd.f32 v52, v9;
	s0 =	ssub.s32 $0x0, s1;
	(xrf2) =	vadd.scan.msk.f32 $0xffff, v6  }
0x344: {  	v14 =	vadd.f32 v11, v14;
	v11 =	vld [tilespmem:s28+$0xFFFFFEF0];
	v42 =	vmul.f32 v10, v10;
	s1 =	sor.u32 s4, s6;
	s0 =	sshra.s32 s0, $0x2;
	v6 =	vadd.f32 v24, v21;
	s9 =	spop (v2sf)  }
0x345: {  	v29 =	vmul.f32 v13, v13;
	v56 =	vmul.f32 v4, v4;
	v40 =	vld [tilespmem:s1+$0x5300];
	v19 =	vadd.f32 v9, v34;
	s1 =	sadd.s32 $0x56F0, s0;
	(xrf2) =	vadd.scan.msk.f32 $0xffff, v25;
	s4 =	sshll.u32 s9, $0x2;
	s15 =	spop (v2sf)  }
0x346: {  	v9 =	vmul.f32 v35, v35;
	v34 =	vld [tilespmem:s1+$0xFFFFFFC0];
	v26 =	vadd.f32 v6, v26;
	v6 =	vmul.f32 v32, v32;
	s4 =	ssub.s32 $0x0, s4;
	s0 =	sshll.u32 s15, $0x2  }
0x347: {  	v23 =	vmul.f32 v12, v12;
	v54 =	vmul.f32 v20, v20;
	v55 =	vld [tilespmem:s1+$0xFFFFFFD0];
	s4 =	sshra.s32 s4, $0x2;
	s31 =	ssub.s32 $0x0, s0  }
0x348: {  	v25 =	vmul.f32 v22, v22;
	v43 =	vld [tilespmem:s1+$0xFFFFFFE0];
	v57 =	vmul.f32 v8, v8;
	v9 =	vadd.f32 v9, v6;
	s0 =	sadd.s32 $0x56F0, s4;
	s6 =	sshra.s32 s31, $0x2  }
0x349: {  	v58, _, _ =	vpop (xrf2);
	v21 =	vmul.f32 v15, v15;
	v24 =	vmul.f32 v27, v27;
	(xrf2) =	vadd.scan.msk.f32 $0xffff, v14;
	v14 =	vld [tilespmem:s0+$0xFFFFFED0];
	s15 =	sadd.s32 $0x56F0, s6  }
0x34a: {  	v23 =	vadd.f32 v23, v29;
	v25 =	vadd.f32 v57, v25;
	v6, _, _ =	vpop (xrf2);
	(xrf2) =	vadd.scan.msk.f32 $0xffff, v26;
	v26 =	vmul.f32 v40, v40;
	s9 =	spop (v2sf);
	v61 =	vld [tilespmem:s15+$0xFFFFFF20]  }
0x34b: {  	v29 =	vmul.f32 v17, v17;
	v60 =	vmul.f32 v11, v11;
	v36 =	vadd.f32 v59, v54;
	v62, _, _ =	vpop (xrf2);
	s31 =	sshll.u32 s9, $0x2;
	v63 =	vld [tilespmem:s15+$0xFFFFFF30]  }
0x34c: {  	v25 =	vadd.f32 v25, v9;
	v50 =	vmul.f32 v55, v35;
	v49 =	vadd.f32 v24, v26;
	v9, _, _ =	vpop (xrf2);
	s4 =	ssub.s32 $0x0, s31;
	v48 =	vld [tilespmem:s15+$0xFFFFFF40]  }
0x34d: {  	v29 =	vadd.f32 v53, v29;
	v57 =	vmul.f32 v55, v55;
	v52 =	vmul.f32 v34, v32;
	(xrf2) =	vadd.scan.msk.f32 $0xffff, v19;
	v24, _, _ =	vpop (xrf2);
	s4 =	sshra.s32 s4, $0x2  }
0x34e: {  	v26 =	vadd.f32 v25, v56;
	v19 =	vmul.f32 v43, v22;
	v22 =	vadd.f32 v36, v49;
	[tilespmem:s24+$0xC603] =	vst.msk vm0, v24;
	v51 =	vld [tilespmem:s15+$0xFFFFFF50];
	s9 =	sadd.s32 $0x56F0, s4  }
0x34f: {  	[tilespmem:s24+$0xC783] =	vst.msk vm0, v58;
	v58, _, _ =	vpop (xrf2);
	v33 =	vld [tilespmem:s9+$0xFFFFFF70];
	v24 =	vmul.f32 v14, v17;
	v17 =	vadd.f32 v42, v60;
	v59 =	vmul.f32 v61, v13  }
0x350: {  	[tilespmem:s24+$0xC602] =	vst.msk vm0, v58;
	v60 =	vld [tilespmem:s9+$0xFFFFFF80];
	v13 =	vadd.f32 v21, v28;
	v25 =	vmul.f32 v61, v61;
	v61 =	vmul.f32 v63, v12  }
0x351: {  	[tilespmem:s24+$0xC782] =	vst.msk vm0, v62;
	v37 =	vld [tilespmem:s9+$0xFFFFFFA0];
	v12 =	vadd.f32 v22, v30;
	v36 =	vmul.f32 v48, v16;
	v62 =	vmul.f32 v48, v48  }
0x352: {  	(xrf2) =	vadd.scan.msk.f32 $0xffff, v31;
	v28 =	vld [tilespmem:s9+$0xFFFFFF90];
	v17 =	vadd.f32 v17, v29;
	v13 =	vadd.f32 v13, v23;
	v23 =	vmul.f32 v34, v34  }
0x353: {  	v31 =	vld [tilespmem:s1+$0xFFFFFFF0];
	v29 =	vmul.f32 v63, v63;
	v63 =	vmul.f32 v51, v51;
	v34 =	vadd.f32 v61, v59  }
0x354: {  	v32 =	vld [tilespmem:s0+$0xFFFFFF00];
	v21 =	vadd.f32 v17, v38;
	v17 =	vmul.f32 v43, v43;
	v38 =	vmul.f32 v33, v40  }
0x355: {  	(xrf2) =	vadd.scan.msk.f32 $0xffff, v39;
	v22, _, _ =	vpop (xrf2);
	v30 =	vld [tilespmem:s0+$0xFFFFFEE0];
	v40 =	vmul.f32 v51, v15;
	v15 =	vadd.f32 v63, v62;
	v35 =	vmul.f32 v60, v60  }
0x356: {  	[tilespmem:s24+$0xC902] =	vst.msk vm0, v22;
	v22 =	vld [tilespmem:s0+$0xFFFFFEF0];
	v16 =	vadd.f32 v57, v23;
	v41 =	vmul.f32 v60, v27;
	v27 =	vmul.f32 v37, v37;
	v23, _, _ =	vpop (xrf2)  }
0x357: {  	s30 =	simm.s32 $0x20;
	s23 =	sor.u32 $0x300, s22;
	v39 =	vmul.f32 v28, v20;
	v20 =	vld [tilespmem:s15+$0xFFFFFF60];
	(xrf2) =	vadd.scan.msk.f32 $0xffff, v18;
	[tilespmem:s24+$0xC903] =	vst.msk vm0, v23;
	v23 =	vadd.f32 v50, v52;
	v18, _, _ =	vpop (xrf2)  }
.LBB2_15:
0x358: {  	v25 =	vadd.f32 v29, v25;
	v29 =	vld [tilespmem:s9+$0xFFFFFFB0];
	s6 =	smov.u32 s26;
	s26 =	sadd.s32 $0x4, s26  }
0x359: {  	s4 =	rddreg [dreg:$0x6];
	s15 =	sshra.s32 s30, $0x2;
	(xrf2) =	vadd.scan.msk.f32 $0xffff, v26;
	v26 =	vld [tilespmem:s0+$0xFFFFFF10];
	s31 =	sand.u32 $0x80, s26  }
0x35a: {  	v48 =	vld.idx.msk [tilespmem:v1+s15+$0x0 ss:$0x1], $0xffff;
	s0 =	sand.u32 $0x7C, s26;
	s4 =	sadd.s32 s31, s4  }
0x35b: {  	v50 =	vld [tilespmem:s1+$0x0];
	s31 =	sadd.s32 $0x5, s6;
	s0 =	sadd.s32 s0, s4;
	v11 =	vmul.f32 v22, v11;
	v10 =	vmul.f32 v32, v10  }
0x35c: {  	v7 =	vmul.f32 v37, v7;
	s6 =	sadd.s32 $0x6, s6;
	v51 =	vadd.f32 v15, v25;
	s31 =	sand.u32 $0x7D, s31;
	v49, _, _ =	vpop (xrf2);
	v8 =	vmul.f32 v31, v8;
	v25 =	vld [tilespmem:s0+$0x0]  }
0x35d: {  	v36 =	vadd.f32 v40, v36;
	s9 =	sadd.s32 s31, s4;
	s31 =	sand.u32 $0x7E, s6;
	v10 =	vadd.f32 v10, v11;
	v11 =	vmul.f32 v14, v14;
	v14 =	vld [tilespmem:s28+$0xFFFFFF60];
	[tilespmem:s24+$0xC601] =	vst.msk vm0, v49  }
0x35e: {  	v33 =	vmul.f32 v33, v33;
	v38 =	vadd.f32 v41, v38;
	s4 =	sadd.s32 s31, s4;
	v8 =	vadd.f32 v8, v19;
	v52 =	vld [tilespmem:s9+$0x0]  }
0x35f: {  	v28 =	vmul.f32 v28, v28;
	v7 =	vadd.f32 v7, v39;
	v53 =	vld [tilespmem:s4+$0x0];
	(v2sf) =	vpush v48, $0x0;
	s28 =	sadd.s32 $0x140, s28;
	v15, _, _ =	vpop (xrf2)  }
0x360: {  	v5 =	vmul.f32 v30, v5;
	v30 =	vmul.f32 v30, v30;
	v56 =	vadd.f32 v8, v23;
	v23 =	vld [tilespmem:s28+$0xFFFFFF90];
	[tilespmem:s24+$0xC600] =	vst.msk vm0, v15  }
0x361: {  	v55 =	vmul.f32 v32, v32;
	v54 =	vmul.f32 v26, v2;
	v15 =	vld [tilespmem:s28+$0xFFFFFF50];
	(v2sf) =	vpush v25, $0x0;
	[tilespmem:s24+$0xC780] =	vst.msk vm0, v6  }
0x362: {  	s29 =	sadd.s32 $0x140, s29;
	v6 =	vadd.f32 v27, v28;
	v27 =	vmul.f32 v50, v4;
	v4 =	vmul.f32 v31, v31;
	v31 =	vld [tilespmem:s28+$0xFFFFFFD0];
	[tilespmem:s24+$0xC900] =	vst.msk vm0, v18  }
0x363: {  	s31 =	sadd.s32 $0xFFFFFF10, s29;
	v5 =	vadd.f32 v5, v24;
	s4 =	sadd.s32 $0xFFFFFD90, s29;
	s9 =	sadd.s32 $0xFFFFFF60, s29;
	v2, _, _ =	vpop (xrf2);
	(xrf2) =	vadd.scan.msk.f32 $0xffff, v21;
	v18 =	vld [tilespmem:s28+$0xFFFFFF40];
	[tilespmem:s24+$0xC781] =	vst.msk vm0, v9;
	(v2sf) =	vpush v52, $0x0  }
0x364: {  	v24 =	vmul.f32 v29, v3;
	v3 =	vadd.f32 v35, v33;
	s4 =	sand.u32 $0x40, s4;
	s1 =	sand.u32 $0xFF80, s9;
	v11 =	vadd.f32 v30, v11;
	s9 =	sand.u32 $0xFF80, s31;
	v21 =	vld [tilespmem:s28+$0xFFFFFF30]  }
0x365: {  	s6 =	sadd.s32 $0xFFFFFDE0, s29;
	v30 =	vadd.f32 v7, v38;
	v7 =	vmul.f32 v22, v22;
	s31 =	sor.u32 s4, s9;
	[tilespmem:s24+$0xC901] =	vst.msk vm0, v2;
	v2 =	vld [tilespmem:s28+$0xFFFFFF10];
	(v2sf) =	vpush v53, $0x0  }
0x366: {  	v34 =	vadd.f32 v36, v34;
	s0 =	sand.u32 $0x50, s6;
	v10 =	vadd.f32 v10, v5;
	v9 =	vmul.f32 v20, v20;
	v22 =	vld [tilespmem:s31+$0x5300]  }
0x367: {  	s0 =	sor.u32 s0, s1;
	v7 =	vadd.f32 v55, v7;
	v28 =	vmul.f32 v20, v14;
	v6 =	vadd.f32 v6, v3;
	v3 =	vld [tilespmem:s28+$0xFFFFFFB0]  }
0x368: {  	v19, _, _ =	vpop (xrf2);
	(xrf2) =	vadd.scan.msk.f32 $0xffff, v12;
	v5 =	vmul.f32 v14, v14;
	v25 =	vld [tilespmem:s0+$0x5300];
	v20 =	vadd.f32 v51, v9;
	v9 =	vadd.f32 v4, v17  }
0x369: {  	v26 =	vmul.f32 v26, v26;
	v8 =	vadd.f32 v7, v11;
	v7 =	vld [tilespmem:s28+$0xFFFFFFA0];
	v12 =	vadd.f32 v34, v28  }
0x36a: {  	v29 =	vmul.f32 v29, v29;
	v13 =	vadd.f32 v13, v5;
	v5 =	vld [tilespmem:s28+$0xFFFFFEE0];
	v9 =	vadd.f32 v9, v16  }
0x36b: {  	s1 =	sadd.s32 $0xFFFFFE80, s29;
	v14 =	vmul.f32 v50, v50;
	v4 =	vld [tilespmem:s28+$0x0];
	v16 =	vadd.f32 v10, v54;
	v10 =	vadd.f32 v56, v27  }
0x36c: {  	s4 =	sand.u32 $0xFF80, s29;
	s9 =	sadd.s32 $0xFFFFFFB0, s29;
	s0 =	sand.u32 $0x70, s1;
	v29 =	vadd.f32 v6, v29;
	(xrf2) =	vadd.scan.msk.f32 $0xffff, v13;
	v13 =	vadd.f32 v8, v26;
	v27 =	vld [tilespmem:s28+$0xFFFFFF80];
	v11 =	vmul.f32 v21, v21  }
0x36d: {  	s24 =	smov.u32 s25;
	s0 =	sor.u32 s0, s4;
	s4 =	sadd.s32 $0xFFFFFE30, s29;
	v8 =	vld [tilespmem:s28+$0xFFFFFFF0];
	v14 =	vadd.f32 v9, v14;
	v9 =	vadd.f32 v30, v24;
	v28 =	vmul.f32 v25, v25;
	v6, _, _ =	vpop (xrf2);
	(xrf2) =	vadd.scan.msk.f32 $0xffff, v10  }
0x36e: {  	s31 =	sand.u32 $0xFF80, s9;
	v26 =	vld [tilespmem:s28+$0xFFFFFFE0];
	s4 =	sand.u32 $0x60, s4;
	s6 =	spop (v2sf)  }
0x36f: {  	s25 =	smov.u32 s15;
	v35 =	vmul.f32 v15, v15;
	s1 =	sor.u32 s4, s31;
	v32 =	vadd.f32 v11, v28;
	v28 =	vld [tilespmem:s0+$0x5300];
	(xrf2) =	vadd.scan.msk.f32 $0xffff, v9;
	s15 =	sshll.u32 s6, $0x2  }
0x370: {  	v17 =	vmul.f32 v18, v18;
	v30 =	vmul.f32 v23, v23;
	v38 =	vld [tilespmem:s1+$0x5300];
	s0 =	ssub.s32 $0x0, s15  }
0x371: {  	v36 =	vmul.f32 v2, v2;
	v37 =	vmul.f32 v3, v3;
	v10 =	vld [tilespmem:s28+$0xFFFFFF00];
	s0 =	sshra.s32 s0, $0x2;
	s6 =	spop (v2sf)  }
0x372: {  	v44 =	vmul.f32 v22, v22;
	v47 =	vmul.f32 v7, v7;
	v34, _, _ =	vpop (xrf2);
	v11 =	vld [tilespmem:s28+$0xFFFFFEF0];
	(xrf2) =	vadd.scan.msk.f32 $0xffff, v29;
	s4 =	sshll.u32 s6, $0x2;
	s1 =	sadd.s32 s0, s28;
	s9 =	spop (v2sf)  }
0x373: {  	v58 =	vmul.f32 v26, v26;
	v43 =	vmul.f32 v8, v8;
	s4 =	ssub.s32 $0x0, s4;
	v39 =	vld [tilespmem:s1+$0xFFFFFFC0];
	s0 =	sshll.u32 s9, $0x2  }
0x374: {  	v29 =	vmul.f32 v31, v31;
	v48 =	vmul.f32 v28, v28;
	v59 =	vld [tilespmem:s1+$0xFFFFFFD0];
	s4 =	sshra.s32 s4, $0x2;
	s15 =	spop (v2sf);
	s31 =	ssub.s32 $0x0, s0  }
0x375: {  	v24 =	vmul.f32 v5, v5;
	v17 =	vadd.f32 v35, v17;
	v30 =	vadd.f32 v47, v30;
	v46 =	vld [tilespmem:s1+$0xFFFFFFE0];
	s6 =	sshll.u32 s15, $0x2;
	s0 =	sadd.s32 s4, s28;
	s15 =	sshra.s32 s31, $0x2  }
0x376: {  	v54 =	vmul.f32 v4, v4;
	v40 =	vadd.f32 v43, v58;
	v9, _, _ =	vpop (xrf2);
	(xrf2) =	vadd.scan.msk.f32 $0xffff, v14;
	v29 =	vadd.f32 v29, v48;
	v14 =	vld [tilespmem:s0+$0xFFFFFED0];
	s15 =	sadd.s32 s15, s28  }
0x377: {  	v57 =	vmul.f32 v27, v27;
	v60 =	vadd.f32 v24, v44;
	v24 =	vmul.f32 v38, v38;
	v42, _, _ =	vpop (xrf2);
	v62 =	vld [tilespmem:s15+$0xFFFFFF20]  }
0x378: {  	v45 =	vmul.f32 v10, v10;
	v61 =	vmul.f32 v11, v11;
	v29 =	vadd.f32 v40, v29;
	s6 =	ssub.s32 $0x0, s6;
	[tilespmem:s24+$0xC603] =	vst.msk vm0, v42;
	v63 =	vld [tilespmem:s15+$0xFFFFFF30]  }
0x379: {  	v49 =	vadd.f32 v57, v24;
	(xrf2) =	vadd.scan.msk.f32 $0xffff, v13;
	v13, _, _ =	vpop (xrf2);
	s31 =	sshra.s32 s6, $0x2;
	[tilespmem:s24+$0xC783] =	vst.msk vm0, v19;
	v50 =	vmul.f32 v59, v31;
	v55 =	vld [tilespmem:s15+$0xFFFFFF40]  }
0x37a: {  	v31 =	vmul.f32 v59, v59;
	v51 =	vmul.f32 v39, v28;
	[tilespmem:s24+$0xC602] =	vst.msk vm0, v13;
	v13 =	vadd.f32 v45, v61;
	v56 =	vld [tilespmem:s15+$0xFFFFFF50];
	s9 =	sadd.s32 s31, s28  }
0x37b: {  	v19 =	vmul.f32 v46, v26;
	v26 =	vadd.f32 v29, v54;
	v61 =	vmul.f32 v39, v39;
	v33 =	vld [tilespmem:s9+$0xFFFFFF70];
	[tilespmem:s24+$0xC782] =	vst.msk vm0, v34  }
0x37c: {  	v29, _, _ =	vpop (xrf2);
	v59 =	vadd.f32 v13, v60;
	v58 =	vld [tilespmem:s9+$0xFFFFFF80];
	v24 =	vmul.f32 v14, v22;
	v22 =	vadd.f32 v30, v49  }
0x37d: {  	v13 =	vadd.f32 v17, v32;
	v17 =	vmul.f32 v46, v46;
	v28 =	vld [tilespmem:s9+$0xFFFFFF90];
	[tilespmem:s24+$0xC902] =	vst.msk vm0, v29;
	v57 =	vmul.f32 v62, v25  }
0x37e: {  	p0 =	slt.u32 s26, $0xE4;
	(xrf2) =	vadd.scan.msk.f32 $0xffff, v12;
	v25 =	vmul.f32 v62, v62;
	v60 =	vmul.f32 v63, v21;
	v12 =	vadd.f32 v22, v37;
	v37 =	vld [tilespmem:s9+$0xFFFFFFA0]  }
.Ltmp6:
0x37f: {  	v32 =	vld [tilespmem:s0+$0xFFFFFF00];
	v29 =	vmul.f32 v63, v63;
	v21 =	vadd.f32 v59, v36;
	v36 =	vmul.f32 v55, v18;
	(pc) =	sbr.rel @p0 .LBB2_15-.Ltmp6, $4  }
0x380: {  	(xrf2) =	vadd.scan.msk.f32 $0xffff, v16;
	v16 =	vadd.f32 v31, v61;
	v30 =	vld [tilespmem:s0+$0xFFFFFEE0];
	v62 =	vmul.f32 v55, v55;
	v63 =	vmul.f32 v56, v56  }
0x381: {  	v18, _, _ =	vpop (xrf2);
	v22 =	vld [tilespmem:s0+$0xFFFFFEF0];
	v40 =	vmul.f32 v56, v15;
	(xrf2) =	vadd.scan.msk.f32 $0xffff, v20;
	v38 =	vmul.f32 v33, v38;
	v34 =	vadd.f32 v60, v57  }
0x382: {  	v20 =	vld [tilespmem:s15+$0xFFFFFF60];
	[tilespmem:s24+$0xC903] =	vst.msk vm0, v18;
	v35 =	vmul.f32 v58, v58;
	v39 =	vmul.f32 v28, v23;
	v23 =	vadd.f32 v50, v51  }
0x383: {  	s30 =	sadd.s32 $0x10, s30;
	v31 =	vld [tilespmem:s1+$0xFFFFFFF0];
	v15 =	vadd.f32 v63, v62;
	v41 =	vmul.f32 v58, v27;
	v18, _, _ =	vpop (xrf2);
	v27 =	vmul.f32 v37, v37  }
0x384: {  	v1 =	vmul.f32 v37, v7;
	v7 =	vmul.f32 v33, v33  }
0x385: {  	v36 =	vadd.f32 v40, v36;
	v10 =	vmul.f32 v32, v10;
	v57 =	vmul.f32 v28, v28  }
0x386: {  	v56 =	vld [tilespmem:s28+$0xFFFFFF60];
	v59 =	vmul.f32 v32, v32;
	v38 =	vadd.f32 v41, v38;
	v11 =	vmul.f32 v22, v11  }
0x387: {  	v55 =	vld [tilespmem:s1+$0x0];
	v5 =	vmul.f32 v30, v5;
	v58 =	vmul.f32 v30, v30;
	v1 =	vadd.f32 v1, v39  }
0x388: {  	v8 =	vmul.f32 v31, v8;
	v10 =	vadd.f32 v10, v11;
	v11 =	vmul.f32 v14, v14;
	v14 =	vld [tilespmem:s9+$0xFFFFFFB0]  }
0x389: {  	(xrf2) =	vadd.scan.msk.f32 $0xffff, v26;
	v7 =	vadd.f32 v35, v7;
	v63 =	vmul.f32 v22, v22;
	v5 =	vadd.f32 v5, v24  }
0x38a: {  	(xrf2) =	vadd.scan.msk.f32 $0xffff, v21;
	v24 =	vadd.f32 v27, v57;
	v62 =	vmul.f32 v31, v31;
	v8 =	vadd.f32 v8, v19  }
0x38b: {  	v61 =	vld [tilespmem:s0+$0xFFFFFF10];
	(xrf2) =	vadd.scan.msk.f32 $0xffff, v12;
	v1 =	vadd.f32 v1, v38;
	v12 =	vadd.f32 v59, v63;
	v60 =	vmul.f32 v56, v56  }
0x38c: {  	v4 =	vmul.f32 v55, v4;
	v7 =	vadd.f32 v24, v7;
	v8 =	vadd.f32 v8, v23  }
0x38d: {  	v17 =	vadd.f32 v62, v17;
	v13 =	vadd.f32 v13, v60;
	v3 =	vmul.f32 v14, v3  }
0x38e: {  	v11 =	vadd.f32 v58, v11;
	v4 =	vadd.f32 v8, v4;
	v8 =	vmul.f32 v14, v14  }
0x38f: {  	(xrf2) =	vadd.scan.msk.f32 $0xffff, v13;
	v13 =	vmul.f32 v55, v55;
	v14 =	vadd.f32 v17, v16;
	v1 =	vadd.f32 v1, v3  }
0x390: {  	v3 =	vmul.f32 v61, v61;
	(xrf2) =	vadd.scan.msk.f32 $0xffff, v4;
	v4 =	vadd.f32 v7, v8;
	v7 =	vadd.f32 v12, v11  }
0x391: {  	v2 =	vmul.f32 v61, v2;
	v5 =	vadd.f32 v10, v5;
	v8 =	vadd.f32 v36, v34  }
0x392: {  	v11 =	vmul.f32 v20, v56;
	v12 =	vadd.f32 v14, v13;
	(xrf2) =	vadd.scan.msk.f32 $0xffff, v1;
	v3 =	vadd.f32 v7, v3  }
0x393: {  	v1, _, _ =	vpop (xrf2);
	(xrf2) =	vadd.scan.msk.f32 $0xffff, v4  }
0x394: {  	v2 =	vadd.f32 v5, v2;
	v7 =	vadd.f32 v8, v11;
	v4, _, _ =	vpop (xrf2);
	(xrf2) =	vadd.scan.msk.f32 $0xffff, v12  }
0x395: {  	v8 =	vadd.f32 v29, v25;
	[tilespmem:s24+$0xC601] =	vst.msk vm0, v1;
	v1, _, _ =	vpop (xrf2);
	(xrf2) =	vadd.scan.msk.f32 $0xffff, v3  }
0x396: {  	[tilespmem:s24+$0xC600] =	vst.msk vm0, v4;
	v3, _, _ =	vpop (xrf2);
	(xrf2) =	vadd.scan.msk.f32 $0xffff, v7  }
0x397: {  	v5 =	vmul.f32 v20, v20;
	v4 =	vadd.f32 v15, v8;
	[tilespmem:s24+$0xC780] =	vst.msk vm0, v6;
	v6, _, _ =	vpop (xrf2);
	(xrf2) =	vadd.scan.msk.f32 $0xffff, v2  }
0x398: {  	[tilespmem:s24+$0xC781] =	vst.msk vm0, v9;
	v2, _, _ =	vpop (xrf2)  }
0x399: {  	[tilespmem:s24+$0xC901] =	vst.msk vm0, v1;
	v4 =	vadd.f32 v4, v5;
	v7, _, _ =	vpop (xrf2)  }
0x39a: {  	[tilespmem:s24+$0xC900] =	vst.msk vm0, v18;
	v1, _, _ =	vpop (xrf2)  }
0x39b: {  	(xrf2) =	vadd.scan.msk.f32 $0xffff, v4;
	[tilespmem:s25+$0xC603] =	vst.msk vm0, v1  }
0x39c: {  	v1, _, _ =	vpop (xrf2);
	[tilespmem:s25+$0xC783] =	vst.msk vm0, v3  }
0x39d: {  	[tilespmem:s25+$0xC602] =	vst.msk vm0, v1;
	v3, _, _ =	vpop (xrf2)  }
0x39e: {  	[tilespmem:s25+$0xC782] =	vst.msk vm0, v2;
	v1, _, _ =	vpop (xrf2)  }
0x39f: {  	[tilespmem:s25+$0xC902] =	vst.msk vm0, v3;
	v2, _, _ =	vpop (xrf2)  }
0x3a0: {  	[tilespmem:s25+$0xC903] =	vst.msk vm0, v1;
	v1, _, _ =	vpop (xrf2)  }
0x3a1: {  	[tilespmem:s25+$0xC601] =	vst.msk vm0, v1;
	v1, _, _ =	vpop (xrf2)  }
0x3a2: {  	[tilespmem:s25+$0xC600] =	vst.msk vm0, v1  }
0x3a3: {  	[tilespmem:s25+$0xC781] =	vst.msk vm0, v7  }
0x3a4: {  	[tilespmem:s25+$0xC780] =	vst.msk vm0, v6  }
0x3a5: {  	v1, _, _ =	vpop (xrf2);
	[tilespmem:s25+$0xC900] =	vst.msk vm0, v2  }
0x3a6: {  	s29 =	simm.s32 $0xC910;
	[tilespmem:s25+$0xC901] =	vst.msk vm0, v1  }
0x3a7: {  	s15 =	simm.s32 $0xC790;
	v2 =	vld [tilespmem:s29+$0x0]  }
0x3a8: {  	v3 =	vld [tilespmem:s15+$0x0];
	_ =	sdelay $0x1  }
0x3a9: {  	v1 =	vld [tilespmem:s15+$0xFFFFFFF0]  }
0x3aa: {  	v4 =	vld [tilespmem:s29+$0xFFFFFFF0];
	_ =	sdelay $0x1  }
0x3ab: {  	v2 =	vmul.f32 v2, v3  }
0x3ac: {  	s4 =	simm.s32 $0xC7B0  }
0x3ad: {  	s6 =	simm.s32 $0xC930;
	v7 =	vld [tilespmem:s4+$0x0];
	v2 =	vadd.f32 $9.999999710e-10, v2  }
0x3ae: {  	v9 =	vld [tilespmem:s6+$0xFFFFFFF0];
	v1 =	vmul.f32 v4, v1  }
0x3af: {  	v3 =	vld [tilespmem:s4+$0xFFFFFFF0];
	v4 =	vshra.s32 v2, $0x1;
	v5 =	vmul.f32 $5.000000000e-01, v2  }
0x3b0: {  	v1 =	vadd.f32 $9.999999710e-10, v1;
	v2 =	vld [tilespmem:s6+$0x0];
	v4 =	vsub.s32 $0x5F3759DF, v4  }
0x3b1: {  	v8 =	vmul.f32 v4, v5  }
0x3b2: {  	v6 =	vshra.s32 v1, $0x1;
	v1 =	vmul.f32 $5.000000000e-01, v1  }
0x3b3: {  	v6 =	vsub.s32 $0x5F3759DF, v6;
	v8 =	vmul.f32 v4, v8  }
0x3b4: {  	v3 =	vmul.f32 v9, v3;
	v10 =	vmul.f32 v6, v1  }
0x3b5: {  	v2 =	vmul.f32 v2, v7;
	v8 =	vsub.f32 $1.500000000e+00, v8  }
0x3b6: {  	v3 =	vadd.f32 $9.999999710e-10, v3;
	v10 =	vmul.f32 v6, v10  }
0x3b7: {  	s30 =	simm.s32 $0xC7D0;
	v2 =	vadd.f32 $9.999999710e-10, v2;
	v4 =	vmul.f32 v4, v8  }
0x3b8: {  	s31 =	simm.s32 $0xC950;
	v12 =	vld [tilespmem:s30+$0x0];
	v11 =	vshra.s32 v3, $0x1;
	v7 =	vsub.f32 $1.500000000e+00, v10  }
0x3b9: {  	v14 =	vld [tilespmem:s31+$0xFFFFFFF0];
	v8 =	vshra.s32 v2, $0x1;
	v2 =	vmul.f32 $5.000000000e-01, v2;
	v9 =	vmul.f32 v4, v5  }
0x3ba: {  	v3 =	vmul.f32 $5.000000000e-01, v3;
	v10 =	vld [tilespmem:s31+$0x0];
	v6 =	vmul.f32 v6, v7;
	v8 =	vsub.s32 $0x5F3759DF, v8  }
0x3bb: {  	v11 =	vsub.s32 $0x5F3759DF, v11;
	v7 =	vld [tilespmem:s30+$0xFFFFFFF0];
	v13 =	vmul.f32 v8, v2;
	v9 =	vmul.f32 v9, v4  }
0x3bc: {  	v16 =	vmul.f32 v11, v3;
	v15 =	vmul.f32 v6, v1  }
0x3bd: {  	v13 =	vmul.f32 v8, v13;
	v9 =	vsub.f32 $1.500000000e+00, v9  }
0x3be: {  	v16 =	vmul.f32 v11, v16;
	v15 =	vmul.f32 v15, v6  }
0x3bf: {  	v13 =	vsub.f32 $1.500000000e+00, v13;
	v4 =	vmul.f32 v9, v4;
	v9 =	vmul.f32 v10, v12  }
0x3c0: {  	v7 =	vmul.f32 v14, v7;
	v14 =	vsub.f32 $1.500000000e+00, v16;
	v12 =	vsub.f32 $1.500000000e+00, v15  }
0x3c1: {  	v10 =	vmul.f32 v8, v13;
	v16 =	vmul.f32 v4, v5;
	v5 =	vadd.f32 $9.999999710e-10, v9  }
0x3c2: {  	s1 =	sadd.s32 $0xB600, s23;
	s0 =	simm.s32 $0x10;
	s23 =	simm.s32 $0xC610;
	v9 =	vadd.f32 $9.999999710e-10, v7;
	v7 =	vmul.f32 v11, v14;
	v6 =	vmul.f32 v12, v6  }
0x3c3: {  	s26 =	simm.s32 $0xC7F0;
	s28 =	simm.s32 $0xC970;
	s24 =	simm.s32 $0x0;
	v14 =	vmul.f32 v10, v2;
	v15 =	vshra.s32 v5, $0x1;
	v8 =	vmul.f32 $5.000000000e-01, v5;
	v5 =	vld [tilespmem:s23+$0xFFFFFFF0]  }
0x3c4: {  	s9 =	sand.u32 $0x80, s24;
	s25 =	simm.s32 $0x10;
	s15 =	simm.s32 $0x4;
	v11 =	vmul.f32 v16, v4;
	v13 =	vshra.s32 v9, $0x1;
	v12 =	vmul.f32 $5.000000000e-01, v9;
	v9 =	vld [tilespmem:s23+$0x0]  }
.LBB2_17:
0x3c5: {  	v16 =	vld [tilespmem:s26+$0xFFFFFFF0];
	s15 =	sadd.s32 $0x2, s15;
	v15 =	vsub.s32 $0x5F3759DF, v15;
	v17 =	vmul.f32 v7, v3;
	v18 =	vmul.f32 v6, v1;
	s0 =	sadd.s32 $0x20, s0;
	s23 =	sadd.s32 $0x20, s23;
	v1 =	vmovc v3  }
0x3c6: {  	v19 =	vld [tilespmem:s28+$0x0];
	p0 =	slt.u32 s15, $0xC;
	v20 =	vmul.f32 v15, v8;
	s4 =	sadd.s32 $0xFFFFFFF0, s0;
	v14 =	vmul.f32 v14, v10;
	v3 =	vmov v12  }
0x3c7: {  	v11 =	vsub.f32 $1.500000000e+00, v11;
	v12 =	vld [tilespmem:s26+$0x0];
	v17 =	vmul.f32 v17, v7;
	s6 =	sand.u32 $0x80, s4;
	v18 =	vmul.f32 v18, v6  }
0x3c8: {  	v13 =	vsub.s32 $0x5F3759DF, v13;
	v21 =	vld [tilespmem:s28+$0xFFFFFFF0];
	v20 =	vmul.f32 v15, v20;
	v14 =	vsub.f32 $1.500000000e+00, v14  }
0x3c9: {  	s29 =	sand.u32 $0x60, s24;
	s30 =	sadd.s32 s9, s1;
	v22 =	vmul.f32 v13, v3;
	v11 =	vmul.f32 v11, v4;
	s24 =	smov.u32 s4;
	v18 =	vsub.f32 $1.500000000e+00, v18  }
0x3ca: {  	s4 =	sadd.s32 s29, s30;
	s9 =	smov.u32 s6;
	v17 =	vsub.f32 $1.500000000e+00, v17;
	v20 =	vsub.f32 $1.500000000e+00, v20;
	v4 =	vmul.f32 v14, v10  }
0x3cb: {  	v10 =	vmul.f32 v13, v22;
	v6 =	vmul.f32 v18, v6  }
0x3cc: {  	s6 =	sand.u32 $0x70, s25;
	s25 =	smov.u32 s0;
	v9 =	vmul.f32 v11, v9;
	v12 =	vmul.f32 v19, v12  }
.Ltmp7:
0x3cd: {  	s6 =	sadd.s32 s6, s30;
	v14 =	vsub.f32 $1.500000000e+00, v10;
	v11 =	vmul.f32 v21, v16;
	v16 =	vmul.f32 v4, v2;
	v2 =	vmovc v8;
	(pc) =	sbr.rel @p0 .LBB2_17-.Ltmp7, $4  }
0x3ce: {  	v10 =	vmul.f32 v15, v20;
	v8 =	vadd.f32 $9.999999710e-10, v12;
	v12 =	vmul.f32 v6, v5;
	[tilespmem:s6+$0x0] =	vst v9  }
0x3cf: {  	v6 =	vmul.f32 v17, v7;
	v7 =	vmul.f32 v13, v14;
	v9 =	vadd.f32 $9.999999710e-10, v11  }
0x3d0: {  	v11 =	vmul.f32 v16, v4;
	v15 =	vshra.s32 v8, $0x1;
	v8 =	vmul.f32 $5.000000000e-01, v8;
	v5 =	vld [tilespmem:s23+$0xFFFFFFF0];
	[tilespmem:s4+$0x0] =	vst v12  }
0x3d1: {  	s26 =	sadd.s32 $0x20, s26;
	s28 =	sadd.s32 $0x20, s28;
	v14 =	vmul.f32 v10, v2;
	v13 =	vshra.s32 v9, $0x1;
	v12 =	vmul.f32 $5.000000000e-01, v9;
	v9 =	vld [tilespmem:s23+$0x0]  }
0x3d2: {  	v15 =	vsub.s32 $0x5F3759DF, v15  }
0x3d3: {  	v13 =	vsub.s32 $0x5F3759DF, v13;
	v16 =	vmul.f32 v15, v8  }
0x3d4: {  	v17 =	vmul.f32 v13, v12  }
0x3d5: {  	v16 =	vmul.f32 v15, v16  }
0x3d6: {  	v17 =	vmul.f32 v13, v17  }
0x3d7: {  	v16 =	vsub.f32 $1.500000000e+00, v16  }
0x3d8: {  	v17 =	vsub.f32 $1.500000000e+00, v17  }
0x3d9: {  	v15 =	vmul.f32 v15, v16  }
0x3da: {  	v50 =	vmul.f32 v7, v3;
	v13 =	vmul.f32 v13, v17  }
0x3db: {  	v14 =	vmul.f32 v14, v10;
	v51 =	vmul.f32 v15, v8  }
0x3dc: {  	v16 =	vmul.f32 v50, v7;
	v18 =	vmul.f32 v13, v12  }
0x3dd: {  	v14 =	vsub.f32 $1.500000000e+00, v14;
	v17 =	vmul.f32 v51, v15  }
0x3de: {  	v1 =	vmul.f32 v6, v1;
	v16 =	vsub.f32 $1.500000000e+00, v16;
	v18 =	vmul.f32 v18, v13  }
0x3df: {  	v52 =	vmul.f32 v14, v10;
	v53 =	vsub.f32 $1.500000000e+00, v17  }
0x3e0: {  	v1 =	vmul.f32 v1, v6;
	v54 =	vmul.f32 v16, v7;
	v55 =	vsub.f32 $1.500000000e+00, v18  }
0x3e1: {  	v2 =	vmul.f32 v52, v2;
	v14 =	vmul.f32 v53, v15  }
0x3e2: {  	v3 =	vmul.f32 v54, v3;
	v13 =	vmul.f32 v55, v13  }
0x3e3: {  	s4 =	sadd.s32 $0x20, s23;
	v11 =	vsub.f32 $1.500000000e+00, v11;
	v2 =	vmul.f32 v2, v52;
	v56 =	vmul.f32 v14, v8  }
0x3e4: {  	v57 =	vld [tilespmem:s4+$0x0];
	v1 =	vsub.f32 $1.500000000e+00, v1;
	v3 =	vmul.f32 v3, v54;
	v58 =	vmul.f32 v13, v12  }
0x3e5: {  	v59 =	vld [tilespmem:s4+$0xFFFFFFF0];
	s4 =	sadd.s32 $0x20, s4;
	v4 =	vmul.f32 v11, v4;
	v2 =	vsub.f32 $1.500000000e+00, v2;
	v8 =	vmul.f32 v56, v14  }
0x3e6: {  	s0 =	sadd.s32 $0x20, s0;
	s30 =	sand.u32 $0x60, s24;
	s9 =	sadd.s32 s9, s1;
	v60 =	vld [tilespmem:s4+$0x0];
	v1 =	vmul.f32 v1, v6;
	v3 =	vsub.f32 $1.500000000e+00, v3;
	v12 =	vmul.f32 v58, v13  }
0x3e7: {  	s31 =	sand.u32 $0x70, s25;
	s6 =	sadd.s32 $0xFFFFFFF0, s0;
	s23 =	sadd.s32 s30, s9;
	v61 =	vld [tilespmem:s4+$0xFFFFFFF0];
	v4 =	vmul.f32 v4, v9;
	v2 =	vmul.f32 v2, v52;
	v8 =	vsub.f32 $1.500000000e+00, v8  }
0x3e8: {  	s9 =	sadd.s32 s31, s9;
	s25 =	sadd.s32 $0x20, s0;
	s15 =	sand.u32 $0x80, s6;
	v1 =	vmul.f32 v1, v5;
	v3 =	vmul.f32 v3, v54;
	v62 =	vsub.f32 $1.500000000e+00, v12  }
0x3e9: {  	s0 =	sand.u32 $0x70, s0;
	s26 =	sadd.s32 $0xFFFFFFF0, s25;
	s15 =	sadd.s32 s15, s1;
	[tilespmem:s9+$0x0] =	vst v4;
	v2 =	vmul.f32 v2, v57;
	v63 =	vmul.f32 v8, v14  }
0x3ea: {  	s6 =	sand.u32 $0x60, s6;
	s28 =	sand.u32 $0x80, s26;
	s0 =	sadd.s32 s0, s15;
	[tilespmem:s23+$0x0] =	vst v1;
	v1 =	vmul.f32 v3, v59;
	v3 =	vmul.f32 v62, v13  }
0x3eb: {  	s30 =	sand.u32 $0x70, s25;
	s6 =	sadd.s32 s6, s15;
	s29 =	sadd.s32 s28, s1;
	[tilespmem:s0+$0x0] =	vst v2;
	v2 =	vmul.f32 v63, v60  }
0x3ec: {  	s31 =	sand.u32 $0x60, s26;
	s1 =	sadd.s32 s30, s29;
	[tilespmem:s6+$0x0] =	vst v1;
	v1 =	vmul.f32 v3, v61  }
0x3ed: {  	s0 =	sadd.s32 s31, s29;
	[tilespmem:s1+$0x0] =	vst v2  }
0x3ee: {  	[tilespmem:s0+$0x0] =	vst v1  }
0x3ef: {  	v1 =	vld [tilespmem:$0xC860]  }
0x3f0: {  	v2 =	vld [tilespmem:$0xC9E0];
	_ =	sdelay $0x4  }
0x3f1: {  	v1 =	vmul.f32 v2, v1;
	_ =	sdelay $0x1  }
0x3f2: {  	v1 =	vadd.f32 $9.999999710e-10, v1;
	_ =	sdelay $0x1  }
0x3f3: {  	v2 =	vshra.s32 v1, $0x1;
	v1 =	vmul.f32 $5.000000000e-01, v1  }
0x3f4: {  	v2 =	vsub.s32 $0x5F3759DF, v2  }
0x3f5: {  	v3 =	vmul.f32 v2, v1;
	_ =	sdelay $0x1  }
0x3f6: {  	v3 =	vmul.f32 v2, v3;
	_ =	sdelay $0x1  }
0x3f7: {  	v3 =	vsub.f32 $1.500000000e+00, v3;
	_ =	sdelay $0x1  }
0x3f8: {  	v2 =	vmul.f32 v2, v3;
	_ =	sdelay $0x1  }
0x3f9: {  	v3 =	vmul.f32 v2, v1;
	_ =	sdelay $0x1  }
0x3fa: {  	v3 =	vmul.f32 v3, v2;
	_ =	sdelay $0x1  }
0x3fb: {  	v3 =	vsub.f32 $1.500000000e+00, v3;
	_ =	sdelay $0x1  }
0x3fc: {  	v2 =	vmul.f32 v3, v2;
	_ =	sdelay $0x1  }
0x3fd: {  	v1 =	vmul.f32 v2, v1;
	_ =	sdelay $0x1  }
0x3fe: {  	v1 =	vmul.f32 v1, v2  }
0x3ff: {  	v3 =	vld [tilespmem:$0xC6E0]  }
0x400: {  	v1 =	vsub.f32 $1.500000000e+00, v1  }
0x401: {  	p0 =	sne.s32 s21, $0x4  }
.Ltmp8:
0x402: {  	v1 =	vmul.f32 v1, v2;
	(pc) =	sbr.rel @p0 .LBB2_2-.Ltmp8, $4  }
0x403: {  	_ = 	snop  }
0x404: {  	v1 =	vmul.f32 v1, v3  }
0x405: {  	s17 =	sadd.s32 $0x400, s17  }
0x406: {  	s18 =	sadd.s32 $0x400, s18;
	s19 =	sadd.s32 $0x400, s19;
	s20 =	sadd.s32 $0x400, s20;
	[tilespmem:s22+$0xB9E0] =	vst v1  }
0x407: {  	_ =	swait.ge [sflag:s13], $0x5000;
	s16 =	sadd.s32 $0x1, s16  }
0x408: {  	[sflag:s13] =	ssyncset.done $0x0;
	p0 =	sne.s32 s16, s8  }
.Ltmp9:
0x409: {  	s0 =	simm.s32 $0xB600;
	[sflag:s13] =	ssyncadd.s32 $0xFFFFB000;
	(pc) =	sbr.rel @p0 .LBB2_1-.Ltmp9, $4  }
0x40a: {  	[hbm4b:s7+s3] =	stream.linear.scatter [tilespmem:s0], [sflag:$0x3], $0x1000, $0x38;
	[tilespmem:$0xCA80] =	vst v63  }
0x40b: {  	_ =	swait.ge [sflag:s10], $0x1000  }
0x40c: {  	[sflag:s10] =	ssyncset.done $0x0  }
0x40d: {  	[sflag:s10] =	ssyncadd.s32 $0xFFFFF000  }
0x40e: {  	_ =	sfence.sel $0x180000  }
0x40f: {  	[bflag:$0x0] =	sbarrier.arrive $0xFFFF  }
0x410: {  	_ =	strace $0x90000047  }
0x411: {  	s0 =	stileid.u32;
	[bflag:$0x2] =	sbarrier.arrive $0xFFFF  }
0x412: {  	p0 =	sne.s32 s0, $0x0;
	s0 =	rddreg [dreg:$0x2]  }
0x413: {  	s0 =	sadd.s32 @!p0 $0x100000, s0  }
0x414: {  	[sflag:s0] =	ssyncadd.tile.s32 @!p0 $0x1;
	_ =	shalt  }
.Lfunc_end2:
_tile_overlayer_lowered:
.L_overlay_start_2:
0x415: {  	(tag) =	ssettag $0x2  }
0x416: {  	s0 =	rddreg [dreg:$0x0];
	s2 =	stileid.u32  }
0x417: {  	s1 =	rddreg [dreg:$0x1];
	p0 =	sne.s32 s2, $0x0  }
0x418: {  	s3 =	rddreg [dreg:$0x2];
	[bflag:$0x3] =	sbarrier.arrive $0xFFFF;
	s2 =	simm.s32 @!p0 $0x1C03  }
0x419: {  	[timem:s3], [sflag:s2] =	dma.local @!p0 [hbm:s0], s1  }
0x41a: {  	s0 =	simm.s32 @!p0 $0x3  }
0x41b: {  	_ =	swait.ge @!p0 [sflag:s0], s1  }
0x41c: {  	s1 =	ssub.s32 @!p0 $0x0, s1;
	[sflag:s0] =	ssyncset.done @!p0 $0x0  }
0x41d: {  	[sflag:s0] =	ssyncadd.s32 @!p0 s1  }
0x41e: {  	[bflag:$0x3] =	sbarrier.arrive $0xFFFF  }
0x41f: {  	_ =	shalt  }

</sc_bundles>
